<compile_context>
chip_gen: v7x
topology: tpu7x:2x2x1
jax: 0.10.2.dev20260603
libtpu: 0.0.44.dev20260713+nightly
codegen_flags: <defaults>
</compile_context>

<pallas_src>
import functools

import jax
import jax.numpy as jnp
from jax import lax
from jax.experimental import pallas as pl
from jax.experimental.pallas import tpu as pltpu
from jax.experimental.pallas import tpu_sc as plsc

N = 10000
D = 128
E = 320000

NC = 2
NS = 16
NW = NC * NS
EPW = E // NW
CH = 128
NCH = 80
PAD = NCH * CH - EPW
NPAD = N + NS
RPT = N // NS
DEGL = 16


def _zero_rows(buf, nrows, ncols, dtype=jnp.float32):
  lanes = 32 if dtype == jnp.bfloat16 else 16
  z = jnp.zeros((lanes,), dtype)

  def body(r, _):
    for j in range(ncols // lanes):
      buf[r, pl.ds(j * lanes, lanes)] = z
    return 0

  lax.fori_loop(0, nrows, body, 0)


def _sc_mesh():
  return plsc.VectorSubcoreMesh(
      core_axis_name="c", subcore_axis_name="s", num_cores=NC, num_subcores=NS
  )


def _deg_body(ei_hbm, deg_out, idx_v, ones_v, acc_sh, sem):
  c = lax.axis_index("c")
  s = lax.axis_index("s")
  w = c * NS + s

  _zero_rows(ones_v, RPT, DEGL)
  pltpu.sync_copy(ones_v, acc_sh.at[pl.ds(s * RPT, RPT)])
  one = jnp.full((16,), 1.0, jnp.float32)

  def fill(r, _):
    ones_v[r, :] = one
    return 0

  lax.fori_loop(0, CH, fill, 0)
  pltpu.sync_copy(ei_hbm.at[1, w], idx_v)
  plsc.subcore_barrier()

  def chunk(g, _):
    pltpu.async_copy(
        ones_v.at[pl.ds(0, CH)], acc_sh.at[idx_v.at[g]], sem, add=True
    )
    return 0

  lax.fori_loop(0, NCH, chunk, 0)

  def drain(g, _):
    pltpu.make_async_copy(
        ones_v.at[pl.ds(0, CH)], acc_sh.at[idx_v.at[g]], sem
    ).wait()
    return 0

  lax.fori_loop(0, NCH, drain, 0)
  plsc.subcore_barrier()
  pltpu.sync_copy(
      acc_sh.at[pl.ds(s * RPT, RPT)], deg_out.at[c, pl.ds(s * RPT, RPT)]
  )


@functools.cache
def _deg_kernel():
  return pl.kernel(
      _deg_body,
      out_type=jax.ShapeDtypeStruct((NC, N, DEGL), jnp.float32),
      mesh=_sc_mesh(),
      scratch_types=[
          pltpu.VMEM((NCH, CH), jnp.int32),
          pltpu.VMEM((RPT, DEGL), jnp.float32),
          pltpu.VMEM_SHARED((NPAD, DEGL), jnp.float32),
          pltpu.SemaphoreType.DMA,
      ],
      compiler_params=pltpu.CompilerParams(use_tc_tiling_on_sc=False),
  )


def _agg_body(h2_hbm, ei_hbm, s_out, src_v, dst_v, rows0, rows1,
              rows2, fb_v, acc_sh, gs0, gs1, gs2, ss0, ss1, ss2):
  c = lax.axis_index("c")
  s = lax.axis_index("s")
  w = c * NS + s

  def gather(g, buf, sem):
    pltpu.async_copy(h2_hbm.at[src_v.at[g]], buf, sem)

  def gather_wait(g, buf, sem):
    pltpu.make_async_copy(h2_hbm.at[src_v.at[g]], buf, sem).wait()

  def scatter(g, buf, sem):
    pltpu.async_copy(buf, acc_sh.at[dst_v.at[g]], sem, add=True)

  def scatter_wait(g, buf, sem):
    pltpu.make_async_copy(buf, acc_sh.at[dst_v.at[g]], sem).wait()

  @pl.when(c == 0)
  def _():
    pltpu.sync_copy(
        h2_hbm.at[pl.ds(s * RPT, RPT)], acc_sh.at[pl.ds(s * RPT, RPT)]
    )

  @pl.when(c != 0)
  def _():
    _zero_rows(rows0, CH, D, jnp.bfloat16)
    for i in range(RPT // CH):
      pltpu.sync_copy(rows0, acc_sh.at[pl.ds(s * RPT + i * CH, CH)])
    if RPT % CH:
      pltpu.sync_copy(
          rows0.at[pl.ds(0, RPT % CH)],
          acc_sh.at[pl.ds(s * RPT + (RPT // CH) * CH, RPT % CH)],
      )

  pltpu.sync_copy(ei_hbm.at[0, w], src_v)
  pltpu.sync_copy(ei_hbm.at[1, w], dst_v)
  plsc.subcore_barrier()

  gather(0, rows0, gs0)
  gather(1, rows1, gs1)
  gather(2, rows2, gs2)

  def ring(k, _):
    g = 3 * k
    gather_wait(g, rows0, gs0)
    scatter(g, rows0, ss0)
    gather_wait(g + 1, rows1, gs1)
    scatter(g + 1, rows1, ss1)
    gather_wait(g + 2, rows2, gs2)
    scatter(g + 2, rows2, ss2)
    scatter_wait(g, rows0, ss0)
    gather(g + 3, rows0, gs0)
    scatter_wait(g + 1, rows1, ss1)
    gather(g + 4, rows1, gs1)
    scatter_wait(g + 2, rows2, ss2)
    gather(g + 5, rows2, gs2)
    return 0

  lax.fori_loop(0, (NCH - 5) // 3, ring, 0)
  g = NCH - 5
  gather_wait(g, rows0, gs0)
  scatter(g, rows0, ss0)
  gather_wait(g + 1, rows1, gs1)
  scatter(g + 1, rows1, ss1)
  gather_wait(g + 2, rows2, gs2)
  scatter(g + 2, rows2, ss2)
  scatter_wait(g, rows0, ss0)
  gather(g + 3, rows0, gs0)
  scatter_wait(g + 1, rows1, ss1)
  gather(g + 4, rows1, gs1)
  gather_wait(g + 3, rows0, gs0)
  scatter(g + 3, rows0, ss0)
  gather_wait(g + 4, rows1, gs1)
  scatter(g + 4, rows1, ss1)
  scatter_wait(g + 2, rows2, ss2)
  scatter_wait(g + 3, rows0, ss0)
  scatter_wait(g + 4, rows1, ss1)
  plsc.subcore_barrier()

  cw = RPT // 5
  evens = lax.iota(jnp.int32, 16) * 2
  for i in range(5):
    r0 = s * RPT + i * cw
    pltpu.sync_copy(acc_sh.at[pl.ds(r0, cw)], rows0.at[pl.ds(0, cw)])

    def conv(r, _):
      rvec = jnp.zeros((16,), jnp.int32) + r
      for j in range(D // 32):
        a, bvals = plsc.unpack(
            rows0[r, pl.ds(j * 32, 32)], format=plsc.PackFormat.INTERLEAVED
        )
        plsc.store_scatter(fb_v, [rvec, evens + (j * 32)], a)
        plsc.store_scatter(fb_v, [rvec, evens + (j * 32 + 1)], bvals)
      return 0

    lax.fori_loop(0, cw, conv, 0)
    pltpu.sync_copy(fb_v, s_out.at[c, pl.ds(r0, cw)])


@functools.cache
def _agg_kernel():
  return pl.kernel(
      _agg_body,
      out_type=jax.ShapeDtypeStruct((NC, N, D), jnp.float32),
      mesh=_sc_mesh(),
      scratch_types=[
          pltpu.VMEM((NCH, CH), jnp.int32),
          pltpu.VMEM((NCH, CH), jnp.int32),
          pltpu.VMEM((CH, D), jnp.bfloat16),
          pltpu.VMEM((CH, D), jnp.bfloat16),
          pltpu.VMEM((CH, D), jnp.bfloat16),
          pltpu.VMEM((N // NS // 5, D), jnp.float32),
          pltpu.VMEM_SHARED((NPAD, D), jnp.bfloat16),
          pltpu.SemaphoreType.DMA,
          pltpu.SemaphoreType.DMA,
          pltpu.SemaphoreType.DMA,
          pltpu.SemaphoreType.DMA,
          pltpu.SemaphoreType.DMA,
          pltpu.SemaphoreType.DMA,
      ],
      compiler_params=pltpu.CompilerParams(
          use_tc_tiling_on_sc=False, needs_layout_passes=False
      ),
  )


BM = 1000


def _mm_body(x_ref, w_ref, h_ref):
  h_ref[...] = jnp.dot(
      x_ref[...], w_ref[...], preferred_element_type=jnp.float32
  )


@functools.cache
def _mm_kernel():
  return pl.pallas_call(
      _mm_body,
      grid=(N // BM,),
      in_specs=[
          pl.BlockSpec((BM, D), lambda i: (i, 0)),
          pl.BlockSpec((D, D), lambda i: (0, 0)),
      ],
      out_specs=pl.BlockSpec((BM, D), lambda i: (i, 0)),
      out_shape=jax.ShapeDtypeStruct((N, D), jnp.float32),
  )


def _scale_body(h_ref, degp_ref, h2_ref, dis_ref):
  deg = degp_ref[0] + degp_ref[1] + 1.0
  dis = lax.rsqrt(deg)
  h2_ref[...] = (h_ref[...] * dis[:, :1]).astype(jnp.bfloat16)
  dis_ref[...] = dis


@functools.cache
def _scale_kernel():
  return pl.pallas_call(
      _scale_body,
      grid=(N // BM,),
      in_specs=[
          pl.BlockSpec((BM, D), lambda i: (i, 0)),
          pl.BlockSpec((NC, BM, DEGL), lambda i: (0, i, 0)),
      ],
      out_specs=[
          pl.BlockSpec((BM, D), lambda i: (i, 0)),
          pl.BlockSpec((BM, DEGL), lambda i: (i, 0)),
      ],
      out_shape=[
          jax.ShapeDtypeStruct((N, D), jnp.bfloat16),
          jax.ShapeDtypeStruct((N, DEGL), jnp.float32),
      ],
  )


def _final_body(sp_ref, dis_ref, x_ref, b_ref, g_ref, be_ref, o_ref):
  ssum = sp_ref[0] + sp_ref[1]
  g = dis_ref[:, :1] * ssum + b_ref[...]
  mu = jnp.mean(g, axis=-1, keepdims=True)
  var = jnp.mean((g - mu) ** 2, axis=-1, keepdims=True)
  ln = (g - mu) / jnp.sqrt(var + 1e-5) * g_ref[...] + be_ref[...]
  o_ref[...] = jnp.maximum(ln, 0.0) + x_ref[...]


@functools.cache
def _final_kernel():
  return pl.pallas_call(
      _final_body,
      grid=(N // BM,),
      in_specs=[
          pl.BlockSpec((NC, BM, D), lambda i: (0, i, 0)),
          pl.BlockSpec((BM, DEGL), lambda i: (i, 0)),
          pl.BlockSpec((BM, D), lambda i: (i, 0)),
          pl.BlockSpec((1, D), lambda i: (0, 0)),
          pl.BlockSpec((1, D), lambda i: (0, 0)),
          pl.BlockSpec((1, D), lambda i: (0, 0)),
      ],
      out_specs=pl.BlockSpec((BM, D), lambda i: (i, 0)),
      out_shape=jax.ShapeDtypeStruct((N, D), jnp.float32),
  )


@jax.jit
def kernel(x, edge_index, W, b, ln_gamma, ln_beta):
  ei = edge_index.astype(jnp.int32).reshape(2, NW, EPW)
  fill_src = (
      jnp.arange(NW, dtype=jnp.int32)[:, None] * 311
      + jnp.arange(PAD, dtype=jnp.int32)[None, :] * 37
  ) % N
  srcp = jnp.concatenate([ei[0], fill_src], axis=1)
  fill_dst = jnp.broadcast_to(
      N + (jnp.arange(NW, dtype=jnp.int32) % NS)[:, None], (NW, PAD)
  )
  dstp = jnp.concatenate([ei[1], fill_dst], axis=1)
  ei_p = jnp.stack([srcp, dstp]).reshape(2, NW, NCH, CH)

  h = _mm_kernel()(x, W)
  deg_part = _deg_kernel()(ei_p)
  h2, dis = _scale_kernel()(h, deg_part)
  s_part = _agg_kernel()(h2, ei_p)
  return _final_kernel()(
      s_part, dis, x,
      b.reshape(1, D), ln_gamma.reshape(1, D), ln_beta.reshape(1, D),
  )

# --- scband reference (transcript-rebuilt; emitter-appended) ---
"""Pipeline reference for scband-sem-gcnlayer-16192026706179 (READ-ONLY COPY).

The authoritative reference and input builder live on the scoring server;
editing this copy changes nothing except your own understanding.
"""

import jax, jax.numpy as jnp
import numpy as np

N = 10000
E = 320000
D = 128

def setup_inputs(seed: int = 0) -> dict:
    key = jax.random.key(seed)
    k1, k2, k3 = jax.random.split(key, 3)
    x = jax.random.normal(k1, (N, D), dtype=jnp.float32)
    edge_index = jax.random.randint(k2, (2, E), 0, N, dtype=jnp.int64)
    # GCNConv weight (glorot-ish) and bias
    W = jax.random.normal(k3, (D, D), dtype=jnp.float32) * (1.0 / np.sqrt(D))
    b = jnp.zeros((D,), dtype=jnp.float32)
    # LayerNorm params
    ln_gamma = jnp.ones((D,), dtype=jnp.float32)
    ln_beta = jnp.zeros((D,), dtype=jnp.float32)
    return {"x": x, "edge_index": edge_index, "W": W, "b": b, "ln_gamma": ln_gamma, "ln_beta": ln_beta}

def reference(x, edge_index, W, b, ln_gamma, ln_beta):
    n = x.shape[0]
    # residual: in_channels == out_channels -> Identity
    res = x
    # --- GCNConv with self-loops and symmetric normalization ---
    self_loops = jnp.arange(n, dtype=edge_index.dtype)
    src = jnp.concatenate([edge_index[0], self_loops])
    dst = jnp.concatenate([edge_index[1], self_loops])
    ones = jnp.ones(src.shape[0], dtype=x.dtype)
    deg = jnp.zeros((n,), dtype=x.dtype).at[dst].add(ones)
    deg_inv_sqrt = jnp.where(deg > 0, 1.0 / jnp.sqrt(deg), 0.0)
    norm = deg_inv_sqrt[src] * deg_inv_sqrt[dst]
    h = x @ W
    msg = h[src] * norm[:, None]
    agg = jax.ops.segment_sum(msg, dst, num_segments=n)
    gcn_out = agg + b
    # --- LayerNorm ---
    mu = jnp.mean(gcn_out, axis=-1, keepdims=True)
    var = jnp.mean((gcn_out - mu) ** 2, axis=-1, keepdims=True)
    ln = (gcn_out - mu) / jnp.sqrt(var + 1e-5) * ln_gamma + ln_beta
    # --- ReLU ---
    act = jnp.maximum(ln, 0.0)
    # --- Dropout(0.4) in eval mode -> identity ---
    return act + res

if __name__ == "__main__":
    import jax
    _d = setup_inputs()
    print(jax.jit(kernel)(*tuple(_d.values())))

</pallas_src>

<mosaic_0001>
#map = affine_map<(d0, d1) -> (0, 0, 0, 0)>
#map1 = affine_map<(d0, d1) -> (0, 0, 0)>
module attributes {stable_mosaic.version = 14 : i64} {
  func.func @_deg_body(%arg0: i32, %arg1: i32, %arg2: memref<2x32x80x128xi32, #tpu.memory_space<hbm>>, %arg3: memref<2x10000x16xf32, #tpu.memory_space<hbm>>, %arg4: memref<80x128xi32, #tpu.memory_space<vmem>>, %arg5: memref<625x16xf32, #tpu.memory_space<vmem>>, %arg6: memref<10016x16xf32, #tpu.memory_space<vmem_shared>>, %arg7: memref<!tpu.dma_semaphore, #tpu.memory_space<semaphore_mem>>) attributes {dimension_semantics = [#tpu.dimension_semantics<core_parallel>, #tpu.dimension_semantics<subcore_parallel>], iteration_bounds = array<i64: 2, 16>, scalar_prefetch = 0 : i64, scratch_operands = 4 : i64, tpu.core_type = #tpu.core_type<sc_vector_subcore>, window_params = [{transform_indices = #map}, {transform_indices = #map1}]} {
    %mul3A = arith.constant 16 : i32
    %mul3A_0 = arith.muli %arg0, %mul3A : i32
    %add3A = arith.addi %mul3A_0, %arg1 : i32
    %broadcast_in_dim3A = arith.constant 0.000000e+00 : f32
    %broadcast_in_dim3A_1 = vector.broadcast %broadcast_in_dim3A : f32 to vector<16xf32>
    %scan3A = arith.constant 0 : i32
    %scan3A_2 = arith.constant 0 : i32
    %scan3A_3 = arith.constant 625 : i32
    %scan3A_4 = arith.addi %scan3A_2, %scan3A_3 : i32
    %scan3A_5 = arith.constant 1 : i32
    %scan3A_6 = scf.for %scan3A_38 = %scan3A_2 to %scan3A_4 step %scan3A_5 iter_args(%scan3A_39 = %scan3A) -> (i32)  : i32 {
      %swap3A = arith.index_cast %scan3A_38 : i32 to index
      %swap3A_40 = arith.constant 0 : index
      %swap3A_41 = tpu.vector_load %arg5[%swap3A, %swap3A_40] {strides = array<i32>} : memref<625x16xf32, #tpu.memory_space<vmem>>, vector<1x16xf32>,
      %swap3A_42 = vector.shape_cast %swap3A_41 : vector<1x16xf32> to vector<16xf32>
      %swap3A_43 = vector.shape_cast %broadcast_in_dim3A_1 : vector<16xf32> to vector<1x16xf32>
      tpu.vector_store %arg5[%swap3A, %swap3A_40], %swap3A_43 {strides = array<i32>} : memref<625x16xf32, #tpu.memory_space<vmem>>, vector<1x16xf32>,
      %scan3A_44 = arith.constant 0 : i32
      scf.yield %scan3A_44 : i32
    }
    %scan3A_7 = arith.constant 625 : i32
    %mul3A_8 = arith.constant 625 : i32
    %mul3A_9 = arith.muli %arg1, %mul3A_8 : i32
    "tpu.region"() ({
      %run_scoped3A_38 = tpu.sem_alloc : memref<!tpu.dma_semaphore, #tpu.memory_space<semaphore_mem>>
      %dma_start3A = arith.constant 0 : i32
      %dma_start3A_39 = tpu.memref_slice %arg6[%mul3A_9, %dma_start3A] : memref<10016x16xf32, #tpu.memory_space<vmem_shared>> -> memref<625x16xf32, #tpu.memory_space<vmem_shared>>
      %dma_start3A_40 = arith.constant 0 : i32
      %dma_start3A_41 = tpu.memref_slice %arg6[%mul3A_9, %dma_start3A_40] : memref<10016x16xf32, #tpu.memory_space<vmem_shared>> -> memref<625x16xf32, #tpu.memory_space<vmem_shared>>
      tpu.enqueue_dma source(%arg5 : memref<625x16xf32, #tpu.memory_space<vmem>>) target(%dma_start3A_41 : memref<625x16xf32, #tpu.memory_space<vmem_shared>>) target_semaphore(%run_scoped3A_38 : memref<!tpu.dma_semaphore, #tpu.memory_space<semaphore_mem>>)
      %dma_wait3A = arith.constant 0 : i32
      %dma_wait3A_42 = tpu.memref_slice %arg6[%mul3A_9, %dma_wait3A] : memref<10016x16xf32, #tpu.memory_space<vmem_shared>> -> memref<625x16xf32, #tpu.memory_space<vmem_shared>>
      %dma_wait3A_43 = arith.constant 0 : i32
      %dma_wait3A_44 = tpu.memref_slice %arg6[%mul3A_9, %dma_wait3A_43] : memref<10016x16xf32, #tpu.memory_space<vmem_shared>> -> memref<625x16xf32, #tpu.memory_space<vmem_shared>>
      tpu.wait_dma2 semaphore(%run_scoped3A_38 : memref<!tpu.dma_semaphore, #tpu.memory_space<semaphore_mem>>) src(%arg5 : memref<625x16xf32, #tpu.memory_space<vmem>>) dst(%dma_wait3A_44 : memref<625x16xf32, #tpu.memory_space<vmem_shared>>)
      tpu.yield
    }) : () -> ()
    %broadcast_in_dim3A_10 = arith.constant 1.000000e+00 : f32
    %broadcast_in_dim3A_11 = vector.broadcast %broadcast_in_dim3A_10 : f32 to vector<16xf32>
    %scan3A_12 = arith.constant 0 : i32
    %scan3A_13 = arith.constant 0 : i32
    %scan3A_14 = arith.constant 128 : i32
    %scan3A_15 = arith.addi %scan3A_13, %scan3A_14 : i32
    %scan3A_16 = arith.constant 1 : i32
    %scan3A_17 = scf.for %scan3A_38 = %scan3A_13 to %scan3A_15 step %scan3A_16 iter_args(%scan3A_39 = %scan3A_12) -> (i32)  : i32 {
      %swap3A = arith.index_cast %scan3A_38 : i32 to index
      %swap3A_40 = arith.constant 0 : index
      %swap3A_41 = tpu.vector_load %arg5[%swap3A, %swap3A_40] {strides = array<i32>} : memref<625x16xf32, #tpu.memory_space<vmem>>, vector<1x16xf32>,
      %swap3A_42 = vector.shape_cast %swap3A_41 : vector<1x16xf32> to vector<16xf32>
      %swap3A_43 = vector.shape_cast %broadcast_in_dim3A_11 : vector<16xf32> to vector<1x16xf32>
      tpu.vector_store %arg5[%swap3A, %swap3A_40], %swap3A_43 {strides = array<i32>} : memref<625x16xf32, #tpu.memory_space<vmem>>, vector<1x16xf32>,
      %scan3A_44 = arith.constant 0 : i32
      scf.yield %scan3A_44 : i32
    }
    %scan3A_18 = arith.constant 128 : i32
    %run_scoped3A = arith.constant 1 : i32
    "tpu.region"() ({
      %run_scoped3A_38 = tpu.sem_alloc : memref<!tpu.dma_semaphore, #tpu.memory_space<semaphore_mem>>
      %dma_start3A = arith.constant 0 : i32
      %dma_start3A_39 = arith.constant 0 : i32
      %dma_start3A_40 = tpu.memref_slice %arg2[%run_scoped3A, %add3A, %dma_start3A, %dma_start3A_39] : memref<2x32x80x128xi32, #tpu.memory_space<hbm>> -> memref<1x1x80x128xi32, #tpu.memory_space<hbm>>
      %dma_start3A_41 = tpu.memref_squeeze %dma_start3A_40 : memref<1x1x80x128xi32, #tpu.memory_space<hbm>> -> memref<80x128xi32, #tpu.memory_space<hbm>>
      %dma_start3A_42 = arith.constant 0 : i32
      %dma_start3A_43 = arith.constant 0 : i32
      %dma_start3A_44 = tpu.memref_slice %arg2[%run_scoped3A, %add3A, %dma_start3A_42, %dma_start3A_43] : memref<2x32x80x128xi32, #tpu.memory_space<hbm>> -> memref<1x1x80x128xi32, #tpu.memory_space<hbm>>
      %dma_start3A_45 = tpu.memref_squeeze %dma_start3A_44 : memref<1x1x80x128xi32, #tpu.memory_space<hbm>> -> memref<80x128xi32, #tpu.memory_space<hbm>>
      tpu.enqueue_dma source(%dma_start3A_45 : memref<80x128xi32, #tpu.memory_space<hbm>>) target(%arg4 : memref<80x128xi32, #tpu.memory_space<vmem>>) target_semaphore(%run_scoped3A_38 : memref<!tpu.dma_semaphore, #tpu.memory_space<semaphore_mem>>)
      %dma_wait3A = arith.constant 0 : i32
      %dma_wait3A_46 = arith.constant 0 : i32
      %dma_wait3A_47 = tpu.memref_slice %arg2[%run_scoped3A, %add3A, %dma_wait3A, %dma_wait3A_46] : memref<2x32x80x128xi32, #tpu.memory_space<hbm>> -> memref<1x1x80x128xi32, #tpu.memory_space<hbm>>
      %dma_wait3A_48 = tpu.memref_squeeze %dma_wait3A_47 : memref<1x1x80x128xi32, #tpu.memory_space<hbm>> -> memref<80x128xi32, #tpu.memory_space<hbm>>
      %dma_wait3A_49 = arith.constant 0 : i32
      %dma_wait3A_50 = arith.constant 0 : i32
      %dma_wait3A_51 = tpu.memref_slice %arg2[%run_scoped3A, %add3A, %dma_wait3A_49, %dma_wait3A_50] : memref<2x32x80x128xi32, #tpu.memory_space<hbm>> -> memref<1x1x80x128xi32, #tpu.memory_space<hbm>>
      %dma_wait3A_52 = tpu.memref_squeeze %dma_wait3A_51 : memref<1x1x80x128xi32, #tpu.memory_space<hbm>> -> memref<80x128xi32, #tpu.memory_space<hbm>>
      tpu.wait_dma2 semaphore(%run_scoped3A_38 : memref<!tpu.dma_semaphore, #tpu.memory_space<semaphore_mem>>) src(%dma_wait3A_52 : memref<80x128xi32, #tpu.memory_space<hbm>>) dst(%arg4 : memref<80x128xi32, #tpu.memory_space<vmem>>)
      tpu.yield
    }) : () -> ()
    %barrier3A = arith.constant 0 : index
    tpu.barrier barrier_id(%barrier3A)
    %scan3A_19 = arith.constant 0 : i32
    %scan3A_20 = arith.constant 0 : i32
    %scan3A_21 = arith.constant 80 : i32
    %scan3A_22 = arith.addi %scan3A_20, %scan3A_21 : i32
    %scan3A_23 = arith.constant 1 : i32
    %scan3A_24 = scf.for %scan3A_38 = %scan3A_20 to %scan3A_22 step %scan3A_23 iter_args(%scan3A_39 = %scan3A_19) -> (i32)  : i32 {
      %dma_start3A = arith.constant 0 : i32
      %dma_start3A_40 = arith.constant 0 : i32
      %dma_start3A_41 = tpu.memref_slice %arg5[%dma_start3A, %dma_start3A_40] : memref<625x16xf32, #tpu.memory_space<vmem>> -> memref<128x16xf32, #tpu.memory_space<vmem>>
      %dma_start3A_42 = arith.constant 0 : i32
      %dma_start3A_43 = tpu.memref_slice %arg4[%scan3A_38, %dma_start3A_42] : memref<80x128xi32, #tpu.memory_space<vmem>> -> memref<1x128xi32, #tpu.memory_space<vmem>>
      %dma_start3A_44 = tpu.memref_squeeze %dma_start3A_43 : memref<1x128xi32, #tpu.memory_space<vmem>> -> memref<128xi32, #tpu.memory_space<vmem>>
      %dma_start3A_45 = arith.constant 0 : i32
      %dma_start3A_46 = arith.constant 0 : i32
      %dma_start3A_47 = tpu.memref_slice %arg6[%dma_start3A_45, %dma_start3A_46] : memref<10016x16xf32, #tpu.memory_space<vmem_shared>> -> memref<10016x16xf32, #tpu.memory_space<vmem_shared>>
      tpu.enqueue_indirect_dma source(%dma_start3A_41 : memref<128x16xf32, #tpu.memory_space<vmem>>) target(%dma_start3A_47 : memref<10016x16xf32, #tpu.memory_space<vmem_shared>>) offsets(%dma_start3A_44 : memref<128xi32, #tpu.memory_space<vmem>>) semaphore(%arg7 : memref<!tpu.dma_semaphore, #tpu.memory_space<semaphore_mem>>) {add = true}
      %scan3A_48 = arith.constant 0 : i32
      scf.yield %scan3A_48 : i32
    }
    %scan3A_25 = arith.constant 80 : i32
    %scan3A_26 = arith.constant 0 : i32
    %scan3A_27 = arith.constant 0 : i32
    %scan3A_28 = arith.constant 80 : i32
    %scan3A_29 = arith.addi %scan3A_27, %scan3A_28 : i32
    %scan3A_30 = arith.constant 1 : i32
    %scan3A_31 = scf.for %scan3A_38 = %scan3A_27 to %scan3A_29 step %scan3A_30 iter_args(%scan3A_39 = %scan3A_26) -> (i32)  : i32 {
      %dma_wait3A = arith.constant 0 : i32
      %dma_wait3A_40 = arith.constant 0 : i32
      %dma_wait3A_41 = tpu.memref_slice %arg5[%dma_wait3A, %dma_wait3A_40] : memref<625x16xf32, #tpu.memory_space<vmem>> -> memref<128x16xf32, #tpu.memory_space<vmem>>
      %dma_wait3A_42 = arith.constant 0 : i32
      %dma_wait3A_43 = tpu.memref_slice %arg4[%scan3A_38, %dma_wait3A_42] : memref<80x128xi32, #tpu.memory_space<vmem>> -> memref<1x128xi32, #tpu.memory_space<vmem>>
      %dma_wait3A_44 = tpu.memref_squeeze %dma_wait3A_43 : memref<1x128xi32, #tpu.memory_space<vmem>> -> memref<128xi32, #tpu.memory_space<vmem>>
      %dma_wait3A_45 = arith.constant 0 : i32
      %dma_wait3A_46 = arith.constant 0 : i32
      %dma_wait3A_47 = tpu.memref_slice %arg6[%dma_wait3A_45, %dma_wait3A_46] : memref<10016x16xf32, #tpu.memory_space<vmem_shared>> -> memref<10016x16xf32, #tpu.memory_space<vmem_shared>>
      tpu.wait_indirect_dma semaphore(%arg7 : memref<!tpu.dma_semaphore, #tpu.memory_space<semaphore_mem>>) src(%dma_wait3A_41 : memref<128x16xf32, #tpu.memory_space<vmem>>) dst(%dma_wait3A_47 : memref<10016x16xf32, #tpu.memory_space<vmem_shared>>)
      %scan3A_48 = arith.constant 0 : i32
      scf.yield %scan3A_48 : i32
    }
    %scan3A_32 = arith.constant 80 : i32
    %barrier3A_33 = arith.constant 0 : index
    tpu.barrier barrier_id(%barrier3A_33)
    %mul3A_34 = arith.constant 625 : i32
    %mul3A_35 = arith.muli %arg1, %mul3A_34 : i32
    %mul3A_36 = arith.constant 625 : i32
    %mul3A_37 = arith.muli %arg1, %mul3A_36 : i32
    "tpu.region"() ({
      %run_scoped3A_38 = tpu.sem_alloc : memref<!tpu.dma_semaphore, #tpu.memory_space<semaphore_mem>>
      %dma_start3A = arith.constant 0 : i32
      %dma_start3A_39 = tpu.memref_slice %arg3[%arg0, %mul3A_37, %dma_start3A] : memref<2x10000x16xf32, #tpu.memory_space<hbm>> -> memref<1x625x16xf32, #tpu.memory_space<hbm>>
      %dma_start3A_40 = tpu.memref_squeeze %dma_start3A_39 : memref<1x625x16xf32, #tpu.memory_space<hbm>> -> memref<625x16xf32, #tpu.memory_space<hbm>>
      %dma_start3A_41 = arith.constant 0 : i32
      %dma_start3A_42 = tpu.memref_slice %arg6[%mul3A_35, %dma_start3A_41] : memref<10016x16xf32, #tpu.memory_space<vmem_shared>> -> memref<625x16xf32, #tpu.memory_space<vmem_shared>>
      tpu.enqueue_dma source(%dma_start3A_42 : memref<625x16xf32, #tpu.memory_space<vmem_shared>>) target(%dma_start3A_40 : memref<625x16xf32, #tpu.memory_space<hbm>>) target_semaphore(%run_scoped3A_38 : memref<!tpu.dma_semaphore, #tpu.memory_space<semaphore_mem>>)
      %dma_wait3A = arith.constant 0 : i32
      %dma_wait3A_43 = tpu.memref_slice %arg3[%arg0, %mul3A_37, %dma_wait3A] : memref<2x10000x16xf32, #tpu.memory_space<hbm>> -> memref<1x625x16xf32, #tpu.memory_space<hbm>>
      %dma_wait3A_44 = tpu.memref_squeeze %dma_wait3A_43 : memref<1x625x16xf32, #tpu.memory_space<hbm>> -> memref<625x16xf32, #tpu.memory_space<hbm>>
      %dma_wait3A_45 = arith.constant 0 : i32
      %dma_wait3A_46 = tpu.memref_slice %arg6[%mul3A_35, %dma_wait3A_45] : memref<10016x16xf32, #tpu.memory_space<vmem_shared>> -> memref<625x16xf32, #tpu.memory_space<vmem_shared>>
      tpu.wait_dma2 semaphore(%run_scoped3A_38 : memref<!tpu.dma_semaphore, #tpu.memory_space<semaphore_mem>>) src(%dma_wait3A_46 : memref<625x16xf32, #tpu.memory_space<vmem_shared>>) dst(%dma_wait3A_44 : memref<625x16xf32, #tpu.memory_space<hbm>>)
      tpu.yield
    }) : () -> ()
    return
  }
}

#map = affine_map<(d0, d1) -> (0, 0)>
#map1 = affine_map<(d0, d1) -> (0, 0, 0, 0)>
#map2 = affine_map<(d0, d1) -> (0, 0, 0)>
module attributes {stable_mosaic.version = 14 : i64} {
  func.func @_agg_body(%arg0: i32, %arg1: i32, %arg2: memref<10000x128xbf16, #tpu.memory_space<hbm>>, %arg3: memref<2x32x80x128xi32, #tpu.memory_space<hbm>>, %arg4: memref<2x10000x128xf32, #tpu.memory_space<hbm>>, %arg5: memref<80x128xi32, #tpu.memory_space<vmem>>, %arg6: memref<80x128xi32, #tpu.memory_space<vmem>>, %arg7: memref<128x128xbf16, #tpu.memory_space<vmem>>, %arg8: memref<128x128xbf16, #tpu.memory_space<vmem>>, %arg9: memref<128x128xbf16, #tpu.memory_space<vmem>>, %arg10: memref<125x128xf32, #tpu.memory_space<vmem>>, %arg11: memref<10016x128xbf16, #tpu.memory_space<vmem_shared>>, %arg12: memref<!tpu.dma_semaphore, #tpu.memory_space<semaphore_mem>>, %arg13: memref<!tpu.dma_semaphore, #tpu.memory_space<semaphore_mem>>, %arg14: memref<!tpu.dma_semaphore, #tpu.memory_space<semaphore_mem>>, %arg15: memref<!tpu.dma_semaphore, #tpu.memory_space<semaphore_mem>>, %arg16: memref<!tpu.dma_semaphore, #tpu.memory_space<semaphore_mem>>, %arg17: memref<!tpu.dma_semaphore, #tpu.memory_space<semaphore_mem>>) attributes {dimension_semantics = [#tpu.dimension_semantics<core_parallel>, #tpu.dimension_semantics<subcore_parallel>], iteration_bounds = array<i64: 2, 16>, scalar_prefetch = 0 : i64, scratch_operands = 13 : i64, tpu.core_type = #tpu.core_type<sc_vector_subcore>, window_params = [{transform_indices = #map}, {transform_indices = #map1}, {transform_indices = #map2}]} {
    %mul3A = arith.constant 16 : i32
    %mul3A_0 = arith.muli %arg0, %mul3A : i32
    %add3A = arith.addi %mul3A_0, %arg1 : i32
    %eq3A = arith.constant 0 : i32
    %eq3A_1 = arith.cmpi eq, %arg0, %eq3A : i32
    %convert_element_type3A = arith.extui %eq3A_1 : i1 to i32
    %cond3A = arith.constant 0 : i32
    %cond3A_2 = arith.cmpi ne, %convert_element_type3A, %cond3A : i32
    scf.if %cond3A_2 {
      %mul3A_211 = arith.constant 625 : i32
      %mul3A_212 = arith.muli %arg1, %mul3A_211 : i32
      %mul3A_213 = arith.constant 625 : i32
      %mul3A_214 = arith.muli %arg1, %mul3A_213 : i32
      "tpu.region"() ({
        %run_scoped3A_215 = tpu.sem_alloc : memref<!tpu.dma_semaphore, #tpu.memory_space<semaphore_mem>>
        %dma_start3A_216 = arith.constant 0 : i32
        %dma_start3A_217 = tpu.memref_slice %arg11[%mul3A_214, %dma_start3A_216] : memref<10016x128xbf16, #tpu.memory_space<vmem_shared>> -> memref<625x128xbf16, #tpu.memory_space<vmem_shared>>
        %dma_start3A_218 = arith.constant 0 : i32
        %dma_start3A_219 = tpu.memref_slice %arg2[%mul3A_212, %dma_start3A_218] : memref<10000x128xbf16, #tpu.memory_space<hbm>> -> memref<625x128xbf16, #tpu.memory_space<hbm>>
        tpu.enqueue_dma source(%dma_start3A_219 : memref<625x128xbf16, #tpu.memory_space<hbm>>) target(%dma_start3A_217 : memref<625x128xbf16, #tpu.memory_space<vmem_shared>>) target_semaphore(%run_scoped3A_215 : memref<!tpu.dma_semaphore, #tpu.memory_space<semaphore_mem>>)
        %dma_wait3A_220 = arith.constant 0 : i32
        %dma_wait3A_221 = tpu.memref_slice %arg11[%mul3A_214, %dma_wait3A_220] : memref<10016x128xbf16, #tpu.memory_space<vmem_shared>> -> memref<625x128xbf16, #tpu.memory_space<vmem_shared>>
        %dma_wait3A_222 = arith.constant 0 : i32
        %dma_wait3A_223 = tpu.memref_slice %arg2[%mul3A_212, %dma_wait3A_222] : memref<10000x128xbf16, #tpu.memory_space<hbm>> -> memref<625x128xbf16, #tpu.memory_space<hbm>>
        tpu.wait_dma2 semaphore(%run_scoped3A_215 : memref<!tpu.dma_semaphore, #tpu.memory_space<semaphore_mem>>) src(%dma_wait3A_223 : memref<625x128xbf16, #tpu.memory_space<hbm>>) dst(%dma_wait3A_221 : memref<625x128xbf16, #tpu.memory_space<vmem_shared>>)
        tpu.yield
      }) : () -> ()
    } else {
    }
    %ne3A = arith.constant 0 : i32
    %ne3A_3 = arith.cmpi ne, %arg0, %ne3A : i32
    %convert_element_type3A_4 = arith.extui %ne3A_3 : i1 to i32
    %cond3A_5 = arith.constant 0 : i32
    %cond3A_6 = arith.cmpi ne, %convert_element_type3A_4, %cond3A_5 : i32
    scf.if %cond3A_6 {
      %broadcast_in_dim3A = arith.constant 0.000000e+00 : bf16
      %broadcast_in_dim3A_211 = vector.broadcast %broadcast_in_dim3A : bf16 to vector<32xbf16>
      %scan3A_212 = arith.constant 0 : i32
      %scan3A_213 = arith.constant 0 : i32
      %scan3A_214 = arith.constant 128 : i32
      %scan3A_215 = arith.addi %scan3A_213, %scan3A_214 : i32
      %scan3A_216 = arith.constant 1 : i32
      %scan3A_217 = scf.for %scan3A_239 = %scan3A_213 to %scan3A_215 step %scan3A_216 iter_args(%scan3A_240 = %scan3A_212) -> (i32)  : i32 {
        %swap3A = arith.index_cast %scan3A_239 : i32 to index
        %swap3A_241 = arith.constant 0 : index
        %swap3A_242 = tpu.vector_load %arg7[%swap3A, %swap3A_241] {strides = array<i32>} : memref<128x128xbf16, #tpu.memory_space<vmem>>, vector<32xbf16>,
        tpu.vector_store %arg7[%swap3A, %swap3A_241], %broadcast_in_dim3A_211 {strides = array<i32>} : memref<128x128xbf16, #tpu.memory_space<vmem>>, vector<32xbf16>,
        %swap3A_243 = arith.index_cast %scan3A_239 : i32 to index
        %swap3A_244 = arith.constant 32 : index
        %swap3A_245 = tpu.vector_load %arg7[%swap3A_243, %swap3A_244] {strides = array<i32>} : memref<128x128xbf16, #tpu.memory_space<vmem>>, vector<32xbf16>,
        tpu.vector_store %arg7[%swap3A_243, %swap3A_244], %broadcast_in_dim3A_211 {strides = array<i32>} : memref<128x128xbf16, #tpu.memory_space<vmem>>, vector<32xbf16>,
        %swap3A_246 = arith.index_cast %scan3A_239 : i32 to index
        %swap3A_247 = arith.constant 64 : index
        %swap3A_248 = tpu.vector_load %arg7[%swap3A_246, %swap3A_247] {strides = array<i32>} : memref<128x128xbf16, #tpu.memory_space<vmem>>, vector<32xbf16>,
        tpu.vector_store %arg7[%swap3A_246, %swap3A_247], %broadcast_in_dim3A_211 {strides = array<i32>} : memref<128x128xbf16, #tpu.memory_space<vmem>>, vector<32xbf16>,
        %swap3A_249 = arith.index_cast %scan3A_239 : i32 to index
        %swap3A_250 = arith.constant 96 : index
        %swap3A_251 = tpu.vector_load %arg7[%swap3A_249, %swap3A_250] {strides = array<i32>} : memref<128x128xbf16, #tpu.memory_space<vmem>>, vector<32xbf16>,
        tpu.vector_store %arg7[%swap3A_249, %swap3A_250], %broadcast_in_dim3A_211 {strides = array<i32>} : memref<128x128xbf16, #tpu.memory_space<vmem>>, vector<32xbf16>,
        %scan3A_252 = arith.constant 0 : i32
        scf.yield %scan3A_252 : i32
      }
      %scan3A_218 = arith.constant 128 : i32
      %mul3A_219 = arith.constant 625 : i32
      %mul3A_220 = arith.muli %arg1, %mul3A_219 : i32
      %add3A_221 = arith.constant 0 : i32
      %add3A_222 = arith.addi %mul3A_220, %add3A_221 : i32
      "tpu.region"() ({
        %run_scoped3A_239 = tpu.sem_alloc : memref<!tpu.dma_semaphore, #tpu.memory_space<semaphore_mem>>
        %dma_start3A_240 = arith.constant 0 : i32
        %dma_start3A_241 = tpu.memref_slice %arg11[%add3A_222, %dma_start3A_240] : memref<10016x128xbf16, #tpu.memory_space<vmem_shared>> -> memref<128x128xbf16, #tpu.memory_space<vmem_shared>>
        %dma_start3A_242 = arith.constant 0 : i32
        %dma_start3A_243 = tpu.memref_slice %arg11[%add3A_222, %dma_start3A_242] : memref<10016x128xbf16, #tpu.memory_space<vmem_shared>> -> memref<128x128xbf16, #tpu.memory_space<vmem_shared>>
        tpu.enqueue_dma source(%arg7 : memref<128x128xbf16, #tpu.memory_space<vmem>>) target(%dma_start3A_243 : memref<128x128xbf16, #tpu.memory_space<vmem_shared>>) target_semaphore(%run_scoped3A_239 : memref<!tpu.dma_semaphore, #tpu.memory_space<semaphore_mem>>)
        %dma_wait3A_244 = arith.constant 0 : i32
        %dma_wait3A_245 = tpu.memref_slice %arg11[%add3A_222, %dma_wait3A_244] : memref<10016x128xbf16, #tpu.memory_space<vmem_shared>> -> memref<128x128xbf16, #tpu.memory_space<vmem_shared>>
        %dma_wait3A_246 = arith.constant 0 : i32
        %dma_wait3A_247 = tpu.memref_slice %arg11[%add3A_222, %dma_wait3A_246] : memref<10016x128xbf16, #tpu.memory_space<vmem_shared>> -> memref<128x128xbf16, #tpu.memory_space<vmem_shared>>
        tpu.wait_dma2 semaphore(%run_scoped3A_239 : memref<!tpu.dma_semaphore, #tpu.memory_space<semaphore_mem>>) src(%arg7 : memref<128x128xbf16, #tpu.memory_space<vmem>>) dst(%dma_wait3A_247 : memref<128x128xbf16, #tpu.memory_space<vmem_shared>>)
        tpu.yield
      }) : () -> ()
      %mul3A_223 = arith.constant 625 : i32
      %mul3A_224 = arith.muli %arg1, %mul3A_223 : i32
      %add3A_225 = arith.constant 128 : i32
      %add3A_226 = arith.addi %mul3A_224, %add3A_225 : i32
      "tpu.region"() ({
        %run_scoped3A_239 = tpu.sem_alloc : memref<!tpu.dma_semaphore, #tpu.memory_space<semaphore_mem>>
        %dma_start3A_240 = arith.constant 0 : i32
        %dma_start3A_241 = tpu.memref_slice %arg11[%add3A_226, %dma_start3A_240] : memref<10016x128xbf16, #tpu.memory_space<vmem_shared>> -> memref<128x128xbf16, #tpu.memory_space<vmem_shared>>
        %dma_start3A_242 = arith.constant 0 : i32
        %dma_start3A_243 = tpu.memref_slice %arg11[%add3A_226, %dma_start3A_242] : memref<10016x128xbf16, #tpu.memory_space<vmem_shared>> -> memref<128x128xbf16, #tpu.memory_space<vmem_shared>>
        tpu.enqueue_dma source(%arg7 : memref<128x128xbf16, #tpu.memory_space<vmem>>) target(%dma_start3A_243 : memref<128x128xbf16, #tpu.memory_space<vmem_shared>>) target_semaphore(%run_scoped3A_239 : memref<!tpu.dma_semaphore, #tpu.memory_space<semaphore_mem>>)
        %dma_wait3A_244 = arith.constant 0 : i32
        %dma_wait3A_245 = tpu.memref_slice %arg11[%add3A_226, %dma_wait3A_244] : memref<10016x128xbf16, #tpu.memory_space<vmem_shared>> -> memref<128x128xbf16, #tpu.memory_space<vmem_shared>>
        %dma_wait3A_246 = arith.constant 0 : i32
        %dma_wait3A_247 = tpu.memref_slice %arg11[%add3A_226, %dma_wait3A_246] : memref<10016x128xbf16, #tpu.memory_space<vmem_shared>> -> memref<128x128xbf16, #tpu.memory_space<vmem_shared>>
        tpu.wait_dma2 semaphore(%run_scoped3A_239 : memref<!tpu.dma_semaphore, #tpu.memory_space<semaphore_mem>>) src(%arg7 : memref<128x128xbf16, #tpu.memory_space<vmem>>) dst(%dma_wait3A_247 : memref<128x128xbf16, #tpu.memory_space<vmem_shared>>)
        tpu.yield
      }) : () -> ()
      %mul3A_227 = arith.constant 625 : i32
      %mul3A_228 = arith.muli %arg1, %mul3A_227 : i32
      %add3A_229 = arith.constant 256 : i32
      %add3A_230 = arith.addi %mul3A_228, %add3A_229 : i32
      "tpu.region"() ({
        %run_scoped3A_239 = tpu.sem_alloc : memref<!tpu.dma_semaphore, #tpu.memory_space<semaphore_mem>>
        %dma_start3A_240 = arith.constant 0 : i32
        %dma_start3A_241 = tpu.memref_slice %arg11[%add3A_230, %dma_start3A_240] : memref<10016x128xbf16, #tpu.memory_space<vmem_shared>> -> memref<128x128xbf16, #tpu.memory_space<vmem_shared>>
        %dma_start3A_242 = arith.constant 0 : i32
        %dma_start3A_243 = tpu.memref_slice %arg11[%add3A_230, %dma_start3A_242] : memref<10016x128xbf16, #tpu.memory_space<vmem_shared>> -> memref<128x128xbf16, #tpu.memory_space<vmem_shared>>
        tpu.enqueue_dma source(%arg7 : memref<128x128xbf16, #tpu.memory_space<vmem>>) target(%dma_start3A_243 : memref<128x128xbf16, #tpu.memory_space<vmem_shared>>) target_semaphore(%run_scoped3A_239 : memref<!tpu.dma_semaphore, #tpu.memory_space<semaphore_mem>>)
        %dma_wait3A_244 = arith.constant 0 : i32
        %dma_wait3A_245 = tpu.memref_slice %arg11[%add3A_230, %dma_wait3A_244] : memref<10016x128xbf16, #tpu.memory_space<vmem_shared>> -> memref<128x128xbf16, #tpu.memory_space<vmem_shared>>
        %dma_wait3A_246 = arith.constant 0 : i32
        %dma_wait3A_247 = tpu.memref_slice %arg11[%add3A_230, %dma_wait3A_246] : memref<10016x128xbf16, #tpu.memory_space<vmem_shared>> -> memref<128x128xbf16, #tpu.memory_space<vmem_shared>>
        tpu.wait_dma2 semaphore(%run_scoped3A_239 : memref<!tpu.dma_semaphore, #tpu.memory_space<semaphore_mem>>) src(%arg7 : memref<128x128xbf16, #tpu.memory_space<vmem>>) dst(%dma_wait3A_247 : memref<128x128xbf16, #tpu.memory_space<vmem_shared>>)
        tpu.yield
      }) : () -> ()
      %mul3A_231 = arith.constant 625 : i32
      %mul3A_232 = arith.muli %arg1, %mul3A_231 : i32
      %add3A_233 = arith.constant 384 : i32
      %add3A_234 = arith.addi %mul3A_232, %add3A_233 : i32
      "tpu.region"() ({
        %run_scoped3A_239 = tpu.sem_alloc : memref<!tpu.dma_semaphore, #tpu.memory_space<semaphore_mem>>
        %dma_start3A_240 = arith.constant 0 : i32
        %dma_start3A_241 = tpu.memref_slice %arg11[%add3A_234, %dma_start3A_240] : memref<10016x128xbf16, #tpu.memory_space<vmem_shared>> -> memref<128x128xbf16, #tpu.memory_space<vmem_shared>>
        %dma_start3A_242 = arith.constant 0 : i32
        %dma_start3A_243 = tpu.memref_slice %arg11[%add3A_234, %dma_start3A_242] : memref<10016x128xbf16, #tpu.memory_space<vmem_shared>> -> memref<128x128xbf16, #tpu.memory_space<vmem_shared>>
        tpu.enqueue_dma source(%arg7 : memref<128x128xbf16, #tpu.memory_space<vmem>>) target(%dma_start3A_243 : memref<128x128xbf16, #tpu.memory_space<vmem_shared>>) target_semaphore(%run_scoped3A_239 : memref<!tpu.dma_semaphore, #tpu.memory_space<semaphore_mem>>)
        %dma_wait3A_244 = arith.constant 0 : i32
        %dma_wait3A_245 = tpu.memref_slice %arg11[%add3A_234, %dma_wait3A_244] : memref<10016x128xbf16, #tpu.memory_space<vmem_shared>> -> memref<128x128xbf16, #tpu.memory_space<vmem_shared>>
        %dma_wait3A_246 = arith.constant 0 : i32
        %dma_wait3A_247 = tpu.memref_slice %arg11[%add3A_234, %dma_wait3A_246] : memref<10016x128xbf16, #tpu.memory_space<vmem_shared>> -> memref<128x128xbf16, #tpu.memory_space<vmem_shared>>
        tpu.wait_dma2 semaphore(%run_scoped3A_239 : memref<!tpu.dma_semaphore, #tpu.memory_space<semaphore_mem>>) src(%arg7 : memref<128x128xbf16, #tpu.memory_space<vmem>>) dst(%dma_wait3A_247 : memref<128x128xbf16, #tpu.memory_space<vmem_shared>>)
        tpu.yield
      }) : () -> ()
      %mul3A_235 = arith.constant 625 : i32
      %mul3A_236 = arith.muli %arg1, %mul3A_235 : i32
      %add3A_237 = arith.constant 512 : i32
      %add3A_238 = arith.addi %mul3A_236, %add3A_237 : i32
      "tpu.region"() ({
        %run_scoped3A_239 = tpu.sem_alloc : memref<!tpu.dma_semaphore, #tpu.memory_space<semaphore_mem>>
        %dma_start3A_240 = arith.constant 0 : i32
        %dma_start3A_241 = arith.constant 0 : i32
        %dma_start3A_242 = tpu.memref_slice %arg7[%dma_start3A_240, %dma_start3A_241] : memref<128x128xbf16, #tpu.memory_space<vmem>> -> memref<113x128xbf16, #tpu.memory_space<vmem>>
        %dma_start3A_243 = arith.constant 0 : i32
        %dma_start3A_244 = tpu.memref_slice %arg11[%add3A_238, %dma_start3A_243] : memref<10016x128xbf16, #tpu.memory_space<vmem_shared>> -> memref<113x128xbf16, #tpu.memory_space<vmem_shared>>
        %dma_start3A_245 = arith.constant 0 : i32
        %dma_start3A_246 = tpu.memref_slice %arg11[%add3A_238, %dma_start3A_245] : memref<10016x128xbf16, #tpu.memory_space<vmem_shared>> -> memref<113x128xbf16, #tpu.memory_space<vmem_shared>>
        %dma_start3A_247 = arith.constant 0 : i32
        %dma_start3A_248 = arith.constant 0 : i32
        %dma_start3A_249 = tpu.memref_slice %arg7[%dma_start3A_247, %dma_start3A_248] : memref<128x128xbf16, #tpu.memory_space<vmem>> -> memref<113x128xbf16, #tpu.memory_space<vmem>>
        tpu.enqueue_dma source(%dma_start3A_249 : memref<113x128xbf16, #tpu.memory_space<vmem>>) target(%dma_start3A_246 : memref<113x128xbf16, #tpu.memory_space<vmem_shared>>) target_semaphore(%run_scoped3A_239 : memref<!tpu.dma_semaphore, #tpu.memory_space<semaphore_mem>>)
        %dma_wait3A_250 = arith.constant 0 : i32
        %dma_wait3A_251 = arith.constant 0 : i32
        %dma_wait3A_252 = tpu.memref_slice %arg7[%dma_wait3A_250, %dma_wait3A_251] : memref<128x128xbf16, #tpu.memory_space<vmem>> -> memref<113x128xbf16, #tpu.memory_space<vmem>>
        %dma_wait3A_253 = arith.constant 0 : i32
        %dma_wait3A_254 = tpu.memref_slice %arg11[%add3A_238, %dma_wait3A_253] : memref<10016x128xbf16, #tpu.memory_space<vmem_shared>> -> memref<113x128xbf16, #tpu.memory_space<vmem_shared>>
        %dma_wait3A_255 = arith.constant 0 : i32
        %dma_wait3A_256 = tpu.memref_slice %arg11[%add3A_238, %dma_wait3A_255] : memref<10016x128xbf16, #tpu.memory_space<vmem_shared>> -> memref<113x128xbf16, #tpu.memory_space<vmem_shared>>
        %dma_wait3A_257 = arith.constant 0 : i32
        %dma_wait3A_258 = arith.constant 0 : i32
        %dma_wait3A_259 = tpu.memref_slice %arg7[%dma_wait3A_257, %dma_wait3A_258] : memref<128x128xbf16, #tpu.memory_space<vmem>> -> memref<113x128xbf16, #tpu.memory_space<vmem>>
        tpu.wait_dma2 semaphore(%run_scoped3A_239 : memref<!tpu.dma_semaphore, #tpu.memory_space<semaphore_mem>>) src(%dma_wait3A_259 : memref<113x128xbf16, #tpu.memory_space<vmem>>) dst(%dma_wait3A_256 : memref<113x128xbf16, #tpu.memory_space<vmem_shared>>)
        tpu.yield
      }) : () -> ()
    } else {
    }
    %run_scoped3A = arith.constant 0 : i32
    "tpu.region"() ({
      %run_scoped3A_211 = tpu.sem_alloc : memref<!tpu.dma_semaphore, #tpu.memory_space<semaphore_mem>>
      %dma_start3A_212 = arith.constant 0 : i32
      %dma_start3A_213 = arith.constant 0 : i32
      %dma_start3A_214 = tpu.memref_slice %arg3[%run_scoped3A, %add3A, %dma_start3A_212, %dma_start3A_213] : memref<2x32x80x128xi32, #tpu.memory_space<hbm>> -> memref<1x1x80x128xi32, #tpu.memory_space<hbm>>
      %dma_start3A_215 = tpu.memref_squeeze %dma_start3A_214 : memref<1x1x80x128xi32, #tpu.memory_space<hbm>> -> memref<80x128xi32, #tpu.memory_space<hbm>>
      %dma_start3A_216 = arith.constant 0 : i32
      %dma_start3A_217 = arith.constant 0 : i32
      %dma_start3A_218 = tpu.memref_slice %arg3[%run_scoped3A, %add3A, %dma_start3A_216, %dma_start3A_217] : memref<2x32x80x128xi32, #tpu.memory_space<hbm>> -> memref<1x1x80x128xi32, #tpu.memory_space<hbm>>
      %dma_start3A_219 = tpu.memref_squeeze %dma_start3A_218 : memref<1x1x80x128xi32, #tpu.memory_space<hbm>> -> memref<80x128xi32, #tpu.memory_space<hbm>>
      tpu.enqueue_dma source(%dma_start3A_219 : memref<80x128xi32, #tpu.memory_space<hbm>>) target(%arg5 : memref<80x128xi32, #tpu.memory_space<vmem>>) target_semaphore(%run_scoped3A_211 : memref<!tpu.dma_semaphore, #tpu.memory_space<semaphore_mem>>)
      %dma_wait3A_220 = arith.constant 0 : i32
      %dma_wait3A_221 = arith.constant 0 : i32
      %dma_wait3A_222 = tpu.memref_slice %arg3[%run_scoped3A, %add3A, %dma_wait3A_220, %dma_wait3A_221] : memref<2x32x80x128xi32, #tpu.memory_space<hbm>> -> memref<1x1x80x128xi32, #tpu.memory_space<hbm>>
      %dma_wait3A_223 = tpu.memref_squeeze %dma_wait3A_222 : memref<1x1x80x128xi32, #tpu.memory_space<hbm>> -> memref<80x128xi32, #tpu.memory_space<hbm>>
      %dma_wait3A_224 = arith.constant 0 : i32
      %dma_wait3A_225 = arith.constant 0 : i32
      %dma_wait3A_226 = tpu.memref_slice %arg3[%run_scoped3A, %add3A, %dma_wait3A_224, %dma_wait3A_225] : memref<2x32x80x128xi32, #tpu.memory_space<hbm>> -> memref<1x1x80x128xi32, #tpu.memory_space<hbm>>
      %dma_wait3A_227 = tpu.memref_squeeze %dma_wait3A_226 : memref<1x1x80x128xi32, #tpu.memory_space<hbm>> -> memref<80x128xi32, #tpu.memory_space<hbm>>
      tpu.wait_dma2 semaphore(%run_scoped3A_211 : memref<!tpu.dma_semaphore, #tpu.memory_space<semaphore_mem>>) src(%dma_wait3A_227 : memref<80x128xi32, #tpu.memory_space<hbm>>) dst(%arg5 : memref<80x128xi32, #tpu.memory_space<vmem>>)
      tpu.yield
    }) : () -> ()
    %run_scoped3A_7 = arith.constant 1 : i32
    "tpu.region"() ({
      %run_scoped3A_211 = tpu.sem_alloc : memref<!tpu.dma_semaphore, #tpu.memory_space<semaphore_mem>>
      %dma_start3A_212 = arith.constant 0 : i32
      %dma_start3A_213 = arith.constant 0 : i32
      %dma_start3A_214 = tpu.memref_slice %arg3[%run_scoped3A_7, %add3A, %dma_start3A_212, %dma_start3A_213] : memref<2x32x80x128xi32, #tpu.memory_space<hbm>> -> memref<1x1x80x128xi32, #tpu.memory_space<hbm>>
      %dma_start3A_215 = tpu.memref_squeeze %dma_start3A_214 : memref<1x1x80x128xi32, #tpu.memory_space<hbm>> -> memref<80x128xi32, #tpu.memory_space<hbm>>
      %dma_start3A_216 = arith.constant 0 : i32
      %dma_start3A_217 = arith.constant 0 : i32
      %dma_start3A_218 = tpu.memref_slice %arg3[%run_scoped3A_7, %add3A, %dma_start3A_216, %dma_start3A_217] : memref<2x32x80x128xi32, #tpu.memory_space<hbm>> -> memref<1x1x80x128xi32, #tpu.memory_space<hbm>>
      %dma_start3A_219 = tpu.memref_squeeze %dma_start3A_218 : memref<1x1x80x128xi32, #tpu.memory_space<hbm>> -> memref<80x128xi32, #tpu.memory_space<hbm>>
      tpu.enqueue_dma source(%dma_start3A_219 : memref<80x128xi32, #tpu.memory_space<hbm>>) target(%arg6 : memref<80x128xi32, #tpu.memory_space<vmem>>) target_semaphore(%run_scoped3A_211 : memref<!tpu.dma_semaphore, #tpu.memory_space<semaphore_mem>>)
      %dma_wait3A_220 = arith.constant 0 : i32
      %dma_wait3A_221 = arith.constant 0 : i32
      %dma_wait3A_222 = tpu.memref_slice %arg3[%run_scoped3A_7, %add3A, %dma_wait3A_220, %dma_wait3A_221] : memref<2x32x80x128xi32, #tpu.memory_space<hbm>> -> memref<1x1x80x128xi32, #tpu.memory_space<hbm>>
      %dma_wait3A_223 = tpu.memref_squeeze %dma_wait3A_222 : memref<1x1x80x128xi32, #tpu.memory_space<hbm>> -> memref<80x128xi32, #tpu.memory_space<hbm>>
      %dma_wait3A_224 = arith.constant 0 : i32
      %dma_wait3A_225 = arith.constant 0 : i32
      %dma_wait3A_226 = tpu.memref_slice %arg3[%run_scoped3A_7, %add3A, %dma_wait3A_224, %dma_wait3A_225] : memref<2x32x80x128xi32, #tpu.memory_space<hbm>> -> memref<1x1x80x128xi32, #tpu.memory_space<hbm>>
      %dma_wait3A_227 = tpu.memref_squeeze %dma_wait3A_226 : memref<1x1x80x128xi32, #tpu.memory_space<hbm>> -> memref<80x128xi32, #tpu.memory_space<hbm>>
      tpu.wait_dma2 semaphore(%run_scoped3A_211 : memref<!tpu.dma_semaphore, #tpu.memory_space<semaphore_mem>>) src(%dma_wait3A_227 : memref<80x128xi32, #tpu.memory_space<hbm>>) dst(%arg6 : memref<80x128xi32, #tpu.memory_space<vmem>>)
      tpu.yield
    }) : () -> ()
    %barrier3A = arith.constant 0 : index
    tpu.barrier barrier_id(%barrier3A)
    %dma_start3A = arith.constant 0 : i32
    %dma_start3A_8 = arith.constant 0 : i32
    %dma_start3A_9 = tpu.memref_slice %arg5[%dma_start3A, %dma_start3A_8] : memref<80x128xi32, #tpu.memory_space<vmem>> -> memref<1x128xi32, #tpu.memory_space<vmem>>
    %dma_start3A_10 = tpu.memref_squeeze %dma_start3A_9 : memref<1x128xi32, #tpu.memory_space<vmem>> -> memref<128xi32, #tpu.memory_space<vmem>>
    %dma_start3A_11 = arith.constant 0 : i32
    %dma_start3A_12 = arith.constant 0 : i32
    %dma_start3A_13 = tpu.memref_slice %arg2[%dma_start3A_11, %dma_start3A_12] : memref<10000x128xbf16, #tpu.memory_space<hbm>> -> memref<10000x128xbf16, #tpu.memory_space<hbm>>
    tpu.enqueue_indirect_dma source(%dma_start3A_13 : memref<10000x128xbf16, #tpu.memory_space<hbm>>) target(%arg7 : memref<128x128xbf16, #tpu.memory_space<vmem>>) offsets(%dma_start3A_10 : memref<128xi32, #tpu.memory_space<vmem>>) semaphore(%arg12 : memref<!tpu.dma_semaphore, #tpu.memory_space<semaphore_mem>>)
    %dma_start3A_14 = arith.constant 1 : i32
    %dma_start3A_15 = arith.constant 0 : i32
    %dma_start3A_16 = tpu.memref_slice %arg5[%dma_start3A_14, %dma_start3A_15] : memref<80x128xi32, #tpu.memory_space<vmem>> -> memref<1x128xi32, #tpu.memory_space<vmem>>
    %dma_start3A_17 = tpu.memref_squeeze %dma_start3A_16 : memref<1x128xi32, #tpu.memory_space<vmem>> -> memref<128xi32, #tpu.memory_space<vmem>>
    %dma_start3A_18 = arith.constant 0 : i32
    %dma_start3A_19 = arith.constant 0 : i32
    %dma_start3A_20 = tpu.memref_slice %arg2[%dma_start3A_18, %dma_start3A_19] : memref<10000x128xbf16, #tpu.memory_space<hbm>> -> memref<10000x128xbf16, #tpu.memory_space<hbm>>
    tpu.enqueue_indirect_dma source(%dma_start3A_20 : memref<10000x128xbf16, #tpu.memory_space<hbm>>) target(%arg8 : memref<128x128xbf16, #tpu.memory_space<vmem>>) offsets(%dma_start3A_17 : memref<128xi32, #tpu.memory_space<vmem>>) semaphore(%arg13 : memref<!tpu.dma_semaphore, #tpu.memory_space<semaphore_mem>>)
    %dma_start3A_21 = arith.constant 2 : i32
    %dma_start3A_22 = arith.constant 0 : i32
    %dma_start3A_23 = tpu.memref_slice %arg5[%dma_start3A_21, %dma_start3A_22] : memref<80x128xi32, #tpu.memory_space<vmem>> -> memref<1x128xi32, #tpu.memory_space<vmem>>
    %dma_start3A_24 = tpu.memref_squeeze %dma_start3A_23 : memref<1x128xi32, #tpu.memory_space<vmem>> -> memref<128xi32, #tpu.memory_space<vmem>>
    %dma_start3A_25 = arith.constant 0 : i32
    %dma_start3A_26 = arith.constant 0 : i32
    %dma_start3A_27 = tpu.memref_slice %arg2[%dma_start3A_25, %dma_start3A_26] : memref<10000x128xbf16, #tpu.memory_space<hbm>> -> memref<10000x128xbf16, #tpu.memory_space<hbm>>
    tpu.enqueue_indirect_dma source(%dma_start3A_27 : memref<10000x128xbf16, #tpu.memory_space<hbm>>) target(%arg9 : memref<128x128xbf16, #tpu.memory_space<vmem>>) offsets(%dma_start3A_24 : memref<128xi32, #tpu.memory_space<vmem>>) semaphore(%arg14 : memref<!tpu.dma_semaphore, #tpu.memory_space<semaphore_mem>>)
    %scan3A = arith.constant 0 : i32
    %scan3A_28 = arith.constant 0 : i32
    %scan3A_29 = arith.constant 25 : i32
    %scan3A_30 = arith.addi %scan3A_28, %scan3A_29 : i32
    %scan3A_31 = arith.constant 1 : i32
    %scan3A_32 = scf.for %scan3A_211 = %scan3A_28 to %scan3A_30 step %scan3A_31 iter_args(%scan3A_212 = %scan3A) -> (i32)  : i32 {
      %mul3A_213 = arith.constant 3 : i32
      %mul3A_214 = arith.muli %mul3A_213, %scan3A_211 : i32
      %dma_wait3A_215 = arith.constant 0 : i32
      %dma_wait3A_216 = tpu.memref_slice %arg5[%mul3A_214, %dma_wait3A_215] : memref<80x128xi32, #tpu.memory_space<vmem>> -> memref<1x128xi32, #tpu.memory_space<vmem>>
      %dma_wait3A_217 = tpu.memref_squeeze %dma_wait3A_216 : memref<1x128xi32, #tpu.memory_space<vmem>> -> memref<128xi32, #tpu.memory_space<vmem>>
      %dma_wait3A_218 = arith.constant 0 : i32
      %dma_wait3A_219 = arith.constant 0 : i32
      %dma_wait3A_220 = tpu.memref_slice %arg2[%dma_wait3A_218, %dma_wait3A_219] : memref<10000x128xbf16, #tpu.memory_space<hbm>> -> memref<10000x128xbf16, #tpu.memory_space<hbm>>
      tpu.wait_indirect_dma semaphore(%arg12 : memref<!tpu.dma_semaphore, #tpu.memory_space<semaphore_mem>>) src(%dma_wait3A_220 : memref<10000x128xbf16, #tpu.memory_space<hbm>>) dst(%arg7 : memref<128x128xbf16, #tpu.memory_space<vmem>>)
      %dma_start3A_221 = arith.constant 0 : i32
      %dma_start3A_222 = tpu.memref_slice %arg6[%mul3A_214, %dma_start3A_221] : memref<80x128xi32, #tpu.memory_space<vmem>> -> memref<1x128xi32, #tpu.memory_space<vmem>>
      %dma_start3A_223 = tpu.memref_squeeze %dma_start3A_222 : memref<1x128xi32, #tpu.memory_space<vmem>> -> memref<128xi32, #tpu.memory_space<vmem>>
      %dma_start3A_224 = arith.constant 0 : i32
      %dma_start3A_225 = arith.constant 0 : i32
      %dma_start3A_226 = tpu.memref_slice %arg11[%dma_start3A_224, %dma_start3A_225] : memref<10016x128xbf16, #tpu.memory_space<vmem_shared>> -> memref<10016x128xbf16, #tpu.memory_space<vmem_shared>>
      tpu.enqueue_indirect_dma source(%arg7 : memref<128x128xbf16, #tpu.memory_space<vmem>>) target(%dma_start3A_226 : memref<10016x128xbf16, #tpu.memory_space<vmem_shared>>) offsets(%dma_start3A_223 : memref<128xi32, #tpu.memory_space<vmem>>) semaphore(%arg15 : memref<!tpu.dma_semaphore, #tpu.memory_space<semaphore_mem>>) {add = true}
      %add3A_227 = arith.constant 1 : i32
      %add3A_228 = arith.addi %mul3A_214, %add3A_227 : i32
      %dma_wait3A_229 = arith.constant 0 : i32
      %dma_wait3A_230 = tpu.memref_slice %arg5[%add3A_228, %dma_wait3A_229] : memref<80x128xi32, #tpu.memory_space<vmem>> -> memref<1x128xi32, #tpu.memory_space<vmem>>
      %dma_wait3A_231 = tpu.memref_squeeze %dma_wait3A_230 : memref<1x128xi32, #tpu.memory_space<vmem>> -> memref<128xi32, #tpu.memory_space<vmem>>
      %dma_wait3A_232 = arith.constant 0 : i32
      %dma_wait3A_233 = arith.constant 0 : i32
      %dma_wait3A_234 = tpu.memref_slice %arg2[%dma_wait3A_232, %dma_wait3A_233] : memref<10000x128xbf16, #tpu.memory_space<hbm>> -> memref<10000x128xbf16, #tpu.memory_space<hbm>>
      tpu.wait_indirect_dma semaphore(%arg13 : memref<!tpu.dma_semaphore, #tpu.memory_space<semaphore_mem>>) src(%dma_wait3A_234 : memref<10000x128xbf16, #tpu.memory_space<hbm>>) dst(%arg8 : memref<128x128xbf16, #tpu.memory_space<vmem>>)
      %add3A_235 = arith.constant 1 : i32
      %add3A_236 = arith.addi %mul3A_214, %add3A_235 : i32
      %dma_start3A_237 = arith.constant 0 : i32
      %dma_start3A_238 = tpu.memref_slice %arg6[%add3A_236, %dma_start3A_237] : memref<80x128xi32, #tpu.memory_space<vmem>> -> memref<1x128xi32, #tpu.memory_space<vmem>>
      %dma_start3A_239 = tpu.memref_squeeze %dma_start3A_238 : memref<1x128xi32, #tpu.memory_space<vmem>> -> memref<128xi32, #tpu.memory_space<vmem>>
      %dma_start3A_240 = arith.constant 0 : i32
      %dma_start3A_241 = arith.constant 0 : i32
      %dma_start3A_242 = tpu.memref_slice %arg11[%dma_start3A_240, %dma_start3A_241] : memref<10016x128xbf16, #tpu.memory_space<vmem_shared>> -> memref<10016x128xbf16, #tpu.memory_space<vmem_shared>>
      tpu.enqueue_indirect_dma source(%arg8 : memref<128x128xbf16, #tpu.memory_space<vmem>>) target(%dma_start3A_242 : memref<10016x128xbf16, #tpu.memory_space<vmem_shared>>) offsets(%dma_start3A_239 : memref<128xi32, #tpu.memory_space<vmem>>) semaphore(%arg16 : memref<!tpu.dma_semaphore, #tpu.memory_space<semaphore_mem>>) {add = true}
      %add3A_243 = arith.constant 2 : i32
      %add3A_244 = arith.addi %mul3A_214, %add3A_243 : i32
      %dma_wait3A_245 = arith.constant 0 : i32
      %dma_wait3A_246 = tpu.memref_slice %arg5[%add3A_244, %dma_wait3A_245] : memref<80x128xi32, #tpu.memory_space<vmem>> -> memref<1x128xi32, #tpu.memory_space<vmem>>
      %dma_wait3A_247 = tpu.memref_squeeze %dma_wait3A_246 : memref<1x128xi32, #tpu.memory_space<vmem>> -> memref<128xi32, #tpu.memory_space<vmem>>
      %dma_wait3A_248 = arith.constant 0 : i32
      %dma_wait3A_249 = arith.constant 0 : i32
      %dma_wait3A_250 = tpu.memref_slice %arg2[%dma_wait3A_248, %dma_wait3A_249] : memref<10000x128xbf16, #tpu.memory_space<hbm>> -> memref<10000x128xbf16, #tpu.memory_space<hbm>>
      tpu.wait_indirect_dma semaphore(%arg14 : memref<!tpu.dma_semaphore, #tpu.memory_space<semaphore_mem>>) src(%dma_wait3A_250 : memref<10000x128xbf16, #tpu.memory_space<hbm>>) dst(%arg9 : memref<128x128xbf16, #tpu.memory_space<vmem>>)
      %add3A_251 = arith.constant 2 : i32
      %add3A_252 = arith.addi %mul3A_214, %add3A_251 : i32
      %dma_start3A_253 = arith.constant 0 : i32
      %dma_start3A_254 = tpu.memref_slice %arg6[%add3A_252, %dma_start3A_253] : memref<80x128xi32, #tpu.memory_space<vmem>> -> memref<1x128xi32, #tpu.memory_space<vmem>>
      %dma_start3A_255 = tpu.memref_squeeze %dma_start3A_254 : memref<1x128xi32, #tpu.memory_space<vmem>> -> memref<128xi32, #tpu.memory_space<vmem>>
      %dma_start3A_256 = arith.constant 0 : i32
      %dma_start3A_257 = arith.constant 0 : i32
      %dma_start3A_258 = tpu.memref_slice %arg11[%dma_start3A_256, %dma_start3A_257] : memref<10016x128xbf16, #tpu.memory_space<vmem_shared>> -> memref<10016x128xbf16, #tpu.memory_space<vmem_shared>>
      tpu.enqueue_indirect_dma source(%arg9 : memref<128x128xbf16, #tpu.memory_space<vmem>>) target(%dma_start3A_258 : memref<10016x128xbf16, #tpu.memory_space<vmem_shared>>) offsets(%dma_start3A_255 : memref<128xi32, #tpu.memory_space<vmem>>) semaphore(%arg17 : memref<!tpu.dma_semaphore, #tpu.memory_space<semaphore_mem>>) {add = true}
      %dma_wait3A_259 = arith.constant 0 : i32
      %dma_wait3A_260 = tpu.memref_slice %arg6[%mul3A_214, %dma_wait3A_259] : memref<80x128xi32, #tpu.memory_space<vmem>> -> memref<1x128xi32, #tpu.memory_space<vmem>>
      %dma_wait3A_261 = tpu.memref_squeeze %dma_wait3A_260 : memref<1x128xi32, #tpu.memory_space<vmem>> -> memref<128xi32, #tpu.memory_space<vmem>>
      %dma_wait3A_262 = arith.constant 0 : i32
      %dma_wait3A_263 = arith.constant 0 : i32
      %dma_wait3A_264 = tpu.memref_slice %arg11[%dma_wait3A_262, %dma_wait3A_263] : memref<10016x128xbf16, #tpu.memory_space<vmem_shared>> -> memref<10016x128xbf16, #tpu.memory_space<vmem_shared>>
      tpu.wait_indirect_dma semaphore(%arg15 : memref<!tpu.dma_semaphore, #tpu.memory_space<semaphore_mem>>) src(%arg7 : memref<128x128xbf16, #tpu.memory_space<vmem>>) dst(%dma_wait3A_264 : memref<10016x128xbf16, #tpu.memory_space<vmem_shared>>)
      %add3A_265 = arith.constant 3 : i32
      %add3A_266 = arith.addi %mul3A_214, %add3A_265 : i32
      %dma_start3A_267 = arith.constant 0 : i32
      %dma_start3A_268 = tpu.memref_slice %arg5[%add3A_266, %dma_start3A_267] : memref<80x128xi32, #tpu.memory_space<vmem>> -> memref<1x128xi32, #tpu.memory_space<vmem>>
      %dma_start3A_269 = tpu.memref_squeeze %dma_start3A_268 : memref<1x128xi32, #tpu.memory_space<vmem>> -> memref<128xi32, #tpu.memory_space<vmem>>
      %dma_start3A_270 = arith.constant 0 : i32
      %dma_start3A_271 = arith.constant 0 : i32
      %dma_start3A_272 = tpu.memref_slice %arg2[%dma_start3A_270, %dma_start3A_271] : memref<10000x128xbf16, #tpu.memory_space<hbm>> -> memref<10000x128xbf16, #tpu.memory_space<hbm>>
      tpu.enqueue_indirect_dma source(%dma_start3A_272 : memref<10000x128xbf16, #tpu.memory_space<hbm>>) target(%arg7 : memref<128x128xbf16, #tpu.memory_space<vmem>>) offsets(%dma_start3A_269 : memref<128xi32, #tpu.memory_space<vmem>>) semaphore(%arg12 : memref<!tpu.dma_semaphore, #tpu.memory_space<semaphore_mem>>)
      %add3A_273 = arith.constant 1 : i32
      %add3A_274 = arith.addi %mul3A_214, %add3A_273 : i32
      %dma_wait3A_275 = arith.constant 0 : i32
      %dma_wait3A_276 = tpu.memref_slice %arg6[%add3A_274, %dma_wait3A_275] : memref<80x128xi32, #tpu.memory_space<vmem>> -> memref<1x128xi32, #tpu.memory_space<vmem>>
      %dma_wait3A_277 = tpu.memref_squeeze %dma_wait3A_276 : memref<1x128xi32, #tpu.memory_space<vmem>> -> memref<128xi32, #tpu.memory_space<vmem>>
      %dma_wait3A_278 = arith.constant 0 : i32
      %dma_wait3A_279 = arith.constant 0 : i32
      %dma_wait3A_280 = tpu.memref_slice %arg11[%dma_wait3A_278, %dma_wait3A_279] : memref<10016x128xbf16, #tpu.memory_space<vmem_shared>> -> memref<10016x128xbf16, #tpu.memory_space<vmem_shared>>
      tpu.wait_indirect_dma semaphore(%arg16 : memref<!tpu.dma_semaphore, #tpu.memory_space<semaphore_mem>>) src(%arg8 : memref<128x128xbf16, #tpu.memory_space<vmem>>) dst(%dma_wait3A_280 : memref<10016x128xbf16, #tpu.memory_space<vmem_shared>>)
      %add3A_281 = arith.constant 4 : i32
      %add3A_282 = arith.addi %mul3A_214, %add3A_281 : i32
      %dma_start3A_283 = arith.constant 0 : i32
      %dma_start3A_284 = tpu.memref_slice %arg5[%add3A_282, %dma_start3A_283] : memref<80x128xi32, #tpu.memory_space<vmem>> -> memref<1x128xi32, #tpu.memory_space<vmem>>
      %dma_start3A_285 = tpu.memref_squeeze %dma_start3A_284 : memref<1x128xi32, #tpu.memory_space<vmem>> -> memref<128xi32, #tpu.memory_space<vmem>>
      %dma_start3A_286 = arith.constant 0 : i32
      %dma_start3A_287 = arith.constant 0 : i32
      %dma_start3A_288 = tpu.memref_slice %arg2[%dma_start3A_286, %dma_start3A_287] : memref<10000x128xbf16, #tpu.memory_space<hbm>> -> memref<10000x128xbf16, #tpu.memory_space<hbm>>
      tpu.enqueue_indirect_dma source(%dma_start3A_288 : memref<10000x128xbf16, #tpu.memory_space<hbm>>) target(%arg8 : memref<128x128xbf16, #tpu.memory_space<vmem>>) offsets(%dma_start3A_285 : memref<128xi32, #tpu.memory_space<vmem>>) semaphore(%arg13 : memref<!tpu.dma_semaphore, #tpu.memory_space<semaphore_mem>>)
      %add3A_289 = arith.constant 2 : i32
      %add3A_290 = arith.addi %mul3A_214, %add3A_289 : i32
      %dma_wait3A_291 = arith.constant 0 : i32
      %dma_wait3A_292 = tpu.memref_slice %arg6[%add3A_290, %dma_wait3A_291] : memref<80x128xi32, #tpu.memory_space<vmem>> -> memref<1x128xi32, #tpu.memory_space<vmem>>
      %dma_wait3A_293 = tpu.memref_squeeze %dma_wait3A_292 : memref<1x128xi32, #tpu.memory_space<vmem>> -> memref<128xi32, #tpu.memory_space<vmem>>
      %dma_wait3A_294 = arith.constant 0 : i32
      %dma_wait3A_295 = arith.constant 0 : i32
      %dma_wait3A_296 = tpu.memref_slice %arg11[%dma_wait3A_294, %dma_wait3A_295] : memref<10016x128xbf16, #tpu.memory_space<vmem_shared>> -> memref<10016x128xbf16, #tpu.memory_space<vmem_shared>>
      tpu.wait_indirect_dma semaphore(%arg17 : memref<!tpu.dma_semaphore, #tpu.memory_space<semaphore_mem>>) src(%arg9 : memref<128x128xbf16, #tpu.memory_space<vmem>>) dst(%dma_wait3A_296 : memref<10016x128xbf16, #tpu.memory_space<vmem_shared>>)
      %add3A_297 = arith.constant 5 : i32
      %add3A_298 = arith.addi %mul3A_214, %add3A_297 : i32
      %dma_start3A_299 = arith.constant 0 : i32
      %dma_start3A_300 = tpu.memref_slice %arg5[%add3A_298, %dma_start3A_299] : memref<80x128xi32, #tpu.memory_space<vmem>> -> memref<1x128xi32, #tpu.memory_space<vmem>>
      %dma_start3A_301 = tpu.memref_squeeze %dma_start3A_300 : memref<1x128xi32, #tpu.memory_space<vmem>> -> memref<128xi32, #tpu.memory_space<vmem>>
      %dma_start3A_302 = arith.constant 0 : i32
      %dma_start3A_303 = arith.constant 0 : i32
      %dma_start3A_304 = tpu.memref_slice %arg2[%dma_start3A_302, %dma_start3A_303] : memref<10000x128xbf16, #tpu.memory_space<hbm>> -> memref<10000x128xbf16, #tpu.memory_space<hbm>>
      tpu.enqueue_indirect_dma source(%dma_start3A_304 : memref<10000x128xbf16, #tpu.memory_space<hbm>>) target(%arg9 : memref<128x128xbf16, #tpu.memory_space<vmem>>) offsets(%dma_start3A_301 : memref<128xi32, #tpu.memory_space<vmem>>) semaphore(%arg14 : memref<!tpu.dma_semaphore, #tpu.memory_space<semaphore_mem>>)
      %scan3A_305 = arith.constant 0 : i32
      scf.yield %scan3A_305 : i32
    }
    %scan3A_33 = arith.constant 25 : i32
    %dma_wait3A = arith.constant 75 : i32
    %dma_wait3A_34 = arith.constant 0 : i32
    %dma_wait3A_35 = tpu.memref_slice %arg5[%dma_wait3A, %dma_wait3A_34] : memref<80x128xi32, #tpu.memory_space<vmem>> -> memref<1x128xi32, #tpu.memory_space<vmem>>
    %dma_wait3A_36 = tpu.memref_squeeze %dma_wait3A_35 : memref<1x128xi32, #tpu.memory_space<vmem>> -> memref<128xi32, #tpu.memory_space<vmem>>
    %dma_wait3A_37 = arith.constant 0 : i32
    %dma_wait3A_38 = arith.constant 0 : i32
    %dma_wait3A_39 = tpu.memref_slice %arg2[%dma_wait3A_37, %dma_wait3A_38] : memref<10000x128xbf16, #tpu.memory_space<hbm>> -> memref<10000x128xbf16, #tpu.memory_space<hbm>>
    tpu.wait_indirect_dma semaphore(%arg12 : memref<!tpu.dma_semaphore, #tpu.memory_space<semaphore_mem>>) src(%dma_wait3A_39 : memref<10000x128xbf16, #tpu.memory_space<hbm>>) dst(%arg7 : memref<128x128xbf16, #tpu.memory_space<vmem>>)
    %dma_start3A_40 = arith.constant 75 : i32
    %dma_start3A_41 = arith.constant 0 : i32
    %dma_start3A_42 = tpu.memref_slice %arg6[%dma_start3A_40, %dma_start3A_41] : memref<80x128xi32, #tpu.memory_space<vmem>> -> memref<1x128xi32, #tpu.memory_space<vmem>>
    %dma_start3A_43 = tpu.memref_squeeze %dma_start3A_42 : memref<1x128xi32, #tpu.memory_space<vmem>> -> memref<128xi32, #tpu.memory_space<vmem>>
    %dma_start3A_44 = arith.constant 0 : i32
    %dma_start3A_45 = arith.constant 0 : i32
    %dma_start3A_46 = tpu.memref_slice %arg11[%dma_start3A_44, %dma_start3A_45] : memref<10016x128xbf16, #tpu.memory_space<vmem_shared>> -> memref<10016x128xbf16, #tpu.memory_space<vmem_shared>>
    tpu.enqueue_indirect_dma source(%arg7 : memref<128x128xbf16, #tpu.memory_space<vmem>>) target(%dma_start3A_46 : memref<10016x128xbf16, #tpu.memory_space<vmem_shared>>) offsets(%dma_start3A_43 : memref<128xi32, #tpu.memory_space<vmem>>) semaphore(%arg15 : memref<!tpu.dma_semaphore, #tpu.memory_space<semaphore_mem>>) {add = true}
    %dma_wait3A_47 = arith.constant 76 : i32
    %dma_wait3A_48 = arith.constant 0 : i32
    %dma_wait3A_49 = tpu.memref_slice %arg5[%dma_wait3A_47, %dma_wait3A_48] : memref<80x128xi32, #tpu.memory_space<vmem>> -> memref<1x128xi32, #tpu.memory_space<vmem>>
    %dma_wait3A_50 = tpu.memref_squeeze %dma_wait3A_49 : memref<1x128xi32, #tpu.memory_space<vmem>> -> memref<128xi32, #tpu.memory_space<vmem>>
    %dma_wait3A_51 = arith.constant 0 : i32
    %dma_wait3A_52 = arith.constant 0 : i32
    %dma_wait3A_53 = tpu.memref_slice %arg2[%dma_wait3A_51, %dma_wait3A_52] : memref<10000x128xbf16, #tpu.memory_space<hbm>> -> memref<10000x128xbf16, #tpu.memory_space<hbm>>
    tpu.wait_indirect_dma semaphore(%arg13 : memref<!tpu.dma_semaphore, #tpu.memory_space<semaphore_mem>>) src(%dma_wait3A_53 : memref<10000x128xbf16, #tpu.memory_space<hbm>>) dst(%arg8 : memref<128x128xbf16, #tpu.memory_space<vmem>>)
    %dma_start3A_54 = arith.constant 76 : i32
    %dma_start3A_55 = arith.constant 0 : i32
    %dma_start3A_56 = tpu.memref_slice %arg6[%dma_start3A_54, %dma_start3A_55] : memref<80x128xi32, #tpu.memory_space<vmem>> -> memref<1x128xi32, #tpu.memory_space<vmem>>
    %dma_start3A_57 = tpu.memref_squeeze %dma_start3A_56 : memref<1x128xi32, #tpu.memory_space<vmem>> -> memref<128xi32, #tpu.memory_space<vmem>>
    %dma_start3A_58 = arith.constant 0 : i32
    %dma_start3A_59 = arith.constant 0 : i32
    %dma_start3A_60 = tpu.memref_slice %arg11[%dma_start3A_58, %dma_start3A_59] : memref<10016x128xbf16, #tpu.memory_space<vmem_shared>> -> memref<10016x128xbf16, #tpu.memory_space<vmem_shared>>
    tpu.enqueue_indirect_dma source(%arg8 : memref<128x128xbf16, #tpu.memory_space<vmem>>) target(%dma_start3A_60 : memref<10016x128xbf16, #tpu.memory_space<vmem_shared>>) offsets(%dma_start3A_57 : memref<128xi32, #tpu.memory_space<vmem>>) semaphore(%arg16 : memref<!tpu.dma_semaphore, #tpu.memory_space<semaphore_mem>>) {add = true}
    %dma_wait3A_61 = arith.constant 77 : i32
    %dma_wait3A_62 = arith.constant 0 : i32
    %dma_wait3A_63 = tpu.memref_slice %arg5[%dma_wait3A_61, %dma_wait3A_62] : memref<80x128xi32, #tpu.memory_space<vmem>> -> memref<1x128xi32, #tpu.memory_space<vmem>>
    %dma_wait3A_64 = tpu.memref_squeeze %dma_wait3A_63 : memref<1x128xi32, #tpu.memory_space<vmem>> -> memref<128xi32, #tpu.memory_space<vmem>>
    %dma_wait3A_65 = arith.constant 0 : i32
    %dma_wait3A_66 = arith.constant 0 : i32
    %dma_wait3A_67 = tpu.memref_slice %arg2[%dma_wait3A_65, %dma_wait3A_66] : memref<10000x128xbf16, #tpu.memory_space<hbm>> -> memref<10000x128xbf16, #tpu.memory_space<hbm>>
    tpu.wait_indirect_dma semaphore(%arg14 : memref<!tpu.dma_semaphore, #tpu.memory_space<semaphore_mem>>) src(%dma_wait3A_67 : memref<10000x128xbf16, #tpu.memory_space<hbm>>) dst(%arg9 : memref<128x128xbf16, #tpu.memory_space<vmem>>)
    %dma_start3A_68 = arith.constant 77 : i32
    %dma_start3A_69 = arith.constant 0 : i32
    %dma_start3A_70 = tpu.memref_slice %arg6[%dma_start3A_68, %dma_start3A_69] : memref<80x128xi32, #tpu.memory_space<vmem>> -> memref<1x128xi32, #tpu.memory_space<vmem>>
    %dma_start3A_71 = tpu.memref_squeeze %dma_start3A_70 : memref<1x128xi32, #tpu.memory_space<vmem>> -> memref<128xi32, #tpu.memory_space<vmem>>
    %dma_start3A_72 = arith.constant 0 : i32
    %dma_start3A_73 = arith.constant 0 : i32
    %dma_start3A_74 = tpu.memref_slice %arg11[%dma_start3A_72, %dma_start3A_73] : memref<10016x128xbf16, #tpu.memory_space<vmem_shared>> -> memref<10016x128xbf16, #tpu.memory_space<vmem_shared>>
    tpu.enqueue_indirect_dma source(%arg9 : memref<128x128xbf16, #tpu.memory_space<vmem>>) target(%dma_start3A_74 : memref<10016x128xbf16, #tpu.memory_space<vmem_shared>>) offsets(%dma_start3A_71 : memref<128xi32, #tpu.memory_space<vmem>>) semaphore(%arg17 : memref<!tpu.dma_semaphore, #tpu.memory_space<semaphore_mem>>) {add = true}
    %dma_wait3A_75 = arith.constant 75 : i32
    %dma_wait3A_76 = arith.constant 0 : i32
    %dma_wait3A_77 = tpu.memref_slice %arg6[%dma_wait3A_75, %dma_wait3A_76] : memref<80x128xi32, #tpu.memory_space<vmem>> -> memref<1x128xi32, #tpu.memory_space<vmem>>
    %dma_wait3A_78 = tpu.memref_squeeze %dma_wait3A_77 : memref<1x128xi32, #tpu.memory_space<vmem>> -> memref<128xi32, #tpu.memory_space<vmem>>
    %dma_wait3A_79 = arith.constant 0 : i32
    %dma_wait3A_80 = arith.constant 0 : i32
    %dma_wait3A_81 = tpu.memref_slice %arg11[%dma_wait3A_79, %dma_wait3A_80] : memref<10016x128xbf16, #tpu.memory_space<vmem_shared>> -> memref<10016x128xbf16, #tpu.memory_space<vmem_shared>>
    tpu.wait_indirect_dma semaphore(%arg15 : memref<!tpu.dma_semaphore, #tpu.memory_space<semaphore_mem>>) src(%arg7 : memref<128x128xbf16, #tpu.memory_space<vmem>>) dst(%dma_wait3A_81 : memref<10016x128xbf16, #tpu.memory_space<vmem_shared>>)
    %dma_start3A_82 = arith.constant 78 : i32
    %dma_start3A_83 = arith.constant 0 : i32
    %dma_start3A_84 = tpu.memref_slice %arg5[%dma_start3A_82, %dma_start3A_83] : memref<80x128xi32, #tpu.memory_space<vmem>> -> memref<1x128xi32, #tpu.memory_space<vmem>>
    %dma_start3A_85 = tpu.memref_squeeze %dma_start3A_84 : memref<1x128xi32, #tpu.memory_space<vmem>> -> memref<128xi32, #tpu.memory_space<vmem>>
    %dma_start3A_86 = arith.constant 0 : i32
    %dma_start3A_87 = arith.constant 0 : i32
    %dma_start3A_88 = tpu.memref_slice %arg2[%dma_start3A_86, %dma_start3A_87] : memref<10000x128xbf16, #tpu.memory_space<hbm>> -> memref<10000x128xbf16, #tpu.memory_space<hbm>>
    tpu.enqueue_indirect_dma source(%dma_start3A_88 : memref<10000x128xbf16, #tpu.memory_space<hbm>>) target(%arg7 : memref<128x128xbf16, #tpu.memory_space<vmem>>) offsets(%dma_start3A_85 : memref<128xi32, #tpu.memory_space<vmem>>) semaphore(%arg12 : memref<!tpu.dma_semaphore, #tpu.memory_space<semaphore_mem>>)
    %dma_wait3A_89 = arith.constant 76 : i32
    %dma_wait3A_90 = arith.constant 0 : i32
    %dma_wait3A_91 = tpu.memref_slice %arg6[%dma_wait3A_89, %dma_wait3A_90] : memref<80x128xi32, #tpu.memory_space<vmem>> -> memref<1x128xi32, #tpu.memory_space<vmem>>
    %dma_wait3A_92 = tpu.memref_squeeze %dma_wait3A_91 : memref<1x128xi32, #tpu.memory_space<vmem>> -> memref<128xi32, #tpu.memory_space<vmem>>
    %dma_wait3A_93 = arith.constant 0 : i32
    %dma_wait3A_94 = arith.constant 0 : i32
    %dma_wait3A_95 = tpu.memref_slice %arg11[%dma_wait3A_93, %dma_wait3A_94] : memref<10016x128xbf16, #tpu.memory_space<vmem_shared>> -> memref<10016x128xbf16, #tpu.memory_space<vmem_shared>>
    tpu.wait_indirect_dma semaphore(%arg16 : memref<!tpu.dma_semaphore, #tpu.memory_space<semaphore_mem>>) src(%arg8 : memref<128x128xbf16, #tpu.memory_space<vmem>>) dst(%dma_wait3A_95 : memref<10016x128xbf16, #tpu.memory_space<vmem_shared>>)
    %dma_start3A_96 = arith.constant 79 : i32
    %dma_start3A_97 = arith.constant 0 : i32
    %dma_start3A_98 = tpu.memref_slice %arg5[%dma_start3A_96, %dma_start3A_97] : memref<80x128xi32, #tpu.memory_space<vmem>> -> memref<1x128xi32, #tpu.memory_space<vmem>>
    %dma_start3A_99 = tpu.memref_squeeze %dma_start3A_98 : memref<1x128xi32, #tpu.memory_space<vmem>> -> memref<128xi32, #tpu.memory_space<vmem>>
    %dma_start3A_100 = arith.constant 0 : i32
    %dma_start3A_101 = arith.constant 0 : i32
    %dma_start3A_102 = tpu.memref_slice %arg2[%dma_start3A_100, %dma_start3A_101] : memref<10000x128xbf16, #tpu.memory_space<hbm>> -> memref<10000x128xbf16, #tpu.memory_space<hbm>>
    tpu.enqueue_indirect_dma source(%dma_start3A_102 : memref<10000x128xbf16, #tpu.memory_space<hbm>>) target(%arg8 : memref<128x128xbf16, #tpu.memory_space<vmem>>) offsets(%dma_start3A_99 : memref<128xi32, #tpu.memory_space<vmem>>) semaphore(%arg13 : memref<!tpu.dma_semaphore, #tpu.memory_space<semaphore_mem>>)
    %dma_wait3A_103 = arith.constant 78 : i32
    %dma_wait3A_104 = arith.constant 0 : i32
    %dma_wait3A_105 = tpu.memref_slice %arg5[%dma_wait3A_103, %dma_wait3A_104] : memref<80x128xi32, #tpu.memory_space<vmem>> -> memref<1x128xi32, #tpu.memory_space<vmem>>
    %dma_wait3A_106 = tpu.memref_squeeze %dma_wait3A_105 : memref<1x128xi32, #tpu.memory_space<vmem>> -> memref<128xi32, #tpu.memory_space<vmem>>
    %dma_wait3A_107 = arith.constant 0 : i32
    %dma_wait3A_108 = arith.constant 0 : i32
    %dma_wait3A_109 = tpu.memref_slice %arg2[%dma_wait3A_107, %dma_wait3A_108] : memref<10000x128xbf16, #tpu.memory_space<hbm>> -> memref<10000x128xbf16, #tpu.memory_space<hbm>>
    tpu.wait_indirect_dma semaphore(%arg12 : memref<!tpu.dma_semaphore, #tpu.memory_space<semaphore_mem>>) src(%dma_wait3A_109 : memref<10000x128xbf16, #tpu.memory_space<hbm>>) dst(%arg7 : memref<128x128xbf16, #tpu.memory_space<vmem>>)
    %dma_start3A_110 = arith.constant 78 : i32
    %dma_start3A_111 = arith.constant 0 : i32
    %dma_start3A_112 = tpu.memref_slice %arg6[%dma_start3A_110, %dma_start3A_111] : memref<80x128xi32, #tpu.memory_space<vmem>> -> memref<1x128xi32, #tpu.memory_space<vmem>>
    %dma_start3A_113 = tpu.memref_squeeze %dma_start3A_112 : memref<1x128xi32, #tpu.memory_space<vmem>> -> memref<128xi32, #tpu.memory_space<vmem>>
    %dma_start3A_114 = arith.constant 0 : i32
    %dma_start3A_115 = arith.constant 0 : i32
    %dma_start3A_116 = tpu.memref_slice %arg11[%dma_start3A_114, %dma_start3A_115] : memref<10016x128xbf16, #tpu.memory_space<vmem_shared>> -> memref<10016x128xbf16, #tpu.memory_space<vmem_shared>>
    tpu.enqueue_indirect_dma source(%arg7 : memref<128x128xbf16, #tpu.memory_space<vmem>>) target(%dma_start3A_116 : memref<10016x128xbf16, #tpu.memory_space<vmem_shared>>) offsets(%dma_start3A_113 : memref<128xi32, #tpu.memory_space<vmem>>) semaphore(%arg15 : memref<!tpu.dma_semaphore, #tpu.memory_space<semaphore_mem>>) {add = true}
    %dma_wait3A_117 = arith.constant 79 : i32
    %dma_wait3A_118 = arith.constant 0 : i32
    %dma_wait3A_119 = tpu.memref_slice %arg5[%dma_wait3A_117, %dma_wait3A_118] : memref<80x128xi32, #tpu.memory_space<vmem>> -> memref<1x128xi32, #tpu.memory_space<vmem>>
    %dma_wait3A_120 = tpu.memref_squeeze %dma_wait3A_119 : memref<1x128xi32, #tpu.memory_space<vmem>> -> memref<128xi32, #tpu.memory_space<vmem>>
    %dma_wait3A_121 = arith.constant 0 : i32
    %dma_wait3A_122 = arith.constant 0 : i32
    %dma_wait3A_123 = tpu.memref_slice %arg2[%dma_wait3A_121, %dma_wait3A_122] : memref<10000x128xbf16, #tpu.memory_space<hbm>> -> memref<10000x128xbf16, #tpu.memory_space<hbm>>
    tpu.wait_indirect_dma semaphore(%arg13 : memref<!tpu.dma_semaphore, #tpu.memory_space<semaphore_mem>>) src(%dma_wait3A_123 : memref<10000x128xbf16, #tpu.memory_space<hbm>>) dst(%arg8 : memref<128x128xbf16, #tpu.memory_space<vmem>>)
    %dma_start3A_124 = arith.constant 79 : i32
    %dma_start3A_125 = arith.constant 0 : i32
    %dma_start3A_126 = tpu.memref_slice %arg6[%dma_start3A_124, %dma_start3A_125] : memref<80x128xi32, #tpu.memory_space<vmem>> -> memref<1x128xi32, #tpu.memory_space<vmem>>
    %dma_start3A_127 = tpu.memref_squeeze %dma_start3A_126 : memref<1x128xi32, #tpu.memory_space<vmem>> -> memref<128xi32, #tpu.memory_space<vmem>>
    %dma_start3A_128 = arith.constant 0 : i32
    %dma_start3A_129 = arith.constant 0 : i32
    %dma_start3A_130 = tpu.memref_slice %arg11[%dma_start3A_128, %dma_start3A_129] : memref<10016x128xbf16, #tpu.memory_space<vmem_shared>> -> memref<10016x128xbf16, #tpu.memory_space<vmem_shared>>
    tpu.enqueue_indirect_dma source(%arg8 : memref<128x128xbf16, #tpu.memory_space<vmem>>) target(%dma_start3A_130 : memref<10016x128xbf16, #tpu.memory_space<vmem_shared>>) offsets(%dma_start3A_127 : memref<128xi32, #tpu.memory_space<vmem>>) semaphore(%arg16 : memref<!tpu.dma_semaphore, #tpu.memory_space<semaphore_mem>>) {add = true}
    %dma_wait3A_131 = arith.constant 77 : i32
    %dma_wait3A_132 = arith.constant 0 : i32
    %dma_wait3A_133 = tpu.memref_slice %arg6[%dma_wait3A_131, %dma_wait3A_132] : memref<80x128xi32, #tpu.memory_space<vmem>> -> memref<1x128xi32, #tpu.memory_space<vmem>>
    %dma_wait3A_134 = tpu.memref_squeeze %dma_wait3A_133 : memref<1x128xi32, #tpu.memory_space<vmem>> -> memref<128xi32, #tpu.memory_space<vmem>>
    %dma_wait3A_135 = arith.constant 0 : i32
    %dma_wait3A_136 = arith.constant 0 : i32
    %dma_wait3A_137 = tpu.memref_slice %arg11[%dma_wait3A_135, %dma_wait3A_136] : memref<10016x128xbf16, #tpu.memory_space<vmem_shared>> -> memref<10016x128xbf16, #tpu.memory_space<vmem_shared>>
    tpu.wait_indirect_dma semaphore(%arg17 : memref<!tpu.dma_semaphore, #tpu.memory_space<semaphore_mem>>) src(%arg9 : memref<128x128xbf16, #tpu.memory_space<vmem>>) dst(%dma_wait3A_137 : memref<10016x128xbf16, #tpu.memory_space<vmem_shared>>)
    %dma_wait3A_138 = arith.constant 78 : i32
    %dma_wait3A_139 = arith.constant 0 : i32
    %dma_wait3A_140 = tpu.memref_slice %arg6[%dma_wait3A_138, %dma_wait3A_139] : memref<80x128xi32, #tpu.memory_space<vmem>> -> memref<1x128xi32, #tpu.memory_space<vmem>>
    %dma_wait3A_141 = tpu.memref_squeeze %dma_wait3A_140 : memref<1x128xi32, #tpu.memory_space<vmem>> -> memref<128xi32, #tpu.memory_space<vmem>>
    %dma_wait3A_142 = arith.constant 0 : i32
    %dma_wait3A_143 = arith.constant 0 : i32
    %dma_wait3A_144 = tpu.memref_slice %arg11[%dma_wait3A_142, %dma_wait3A_143] : memref<10016x128xbf16, #tpu.memory_space<vmem_shared>> -> memref<10016x128xbf16, #tpu.memory_space<vmem_shared>>
    tpu.wait_indirect_dma semaphore(%arg15 : memref<!tpu.dma_semaphore, #tpu.memory_space<semaphore_mem>>) src(%arg7 : memref<128x128xbf16, #tpu.memory_space<vmem>>) dst(%dma_wait3A_144 : memref<10016x128xbf16, #tpu.memory_space<vmem_shared>>)
    %dma_wait3A_145 = arith.constant 79 : i32
    %dma_wait3A_146 = arith.constant 0 : i32
    %dma_wait3A_147 = tpu.memref_slice %arg6[%dma_wait3A_145, %dma_wait3A_146] : memref<80x128xi32, #tpu.memory_space<vmem>> -> memref<1x128xi32, #tpu.memory_space<vmem>>
    %dma_wait3A_148 = tpu.memref_squeeze %dma_wait3A_147 : memref<1x128xi32, #tpu.memory_space<vmem>> -> memref<128xi32, #tpu.memory_space<vmem>>
    %dma_wait3A_149 = arith.constant 0 : i32
    %dma_wait3A_150 = arith.constant 0 : i32
    %dma_wait3A_151 = tpu.memref_slice %arg11[%dma_wait3A_149, %dma_wait3A_150] : memref<10016x128xbf16, #tpu.memory_space<vmem_shared>> -> memref<10016x128xbf16, #tpu.memory_space<vmem_shared>>
    tpu.wait_indirect_dma semaphore(%arg16 : memref<!tpu.dma_semaphore, #tpu.memory_space<semaphore_mem>>) src(%arg8 : memref<128x128xbf16, #tpu.memory_space<vmem>>) dst(%dma_wait3A_151 : memref<10016x128xbf16, #tpu.memory_space<vmem_shared>>)
    %barrier3A_152 = arith.constant 0 : index
    tpu.barrier barrier_id(%barrier3A_152)
    %iota3A = tpu.iota {dimensions = array<i32: 0>} : vector<16xi32>
    %mul3A_153 = arith.constant 2 : i32
    %mul3A_154 = vector.broadcast %mul3A_153 : i32 to vector<16xi32>
    %mul3A_155 = arith.muli %iota3A, %mul3A_154 : vector<16xi32>
    %mul3A_156 = arith.constant 625 : i32
    %mul3A_157 = arith.muli %arg1, %mul3A_156 : i32
    %add3A_158 = arith.constant 0 : i32
    %add3A_159 = arith.addi %mul3A_157, %add3A_158 : i32
    "tpu.region"() ({
      %run_scoped3A_211 = tpu.sem_alloc : memref<!tpu.dma_semaphore, #tpu.memory_space<semaphore_mem>>
      %dma_start3A_212 = arith.constant 0 : i32
      %dma_start3A_213 = arith.constant 0 : i32
      %dma_start3A_214 = tpu.memref_slice %arg7[%dma_start3A_212, %dma_start3A_213] : memref<128x128xbf16, #tpu.memory_space<vmem>> -> memref<125x128xbf16, #tpu.memory_space<vmem>>
      %dma_start3A_215 = arith.constant 0 : i32
      %dma_start3A_216 = tpu.memref_slice %arg11[%add3A_159, %dma_start3A_215] : memref<10016x128xbf16, #tpu.memory_space<vmem_shared>> -> memref<125x128xbf16, #tpu.memory_space<vmem_shared>>
      %dma_start3A_217 = arith.constant 0 : i32
      %dma_start3A_218 = arith.constant 0 : i32
      %dma_start3A_219 = tpu.memref_slice %arg7[%dma_start3A_217, %dma_start3A_218] : memref<128x128xbf16, #tpu.memory_space<vmem>> -> memref<125x128xbf16, #tpu.memory_space<vmem>>
      %dma_start3A_220 = arith.constant 0 : i32
      %dma_start3A_221 = tpu.memref_slice %arg11[%add3A_159, %dma_start3A_220] : memref<10016x128xbf16, #tpu.memory_space<vmem_shared>> -> memref<125x128xbf16, #tpu.memory_space<vmem_shared>>
      tpu.enqueue_dma source(%dma_start3A_221 : memref<125x128xbf16, #tpu.memory_space<vmem_shared>>) target(%dma_start3A_219 : memref<125x128xbf16, #tpu.memory_space<vmem>>) target_semaphore(%run_scoped3A_211 : memref<!tpu.dma_semaphore, #tpu.memory_space<semaphore_mem>>)
      %dma_wait3A_222 = arith.constant 0 : i32
      %dma_wait3A_223 = arith.constant 0 : i32
      %dma_wait3A_224 = tpu.memref_slice %arg7[%dma_wait3A_222, %dma_wait3A_223] : memref<128x128xbf16, #tpu.memory_space<vmem>> -> memref<125x128xbf16, #tpu.memory_space<vmem>>
      %dma_wait3A_225 = arith.constant 0 : i32
      %dma_wait3A_226 = tpu.memref_slice %arg11[%add3A_159, %dma_wait3A_225] : memref<10016x128xbf16, #tpu.memory_space<vmem_shared>> -> memref<125x128xbf16, #tpu.memory_space<vmem_shared>>
      %dma_wait3A_227 = arith.constant 0 : i32
      %dma_wait3A_228 = arith.constant 0 : i32
      %dma_wait3A_229 = tpu.memref_slice %arg7[%dma_wait3A_227, %dma_wait3A_228] : memref<128x128xbf16, #tpu.memory_space<vmem>> -> memref<125x128xbf16, #tpu.memory_space<vmem>>
      %dma_wait3A_230 = arith.constant 0 : i32
      %dma_wait3A_231 = tpu.memref_slice %arg11[%add3A_159, %dma_wait3A_230] : memref<10016x128xbf16, #tpu.memory_space<vmem_shared>> -> memref<125x128xbf16, #tpu.memory_space<vmem_shared>>
      tpu.wait_dma2 semaphore(%run_scoped3A_211 : memref<!tpu.dma_semaphore, #tpu.memory_space<semaphore_mem>>) src(%dma_wait3A_231 : memref<125x128xbf16, #tpu.memory_space<vmem_shared>>) dst(%dma_wait3A_229 : memref<125x128xbf16, #tpu.memory_space<vmem>>)
      tpu.yield
    }) : () -> ()
    %scan3A_160 = arith.constant 0 : i32
    %scan3A_161 = arith.constant 0 : i32
    %scan3A_162 = arith.constant 125 : i32
    %scan3A_163 = arith.addi %scan3A_161, %scan3A_162 : i32
    %scan3A_164 = arith.constant 1 : i32
    %scan3A_165 = scf.for %scan3A_211 = %scan3A_161 to %scan3A_163 step %scan3A_164 iter_args(%scan3A_212 = %scan3A_160) -> (i32)  : i32 {
      %broadcast_in_dim3A = arith.constant 0 : i32
      %broadcast_in_dim3A_213 = vector.broadcast %broadcast_in_dim3A : i32 to vector<16xi32>
      %add3A_214 = vector.broadcast %scan3A_211 : i32 to vector<16xi32>
      %add3A_215 = arith.addi %broadcast_in_dim3A_213, %add3A_214 : vector<16xi32>
      %get3A = arith.index_cast %scan3A_211 : i32 to index
      %get3A_216 = arith.constant 0 : index
      %get3A_217 = tpu.vector_load %arg7[%get3A, %get3A_216] {strides = array<i32>} : memref<128x128xbf16, #tpu.memory_space<vmem>>, vector<32xbf16>,
      %unpack3A = tpu.unpack_subelements %get3A_217, 0 {pack_format = #tpu.pack_format<interleaved>} : vector<32xbf16> -> vector<16xf32>
      %unpack3A_218 = tpu.unpack_subelements %get3A_217, 1 {pack_format = #tpu.pack_format<interleaved>} : vector<32xbf16> -> vector<16xf32>
      %add3A_219 = arith.constant 0 : i32
      %add3A_220 = vector.broadcast %add3A_219 : i32 to vector<16xi32>
      %add3A_221 = arith.addi %mul3A_155, %add3A_220 : vector<16xi32>
      tpu.vector_store_idx %arg10[%add3A_215, %add3A_221], %unpack3A : memref<125x128xf32, #tpu.memory_space<vmem>>[vector<16xi32>, vector<16xi32>], vector<16xf32>,
      %add3A_222 = arith.constant 1 : i32
      %add3A_223 = vector.broadcast %add3A_222 : i32 to vector<16xi32>
      %add3A_224 = arith.addi %mul3A_155, %add3A_223 : vector<16xi32>
      tpu.vector_store_idx %arg10[%add3A_215, %add3A_224], %unpack3A_218 : memref<125x128xf32, #tpu.memory_space<vmem>>[vector<16xi32>, vector<16xi32>], vector<16xf32>,
      %get3A_225 = arith.index_cast %scan3A_211 : i32 to index
      %get3A_226 = arith.constant 32 : index
      %get3A_227 = tpu.vector_load %arg7[%get3A_225, %get3A_226] {strides = array<i32>} : memref<128x128xbf16, #tpu.memory_space<vmem>>, vector<32xbf16>,
      %unpack3A_228 = tpu.unpack_subelements %get3A_227, 0 {pack_format = #tpu.pack_format<interleaved>} : vector<32xbf16> -> vector<16xf32>
      %unpack3A_229 = tpu.unpack_subelements %get3A_227, 1 {pack_format = #tpu.pack_format<interleaved>} : vector<32xbf16> -> vector<16xf32>
      %add3A_230 = arith.constant 32 : i32
      %add3A_231 = vector.broadcast %add3A_230 : i32 to vector<16xi32>
      %add3A_232 = arith.addi %mul3A_155, %add3A_231 : vector<16xi32>
      tpu.vector_store_idx %arg10[%add3A_215, %add3A_232], %unpack3A_228 : memref<125x128xf32, #tpu.memory_space<vmem>>[vector<16xi32>, vector<16xi32>], vector<16xf32>,
      %add3A_233 = arith.constant 33 : i32
      %add3A_234 = vector.broadcast %add3A_233 : i32 to vector<16xi32>
      %add3A_235 = arith.addi %mul3A_155, %add3A_234 : vector<16xi32>
      tpu.vector_store_idx %arg10[%add3A_215, %add3A_235], %unpack3A_229 : memref<125x128xf32, #tpu.memory_space<vmem>>[vector<16xi32>, vector<16xi32>], vector<16xf32>,
      %get3A_236 = arith.index_cast %scan3A_211 : i32 to index
      %get3A_237 = arith.constant 64 : index
      %get3A_238 = tpu.vector_load %arg7[%get3A_236, %get3A_237] {strides = array<i32>} : memref<128x128xbf16, #tpu.memory_space<vmem>>, vector<32xbf16>,
      %unpack3A_239 = tpu.unpack_subelements %get3A_238, 0 {pack_format = #tpu.pack_format<interleaved>} : vector<32xbf16> -> vector<16xf32>
      %unpack3A_240 = tpu.unpack_subelements %get3A_238, 1 {pack_format = #tpu.pack_format<interleaved>} : vector<32xbf16> -> vector<16xf32>
      %add3A_241 = arith.constant 64 : i32
      %add3A_242 = vector.broadcast %add3A_241 : i32 to vector<16xi32>
      %add3A_243 = arith.addi %mul3A_155, %add3A_242 : vector<16xi32>
      tpu.vector_store_idx %arg10[%add3A_215, %add3A_243], %unpack3A_239 : memref<125x128xf32, #tpu.memory_space<vmem>>[vector<16xi32>, vector<16xi32>], vector<16xf32>,
      %add3A_244 = arith.constant 65 : i32
      %add3A_245 = vector.broadcast %add3A_244 : i32 to vector<16xi32>
      %add3A_246 = arith.addi %mul3A_155, %add3A_245 : vector<16xi32>
      tpu.vector_store_idx %arg10[%add3A_215, %add3A_246], %unpack3A_240 : memref<125x128xf32, #tpu.memory_space<vmem>>[vector<16xi32>, vector<16xi32>], vector<16xf32>,
      %get3A_247 = arith.index_cast %scan3A_211 : i32 to index
      %get3A_248 = arith.constant 96 : index
      %get3A_249 = tpu.vector_load %arg7[%get3A_247, %get3A_248] {strides = array<i32>} : memref<128x128xbf16, #tpu.memory_space<vmem>>, vector<32xbf16>,
      %unpack3A_250 = tpu.unpack_subelements %get3A_249, 0 {pack_format = #tpu.pack_format<interleaved>} : vector<32xbf16> -> vector<16xf32>
      %unpack3A_251 = tpu.unpack_subelements %get3A_249, 1 {pack_format = #tpu.pack_format<interleaved>} : vector<32xbf16> -> vector<16xf32>
      %add3A_252 = arith.constant 96 : i32
      %add3A_253 = vector.broadcast %add3A_252 : i32 to vector<16xi32>
      %add3A_254 = arith.addi %mul3A_155, %add3A_253 : vector<16xi32>
      tpu.vector_store_idx %arg10[%add3A_215, %add3A_254], %unpack3A_250 : memref<125x128xf32, #tpu.memory_space<vmem>>[vector<16xi32>, vector<16xi32>], vector<16xf32>,
      %add3A_255 = arith.constant 97 : i32
      %add3A_256 = vector.broadcast %add3A_255 : i32 to vector<16xi32>
      %add3A_257 = arith.addi %mul3A_155, %add3A_256 : vector<16xi32>
      tpu.vector_store_idx %arg10[%add3A_215, %add3A_257], %unpack3A_251 : memref<125x128xf32, #tpu.memory_space<vmem>>[vector<16xi32>, vector<16xi32>], vector<16xf32>,
      %scan3A_258 = arith.constant 0 : i32
      scf.yield %scan3A_258 : i32
    }
    %scan3A_166 = arith.constant 125 : i32
    "tpu.region"() ({
      %run_scoped3A_211 = tpu.sem_alloc : memref<!tpu.dma_semaphore, #tpu.memory_space<semaphore_mem>>
      %dma_start3A_212 = arith.constant 0 : i32
      %dma_start3A_213 = tpu.memref_slice %arg4[%arg0, %add3A_159, %dma_start3A_212] : memref<2x10000x128xf32, #tpu.memory_space<hbm>> -> memref<1x125x128xf32, #tpu.memory_space<hbm>>
      %dma_start3A_214 = tpu.memref_squeeze %dma_start3A_213 : memref<1x125x128xf32, #tpu.memory_space<hbm>> -> memref<125x128xf32, #tpu.memory_space<hbm>>
      %dma_start3A_215 = arith.constant 0 : i32
      %dma_start3A_216 = tpu.memref_slice %arg4[%arg0, %add3A_159, %dma_start3A_215] : memref<2x10000x128xf32, #tpu.memory_space<hbm>> -> memref<1x125x128xf32, #tpu.memory_space<hbm>>
      %dma_start3A_217 = tpu.memref_squeeze %dma_start3A_216 : memref<1x125x128xf32, #tpu.memory_space<hbm>> -> memref<125x128xf32, #tpu.memory_space<hbm>>
      tpu.enqueue_dma source(%arg10 : memref<125x128xf32, #tpu.memory_space<vmem>>) target(%dma_start3A_217 : memref<125x128xf32, #tpu.memory_space<hbm>>) target_semaphore(%run_scoped3A_211 : memref<!tpu.dma_semaphore, #tpu.memory_space<semaphore_mem>>)
      %dma_wait3A_218 = arith.constant 0 : i32
      %dma_wait3A_219 = tpu.memref_slice %arg4[%arg0, %add3A_159, %dma_wait3A_218] : memref<2x10000x128xf32, #tpu.memory_space<hbm>> -> memref<1x125x128xf32, #tpu.memory_space<hbm>>
      %dma_wait3A_220 = tpu.memref_squeeze %dma_wait3A_219 : memref<1x125x128xf32, #tpu.memory_space<hbm>> -> memref<125x128xf32, #tpu.memory_space<hbm>>
      %dma_wait3A_221 = arith.constant 0 : i32
      %dma_wait3A_222 = tpu.memref_slice %arg4[%arg0, %add3A_159, %dma_wait3A_221] : memref<2x10000x128xf32, #tpu.memory_space<hbm>> -> memref<1x125x128xf32, #tpu.memory_space<hbm>>
      %dma_wait3A_223 = tpu.memref_squeeze %dma_wait3A_222 : memref<1x125x128xf32, #tpu.memory_space<hbm>> -> memref<125x128xf32, #tpu.memory_space<hbm>>
      tpu.wait_dma2 semaphore(%run_scoped3A_211 : memref<!tpu.dma_semaphore, #tpu.memory_space<semaphore_mem>>) src(%arg10 : memref<125x128xf32, #tpu.memory_space<vmem>>) dst(%dma_wait3A_223 : memref<125x128xf32, #tpu.memory_space<hbm>>)
      tpu.yield
    }) : () -> ()
    %mul3A_167 = arith.constant 625 : i32
    %mul3A_168 = arith.muli %arg1, %mul3A_167 : i32
    %add3A_169 = arith.constant 125 : i32
    %add3A_170 = arith.addi %mul3A_168, %add3A_169 : i32
    "tpu.region"() ({
      %run_scoped3A_211 = tpu.sem_alloc : memref<!tpu.dma_semaphore, #tpu.memory_space<semaphore_mem>>
      %dma_start3A_212 = arith.constant 0 : i32
      %dma_start3A_213 = arith.constant 0 : i32
      %dma_start3A_214 = tpu.memref_slice %arg7[%dma_start3A_212, %dma_start3A_213] : memref<128x128xbf16, #tpu.memory_space<vmem>> -> memref<125x128xbf16, #tpu.memory_space<vmem>>
      %dma_start3A_215 = arith.constant 0 : i32
      %dma_start3A_216 = tpu.memref_slice %arg11[%add3A_170, %dma_start3A_215] : memref<10016x128xbf16, #tpu.memory_space<vmem_shared>> -> memref<125x128xbf16, #tpu.memory_space<vmem_shared>>
      %dma_start3A_217 = arith.constant 0 : i32
      %dma_start3A_218 = arith.constant 0 : i32
      %dma_start3A_219 = tpu.memref_slice %arg7[%dma_start3A_217, %dma_start3A_218] : memref<128x128xbf16, #tpu.memory_space<vmem>> -> memref<125x128xbf16, #tpu.memory_space<vmem>>
      %dma_start3A_220 = arith.constant 0 : i32
      %dma_start3A_221 = tpu.memref_slice %arg11[%add3A_170, %dma_start3A_220] : memref<10016x128xbf16, #tpu.memory_space<vmem_shared>> -> memref<125x128xbf16, #tpu.memory_space<vmem_shared>>
      tpu.enqueue_dma source(%dma_start3A_221 : memref<125x128xbf16, #tpu.memory_space<vmem_shared>>) target(%dma_start3A_219 : memref<125x128xbf16, #tpu.memory_space<vmem>>) target_semaphore(%run_scoped3A_211 : memref<!tpu.dma_semaphore, #tpu.memory_space<semaphore_mem>>)
      %dma_wait3A_222 = arith.constant 0 : i32
      %dma_wait3A_223 = arith.constant 0 : i32
      %dma_wait3A_224 = tpu.memref_slice %arg7[%dma_wait3A_222, %dma_wait3A_223] : memref<128x128xbf16, #tpu.memory_space<vmem>> -> memref<125x128xbf16, #tpu.memory_space<vmem>>
      %dma_wait3A_225 = arith.constant 0 : i32
      %dma_wait3A_226 = tpu.memref_slice %arg11[%add3A_170, %dma_wait3A_225] : memref<10016x128xbf16, #tpu.memory_space<vmem_shared>> -> memref<125x128xbf16, #tpu.memory_space<vmem_shared>>
      %dma_wait3A_227 = arith.constant 0 : i32
      %dma_wait3A_228 = arith.constant 0 : i32
      %dma_wait3A_229 = tpu.memref_slice %arg7[%dma_wait3A_227, %dma_wait3A_228] : memref<128x128xbf16, #tpu.memory_space<vmem>> -> memref<125x128xbf16, #tpu.memory_space<vmem>>
      %dma_wait3A_230 = arith.constant 0 : i32
      %dma_wait3A_231 = tpu.memref_slice %arg11[%add3A_170, %dma_wait3A_230] : memref<10016x128xbf16, #tpu.memory_space<vmem_shared>> -> memref<125x128xbf16, #tpu.memory_space<vmem_shared>>
      tpu.wait_dma2 semaphore(%run_scoped3A_211 : memref<!tpu.dma_semaphore, #tpu.memory_space<semaphore_mem>>) src(%dma_wait3A_231 : memref<125x128xbf16, #tpu.memory_space<vmem_shared>>) dst(%dma_wait3A_229 : memref<125x128xbf16, #tpu.memory_space<vmem>>)
      tpu.yield
    }) : () -> ()
    %scan3A_171 = arith.constant 0 : i32
    %scan3A_172 = arith.constant 0 : i32
    %scan3A_173 = arith.constant 125 : i32
    %scan3A_174 = arith.addi %scan3A_172, %scan3A_173 : i32
    %scan3A_175 = arith.constant 1 : i32
    %scan3A_176 = scf.for %scan3A_211 = %scan3A_172 to %scan3A_174 step %scan3A_175 iter_args(%scan3A_212 = %scan3A_171) -> (i32)  : i32 {
      %broadcast_in_dim3A = arith.constant 0 : i32
      %broadcast_in_dim3A_213 = vector.broadcast %broadcast_in_dim3A : i32 to vector<16xi32>
      %add3A_214 = vector.broadcast %scan3A_211 : i32 to vector<16xi32>
      %add3A_215 = arith.addi %broadcast_in_dim3A_213, %add3A_214 : vector<16xi32>
      %get3A = arith.index_cast %scan3A_211 : i32 to index
      %get3A_216 = arith.constant 0 : index
      %get3A_217 = tpu.vector_load %arg7[%get3A, %get3A_216] {strides = array<i32>} : memref<128x128xbf16, #tpu.memory_space<vmem>>, vector<32xbf16>,
      %unpack3A = tpu.unpack_subelements %get3A_217, 0 {pack_format = #tpu.pack_format<interleaved>} : vector<32xbf16> -> vector<16xf32>
      %unpack3A_218 = tpu.unpack_subelements %get3A_217, 1 {pack_format = #tpu.pack_format<interleaved>} : vector<32xbf16> -> vector<16xf32>
      %add3A_219 = arith.constant 0 : i32
      %add3A_220 = vector.broadcast %add3A_219 : i32 to vector<16xi32>
      %add3A_221 = arith.addi %mul3A_155, %add3A_220 : vector<16xi32>
      tpu.vector_store_idx %arg10[%add3A_215, %add3A_221], %unpack3A : memref<125x128xf32, #tpu.memory_space<vmem>>[vector<16xi32>, vector<16xi32>], vector<16xf32>,
      %add3A_222 = arith.constant 1 : i32
      %add3A_223 = vector.broadcast %add3A_222 : i32 to vector<16xi32>
      %add3A_224 = arith.addi %mul3A_155, %add3A_223 : vector<16xi32>
      tpu.vector_store_idx %arg10[%add3A_215, %add3A_224], %unpack3A_218 : memref<125x128xf32, #tpu.memory_space<vmem>>[vector<16xi32>, vector<16xi32>], vector<16xf32>,
      %get3A_225 = arith.index_cast %scan3A_211 : i32 to index
      %get3A_226 = arith.constant 32 : index
      %get3A_227 = tpu.vector_load %arg7[%get3A_225, %get3A_226] {strides = array<i32>} : memref<128x128xbf16, #tpu.memory_space<vmem>>, vector<32xbf16>,
      %unpack3A_228 = tpu.unpack_subelements %get3A_227, 0 {pack_format = #tpu.pack_format<interleaved>} : vector<32xbf16> -> vector<16xf32>
      %unpack3A_229 = tpu.unpack_subelements %get3A_227, 1 {pack_format = #tpu.pack_format<interleaved>} : vector<32xbf16> -> vector<16xf32>
      %add3A_230 = arith.constant 32 : i32
      %add3A_231 = vector.broadcast %add3A_230 : i32 to vector<16xi32>
      %add3A_232 = arith.addi %mul3A_155, %add3A_231 : vector<16xi32>
      tpu.vector_store_idx %arg10[%add3A_215, %add3A_232], %unpack3A_228 : memref<125x128xf32, #tpu.memory_space<vmem>>[vector<16xi32>, vector<16xi32>], vector<16xf32>,
      %add3A_233 = arith.constant 33 : i32
      %add3A_234 = vector.broadcast %add3A_233 : i32 to vector<16xi32>
      %add3A_235 = arith.addi %mul3A_155, %add3A_234 : vector<16xi32>
      tpu.vector_store_idx %arg10[%add3A_215, %add3A_235], %unpack3A_229 : memref<125x128xf32, #tpu.memory_space<vmem>>[vector<16xi32>, vector<16xi32>], vector<16xf32>,
      %get3A_236 = arith.index_cast %scan3A_211 : i32 to index
      %get3A_237 = arith.constant 64 : index
      %get3A_238 = tpu.vector_load %arg7[%get3A_236, %get3A_237] {strides = array<i32>} : memref<128x128xbf16, #tpu.memory_space<vmem>>, vector<32xbf16>,
      %unpack3A_239 = tpu.unpack_subelements %get3A_238, 0 {pack_format = #tpu.pack_format<interleaved>} : vector<32xbf16> -> vector<16xf32>
      %unpack3A_240 = tpu.unpack_subelements %get3A_238, 1 {pack_format = #tpu.pack_format<interleaved>} : vector<32xbf16> -> vector<16xf32>
      %add3A_241 = arith.constant 64 : i32
      %add3A_242 = vector.broadcast %add3A_241 : i32 to vector<16xi32>
      %add3A_243 = arith.addi %mul3A_155, %add3A_242 : vector<16xi32>
      tpu.vector_store_idx %arg10[%add3A_215, %add3A_243], %unpack3A_239 : memref<125x128xf32, #tpu.memory_space<vmem>>[vector<16xi32>, vector<16xi32>], vector<16xf32>,
      %add3A_244 = arith.constant 65 : i32
      %add3A_245 = vector.broadcast %add3A_244 : i32 to vector<16xi32>
      %add3A_246 = arith.addi %mul3A_155, %add3A_245 : vector<16xi32>
      tpu.vector_store_idx %arg10[%add3A_215, %add3A_246], %unpack3A_240 : memref<125x128xf32, #tpu.memory_space<vmem>>[vector<16xi32>, vector<16xi32>], vector<16xf32>,
      %get3A_247 = arith.index_cast %scan3A_211 : i32 to index
      %get3A_248 = arith.constant 96 : index
      %get3A_249 = tpu.vector_load %arg7[%get3A_247, %get3A_248] {strides = array<i32>} : memref<128x128xbf16, #tpu.memory_space<vmem>>, vector<32xbf16>,
      %unpack3A_250 = tpu.unpack_subelements %get3A_249, 0 {pack_format = #tpu.pack_format<interleaved>} : vector<32xbf16> -> vector<16xf32>
      %unpack3A_251 = tpu.unpack_subelements %get3A_249, 1 {pack_format = #tpu.pack_format<interleaved>} : vector<32xbf16> -> vector<16xf32>
      %add3A_252 = arith.constant 96 : i32
      %add3A_253 = vector.broadcast %add3A_252 : i32 to vector<16xi32>
      %add3A_254 = arith.addi %mul3A_155, %add3A_253 : vector<16xi32>
      tpu.vector_store_idx %arg10[%add3A_215, %add3A_254], %unpack3A_250 : memref<125x128xf32, #tpu.memory_space<vmem>>[vector<16xi32>, vector<16xi32>], vector<16xf32>,
      %add3A_255 = arith.constant 97 : i32
      %add3A_256 = vector.broadcast %add3A_255 : i32 to vector<16xi32>
      %add3A_257 = arith.addi %mul3A_155, %add3A_256 : vector<16xi32>
      tpu.vector_store_idx %arg10[%add3A_215, %add3A_257], %unpack3A_251 : memref<125x128xf32, #tpu.memory_space<vmem>>[vector<16xi32>, vector<16xi32>], vector<16xf32>,
      %scan3A_258 = arith.constant 0 : i32
      scf.yield %scan3A_258 : i32
    }
    %scan3A_177 = arith.constant 125 : i32
    "tpu.region"() ({
      %run_scoped3A_211 = tpu.sem_alloc : memref<!tpu.dma_semaphore, #tpu.memory_space<semaphore_mem>>
      %dma_start3A_212 = arith.constant 0 : i32
      %dma_start3A_213 = tpu.memref_slice %arg4[%arg0, %add3A_170, %dma_start3A_212] : memref<2x10000x128xf32, #tpu.memory_space<hbm>> -> memref<1x125x128xf32, #tpu.memory_space<hbm>>
      %dma_start3A_214 = tpu.memref_squeeze %dma_start3A_213 : memref<1x125x128xf32, #tpu.memory_space<hbm>> -> memref<125x128xf32, #tpu.memory_space<hbm>>
      %dma_start3A_215 = arith.constant 0 : i32
      %dma_start3A_216 = tpu.memref_slice %arg4[%arg0, %add3A_170, %dma_start3A_215] : memref<2x10000x128xf32, #tpu.memory_space<hbm>> -> memref<1x125x128xf32, #tpu.memory_space<hbm>>
      %dma_start3A_217 = tpu.memref_squeeze %dma_start3A_216 : memref<1x125x128xf32, #tpu.memory_space<hbm>> -> memref<125x128xf32, #tpu.memory_space<hbm>>
      tpu.enqueue_dma source(%arg10 : memref<125x128xf32, #tpu.memory_space<vmem>>) target(%dma_start3A_217 : memref<125x128xf32, #tpu.memory_space<hbm>>) target_semaphore(%run_scoped3A_211 : memref<!tpu.dma_semaphore, #tpu.memory_space<semaphore_mem>>)
      %dma_wait3A_218 = arith.constant 0 : i32
      %dma_wait3A_219 = tpu.memref_slice %arg4[%arg0, %add3A_170, %dma_wait3A_218] : memref<2x10000x128xf32, #tpu.memory_space<hbm>> -> memref<1x125x128xf32, #tpu.memory_space<hbm>>
      %dma_wait3A_220 = tpu.memref_squeeze %dma_wait3A_219 : memref<1x125x128xf32, #tpu.memory_space<hbm>> -> memref<125x128xf32, #tpu.memory_space<hbm>>
      %dma_wait3A_221 = arith.constant 0 : i32
      %dma_wait3A_222 = tpu.memref_slice %arg4[%arg0, %add3A_170, %dma_wait3A_221] : memref<2x10000x128xf32, #tpu.memory_space<hbm>> -> memref<1x125x128xf32, #tpu.memory_space<hbm>>
      %dma_wait3A_223 = tpu.memref_squeeze %dma_wait3A_222 : memref<1x125x128xf32, #tpu.memory_space<hbm>> -> memref<125x128xf32, #tpu.memory_space<hbm>>
      tpu.wait_dma2 semaphore(%run_scoped3A_211 : memref<!tpu.dma_semaphore, #tpu.memory_space<semaphore_mem>>) src(%arg10 : memref<125x128xf32, #tpu.memory_space<vmem>>) dst(%dma_wait3A_223 : memref<125x128xf32, #tpu.memory_space<hbm>>)
      tpu.yield
    }) : () -> ()
    %mul3A_178 = arith.constant 625 : i32
    %mul3A_179 = arith.muli %arg1, %mul3A_178 : i32
    %add3A_180 = arith.constant 250 : i32
    %add3A_181 = arith.addi %mul3A_179, %add3A_180 : i32
    "tpu.region"() ({
      %run_scoped3A_211 = tpu.sem_alloc : memref<!tpu.dma_semaphore, #tpu.memory_space<semaphore_mem>>
      %dma_start3A_212 = arith.constant 0 : i32
      %dma_start3A_213 = arith.constant 0 : i32
      %dma_start3A_214 = tpu.memref_slice %arg7[%dma_start3A_212, %dma_start3A_213] : memref<128x128xbf16, #tpu.memory_space<vmem>> -> memref<125x128xbf16, #tpu.memory_space<vmem>>
      %dma_start3A_215 = arith.constant 0 : i32
      %dma_start3A_216 = tpu.memref_slice %arg11[%add3A_181, %dma_start3A_215] : memref<10016x128xbf16, #tpu.memory_space<vmem_shared>> -> memref<125x128xbf16, #tpu.memory_space<vmem_shared>>
      %dma_start3A_217 = arith.constant 0 : i32
      %dma_start3A_218 = arith.constant 0 : i32
      %dma_start3A_219 = tpu.memref_slice %arg7[%dma_start3A_217, %dma_start3A_218] : memref<128x128xbf16, #tpu.memory_space<vmem>> -> memref<125x128xbf16, #tpu.memory_space<vmem>>
      %dma_start3A_220 = arith.constant 0 : i32
      %dma_start3A_221 = tpu.memref_slice %arg11[%add3A_181, %dma_start3A_220] : memref<10016x128xbf16, #tpu.memory_space<vmem_shared>> -> memref<125x128xbf16, #tpu.memory_space<vmem_shared>>
      tpu.enqueue_dma source(%dma_start3A_221 : memref<125x128xbf16, #tpu.memory_space<vmem_shared>>) target(%dma_start3A_219 : memref<125x128xbf16, #tpu.memory_space<vmem>>) target_semaphore(%run_scoped3A_211 : memref<!tpu.dma_semaphore, #tpu.memory_space<semaphore_mem>>)
      %dma_wait3A_222 = arith.constant 0 : i32
      %dma_wait3A_223 = arith.constant 0 : i32
      %dma_wait3A_224 = tpu.memref_slice %arg7[%dma_wait3A_222, %dma_wait3A_223] : memref<128x128xbf16, #tpu.memory_space<vmem>> -> memref<125x128xbf16, #tpu.memory_space<vmem>>
      %dma_wait3A_225 = arith.constant 0 : i32
      %dma_wait3A_226 = tpu.memref_slice %arg11[%add3A_181, %dma_wait3A_225] : memref<10016x128xbf16, #tpu.memory_space<vmem_shared>> -> memref<125x128xbf16, #tpu.memory_space<vmem_shared>>
      %dma_wait3A_227 = arith.constant 0 : i32
      %dma_wait3A_228 = arith.constant 0 : i32
      %dma_wait3A_229 = tpu.memref_slice %arg7[%dma_wait3A_227, %dma_wait3A_228] : memref<128x128xbf16, #tpu.memory_space<vmem>> -> memref<125x128xbf16, #tpu.memory_space<vmem>>
      %dma_wait3A_230 = arith.constant 0 : i32
      %dma_wait3A_231 = tpu.memref_slice %arg11[%add3A_181, %dma_wait3A_230] : memref<10016x128xbf16, #tpu.memory_space<vmem_shared>> -> memref<125x128xbf16, #tpu.memory_space<vmem_shared>>
      tpu.wait_dma2 semaphore(%run_scoped3A_211 : memref<!tpu.dma_semaphore, #tpu.memory_space<semaphore_mem>>) src(%dma_wait3A_231 : memref<125x128xbf16, #tpu.memory_space<vmem_shared>>) dst(%dma_wait3A_229 : memref<125x128xbf16, #tpu.memory_space<vmem>>)
      tpu.yield
    }) : () -> ()
    %scan3A_182 = arith.constant 0 : i32
    %scan3A_183 = arith.constant 0 : i32
    %scan3A_184 = arith.constant 125 : i32
    %scan3A_185 = arith.addi %scan3A_183, %scan3A_184 : i32
    %scan3A_186 = arith.constant 1 : i32
    %scan3A_187 = scf.for %scan3A_211 = %scan3A_183 to %scan3A_185 step %scan3A_186 iter_args(%scan3A_212 = %scan3A_182) -> (i32)  : i32 {
      %broadcast_in_dim3A = arith.constant 0 : i32
      %broadcast_in_dim3A_213 = vector.broadcast %broadcast_in_dim3A : i32 to vector<16xi32>
      %add3A_214 = vector.broadcast %scan3A_211 : i32 to vector<16xi32>
      %add3A_215 = arith.addi %broadcast_in_dim3A_213, %add3A_214 : vector<16xi32>
      %get3A = arith.index_cast %scan3A_211 : i32 to index
      %get3A_216 = arith.constant 0 : index
      %get3A_217 = tpu.vector_load %arg7[%get3A, %get3A_216] {strides = array<i32>} : memref<128x128xbf16, #tpu.memory_space<vmem>>, vector<32xbf16>,
      %unpack3A = tpu.unpack_subelements %get3A_217, 0 {pack_format = #tpu.pack_format<interleaved>} : vector<32xbf16> -> vector<16xf32>
      %unpack3A_218 = tpu.unpack_subelements %get3A_217, 1 {pack_format = #tpu.pack_format<interleaved>} : vector<32xbf16> -> vector<16xf32>
      %add3A_219 = arith.constant 0 : i32
      %add3A_220 = vector.broadcast %add3A_219 : i32 to vector<16xi32>
      %add3A_221 = arith.addi %mul3A_155, %add3A_220 : vector<16xi32>
      tpu.vector_store_idx %arg10[%add3A_215, %add3A_221], %unpack3A : memref<125x128xf32, #tpu.memory_space<vmem>>[vector<16xi32>, vector<16xi32>], vector<16xf32>,
      %add3A_222 = arith.constant 1 : i32
      %add3A_223 = vector.broadcast %add3A_222 : i32 to vector<16xi32>
      %add3A_224 = arith.addi %mul3A_155, %add3A_223 : vector<16xi32>
      tpu.vector_store_idx %arg10[%add3A_215, %add3A_224], %unpack3A_218 : memref<125x128xf32, #tpu.memory_space<vmem>>[vector<16xi32>, vector<16xi32>], vector<16xf32>,
      %get3A_225 = arith.index_cast %scan3A_211 : i32 to index
      %get3A_226 = arith.constant 32 : index
      %get3A_227 = tpu.vector_load %arg7[%get3A_225, %get3A_226] {strides = array<i32>} : memref<128x128xbf16, #tpu.memory_space<vmem>>, vector<32xbf16>,
      %unpack3A_228 = tpu.unpack_subelements %get3A_227, 0 {pack_format = #tpu.pack_format<interleaved>} : vector<32xbf16> -> vector<16xf32>
      %unpack3A_229 = tpu.unpack_subelements %get3A_227, 1 {pack_format = #tpu.pack_format<interleaved>} : vector<32xbf16> -> vector<16xf32>
      %add3A_230 = arith.constant 32 : i32
      %add3A_231 = vector.broadcast %add3A_230 : i32 to vector<16xi32>
      %add3A_232 = arith.addi %mul3A_155, %add3A_231 : vector<16xi32>
      tpu.vector_store_idx %arg10[%add3A_215, %add3A_232], %unpack3A_228 : memref<125x128xf32, #tpu.memory_space<vmem>>[vector<16xi32>, vector<16xi32>], vector<16xf32>,
      %add3A_233 = arith.constant 33 : i32
      %add3A_234 = vector.broadcast %add3A_233 : i32 to vector<16xi32>
      %add3A_235 = arith.addi %mul3A_155, %add3A_234 : vector<16xi32>
      tpu.vector_store_idx %arg10[%add3A_215, %add3A_235], %unpack3A_229 : memref<125x128xf32, #tpu.memory_space<vmem>>[vector<16xi32>, vector<16xi32>], vector<16xf32>,
      %get3A_236 = arith.index_cast %scan3A_211 : i32 to index
      %get3A_237 = arith.constant 64 : index
      %get3A_238 = tpu.vector_load %arg7[%get3A_236, %get3A_237] {strides = array<i32>} : memref<128x128xbf16, #tpu.memory_space<vmem>>, vector<32xbf16>,
      %unpack3A_239 = tpu.unpack_subelements %get3A_238, 0 {pack_format = #tpu.pack_format<interleaved>} : vector<32xbf16> -> vector<16xf32>
      %unpack3A_240 = tpu.unpack_subelements %get3A_238, 1 {pack_format = #tpu.pack_format<interleaved>} : vector<32xbf16> -> vector<16xf32>
      %add3A_241 = arith.constant 64 : i32
      %add3A_242 = vector.broadcast %add3A_241 : i32 to vector<16xi32>
      %add3A_243 = arith.addi %mul3A_155, %add3A_242 : vector<16xi32>
      tpu.vector_store_idx %arg10[%add3A_215, %add3A_243], %unpack3A_239 : memref<125x128xf32, #tpu.memory_space<vmem>>[vector<16xi32>, vector<16xi32>], vector<16xf32>,
      %add3A_244 = arith.constant 65 : i32
      %add3A_245 = vector.broadcast %add3A_244 : i32 to vector<16xi32>
      %add3A_246 = arith.addi %mul3A_155, %add3A_245 : vector<16xi32>
      tpu.vector_store_idx %arg10[%add3A_215, %add3A_246], %unpack3A_240 : memref<125x128xf32, #tpu.memory_space<vmem>>[vector<16xi32>, vector<16xi32>], vector<16xf32>,
      %get3A_247 = arith.index_cast %scan3A_211 : i32 to index
      %get3A_248 = arith.constant 96 : index
      %get3A_249 = tpu.vector_load %arg7[%get3A_247, %get3A_248] {strides = array<i32>} : memref<128x128xbf16, #tpu.memory_space<vmem>>, vector<32xbf16>,
      %unpack3A_250 = tpu.unpack_subelements %get3A_249, 0 {pack_format = #tpu.pack_format<interleaved>} : vector<32xbf16> -> vector<16xf32>
      %unpack3A_251 = tpu.unpack_subelements %get3A_249, 1 {pack_format = #tpu.pack_format<interleaved>} : vector<32xbf16> -> vector<16xf32>
      %add3A_252 = arith.constant 96 : i32
      %add3A_253 = vector.broadcast %add3A_252 : i32 to vector<16xi32>
      %add3A_254 = arith.addi %mul3A_155, %add3A_253 : vector<16xi32>
      tpu.vector_store_idx %arg10[%add3A_215, %add3A_254], %unpack3A_250 : memref<125x128xf32, #tpu.memory_space<vmem>>[vector<16xi32>, vector<16xi32>], vector<16xf32>,
      %add3A_255 = arith.constant 97 : i32
      %add3A_256 = vector.broadcast %add3A_255 : i32 to vector<16xi32>
      %add3A_257 = arith.addi %mul3A_155, %add3A_256 : vector<16xi32>
      tpu.vector_store_idx %arg10[%add3A_215, %add3A_257], %unpack3A_251 : memref<125x128xf32, #tpu.memory_space<vmem>>[vector<16xi32>, vector<16xi32>], vector<16xf32>,
      %scan3A_258 = arith.constant 0 : i32
      scf.yield %scan3A_258 : i32
    }
    %scan3A_188 = arith.constant 125 : i32
    "tpu.region"() ({
      %run_scoped3A_211 = tpu.sem_alloc : memref<!tpu.dma_semaphore, #tpu.memory_space<semaphore_mem>>
      %dma_start3A_212 = arith.constant 0 : i32
      %dma_start3A_213 = tpu.memref_slice %arg4[%arg0, %add3A_181, %dma_start3A_212] : memref<2x10000x128xf32, #tpu.memory_space<hbm>> -> memref<1x125x128xf32, #tpu.memory_space<hbm>>
      %dma_start3A_214 = tpu.memref_squeeze %dma_start3A_213 : memref<1x125x128xf32, #tpu.memory_space<hbm>> -> memref<125x128xf32, #tpu.memory_space<hbm>>
      %dma_start3A_215 = arith.constant 0 : i32
      %dma_start3A_216 = tpu.memref_slice %arg4[%arg0, %add3A_181, %dma_start3A_215] : memref<2x10000x128xf32, #tpu.memory_space<hbm>> -> memref<1x125x128xf32, #tpu.memory_space<hbm>>
      %dma_start3A_217 = tpu.memref_squeeze %dma_start3A_216 : memref<1x125x128xf32, #tpu.memory_space<hbm>> -> memref<125x128xf32, #tpu.memory_space<hbm>>
      tpu.enqueue_dma source(%arg10 : memref<125x128xf32, #tpu.memory_space<vmem>>) target(%dma_start3A_217 : memref<125x128xf32, #tpu.memory_space<hbm>>) target_semaphore(%run_scoped3A_211 : memref<!tpu.dma_semaphore, #tpu.memory_space<semaphore_mem>>)
      %dma_wait3A_218 = arith.constant 0 : i32
      %dma_wait3A_219 = tpu.memref_slice %arg4[%arg0, %add3A_181, %dma_wait3A_218] : memref<2x10000x128xf32, #tpu.memory_space<hbm>> -> memref<1x125x128xf32, #tpu.memory_space<hbm>>
      %dma_wait3A_220 = tpu.memref_squeeze %dma_wait3A_219 : memref<1x125x128xf32, #tpu.memory_space<hbm>> -> memref<125x128xf32, #tpu.memory_space<hbm>>
      %dma_wait3A_221 = arith.constant 0 : i32
      %dma_wait3A_222 = tpu.memref_slice %arg4[%arg0, %add3A_181, %dma_wait3A_221] : memref<2x10000x128xf32, #tpu.memory_space<hbm>> -> memref<1x125x128xf32, #tpu.memory_space<hbm>>
      %dma_wait3A_223 = tpu.memref_squeeze %dma_wait3A_222 : memref<1x125x128xf32, #tpu.memory_space<hbm>> -> memref<125x128xf32, #tpu.memory_space<hbm>>
      tpu.wait_dma2 semaphore(%run_scoped3A_211 : memref<!tpu.dma_semaphore, #tpu.memory_space<semaphore_mem>>) src(%arg10 : memref<125x128xf32, #tpu.memory_space<vmem>>) dst(%dma_wait3A_223 : memref<125x128xf32, #tpu.memory_space<hbm>>)
      tpu.yield
    }) : () -> ()
    %mul3A_189 = arith.constant 625 : i32
    %mul3A_190 = arith.muli %arg1, %mul3A_189 : i32
    %add3A_191 = arith.constant 375 : i32
    %add3A_192 = arith.addi %mul3A_190, %add3A_191 : i32
    "tpu.region"() ({
      %run_scoped3A_211 = tpu.sem_alloc : memref<!tpu.dma_semaphore, #tpu.memory_space<semaphore_mem>>
      %dma_start3A_212 = arith.constant 0 : i32
      %dma_start3A_213 = arith.constant 0 : i32
      %dma_start3A_214 = tpu.memref_slice %arg7[%dma_start3A_212, %dma_start3A_213] : memref<128x128xbf16, #tpu.memory_space<vmem>> -> memref<125x128xbf16, #tpu.memory_space<vmem>>
      %dma_start3A_215 = arith.constant 0 : i32
      %dma_start3A_216 = tpu.memref_slice %arg11[%add3A_192, %dma_start3A_215] : memref<10016x128xbf16, #tpu.memory_space<vmem_shared>> -> memref<125x128xbf16, #tpu.memory_space<vmem_shared>>
      %dma_start3A_217 = arith.constant 0 : i32
      %dma_start3A_218 = arith.constant 0 : i32
      %dma_start3A_219 = tpu.memref_slice %arg7[%dma_start3A_217, %dma_start3A_218] : memref<128x128xbf16, #tpu.memory_space<vmem>> -> memref<125x128xbf16, #tpu.memory_space<vmem>>
      %dma_start3A_220 = arith.constant 0 : i32
      %dma_start3A_221 = tpu.memref_slice %arg11[%add3A_192, %dma_start3A_220] : memref<10016x128xbf16, #tpu.memory_space<vmem_shared>> -> memref<125x128xbf16, #tpu.memory_space<vmem_shared>>
      tpu.enqueue_dma source(%dma_start3A_221 : memref<125x128xbf16, #tpu.memory_space<vmem_shared>>) target(%dma_start3A_219 : memref<125x128xbf16, #tpu.memory_space<vmem>>) target_semaphore(%run_scoped3A_211 : memref<!tpu.dma_semaphore, #tpu.memory_space<semaphore_mem>>)
      %dma_wait3A_222 = arith.constant 0 : i32
      %dma_wait3A_223 = arith.constant 0 : i32
      %dma_wait3A_224 = tpu.memref_slice %arg7[%dma_wait3A_222, %dma_wait3A_223] : memref<128x128xbf16, #tpu.memory_space<vmem>> -> memref<125x128xbf16, #tpu.memory_space<vmem>>
      %dma_wait3A_225 = arith.constant 0 : i32
      %dma_wait3A_226 = tpu.memref_slice %arg11[%add3A_192, %dma_wait3A_225] : memref<10016x128xbf16, #tpu.memory_space<vmem_shared>> -> memref<125x128xbf16, #tpu.memory_space<vmem_shared>>
      %dma_wait3A_227 = arith.constant 0 : i32
      %dma_wait3A_228 = arith.constant 0 : i32
      %dma_wait3A_229 = tpu.memref_slice %arg7[%dma_wait3A_227, %dma_wait3A_228] : memref<128x128xbf16, #tpu.memory_space<vmem>> -> memref<125x128xbf16, #tpu.memory_space<vmem>>
      %dma_wait3A_230 = arith.constant 0 : i32
      %dma_wait3A_231 = tpu.memref_slice %arg11[%add3A_192, %dma_wait3A_230] : memref<10016x128xbf16, #tpu.memory_space<vmem_shared>> -> memref<125x128xbf16, #tpu.memory_space<vmem_shared>>
      tpu.wait_dma2 semaphore(%run_scoped3A_211 : memref<!tpu.dma_semaphore, #tpu.memory_space<semaphore_mem>>) src(%dma_wait3A_231 : memref<125x128xbf16, #tpu.memory_space<vmem_shared>>) dst(%dma_wait3A_229 : memref<125x128xbf16, #tpu.memory_space<vmem>>)
      tpu.yield
    }) : () -> ()
    %scan3A_193 = arith.constant 0 : i32
    %scan3A_194 = arith.constant 0 : i32
    %scan3A_195 = arith.constant 125 : i32
    %scan3A_196 = arith.addi %scan3A_194, %scan3A_195 : i32
    %scan3A_197 = arith.constant 1 : i32
    %scan3A_198 = scf.for %scan3A_211 = %scan3A_194 to %scan3A_196 step %scan3A_197 iter_args(%scan3A_212 = %scan3A_193) -> (i32)  : i32 {
      %broadcast_in_dim3A = arith.constant 0 : i32
      %broadcast_in_dim3A_213 = vector.broadcast %broadcast_in_dim3A : i32 to vector<16xi32>
      %add3A_214 = vector.broadcast %scan3A_211 : i32 to vector<16xi32>
      %add3A_215 = arith.addi %broadcast_in_dim3A_213, %add3A_214 : vector<16xi32>
      %get3A = arith.index_cast %scan3A_211 : i32 to index
      %get3A_216 = arith.constant 0 : index
      %get3A_217 = tpu.vector_load %arg7[%get3A, %get3A_216] {strides = array<i32>} : memref<128x128xbf16, #tpu.memory_space<vmem>>, vector<32xbf16>,
      %unpack3A = tpu.unpack_subelements %get3A_217, 0 {pack_format = #tpu.pack_format<interleaved>} : vector<32xbf16> -> vector<16xf32>
      %unpack3A_218 = tpu.unpack_subelements %get3A_217, 1 {pack_format = #tpu.pack_format<interleaved>} : vector<32xbf16> -> vector<16xf32>
      %add3A_219 = arith.constant 0 : i32
      %add3A_220 = vector.broadcast %add3A_219 : i32 to vector<16xi32>
      %add3A_221 = arith.addi %mul3A_155, %add3A_220 : vector<16xi32>
      tpu.vector_store_idx %arg10[%add3A_215, %add3A_221], %unpack3A : memref<125x128xf32, #tpu.memory_space<vmem>>[vector<16xi32>, vector<16xi32>], vector<16xf32>,
      %add3A_222 = arith.constant 1 : i32
      %add3A_223 = vector.broadcast %add3A_222 : i32 to vector<16xi32>
      %add3A_224 = arith.addi %mul3A_155, %add3A_223 : vector<16xi32>
      tpu.vector_store_idx %arg10[%add3A_215, %add3A_224], %unpack3A_218 : memref<125x128xf32, #tpu.memory_space<vmem>>[vector<16xi32>, vector<16xi32>], vector<16xf32>,
      %get3A_225 = arith.index_cast %scan3A_211 : i32 to index
      %get3A_226 = arith.constant 32 : index
      %get3A_227 = tpu.vector_load %arg7[%get3A_225, %get3A_226] {strides = array<i32>} : memref<128x128xbf16, #tpu.memory_space<vmem>>, vector<32xbf16>,
      %unpack3A_228 = tpu.unpack_subelements %get3A_227, 0 {pack_format = #tpu.pack_format<interleaved>} : vector<32xbf16> -> vector<16xf32>
      %unpack3A_229 = tpu.unpack_subelements %get3A_227, 1 {pack_format = #tpu.pack_format<interleaved>} : vector<32xbf16> -> vector<16xf32>
      %add3A_230 = arith.constant 32 : i32
      %add3A_231 = vector.broadcast %add3A_230 : i32 to vector<16xi32>
      %add3A_232 = arith.addi %mul3A_155, %add3A_231 : vector<16xi32>
      tpu.vector_store_idx %arg10[%add3A_215, %add3A_232], %unpack3A_228 : memref<125x128xf32, #tpu.memory_space<vmem>>[vector<16xi32>, vector<16xi32>], vector<16xf32>,
      %add3A_233 = arith.constant 33 : i32
      %add3A_234 = vector.broadcast %add3A_233 : i32 to vector<16xi32>
      %add3A_235 = arith.addi %mul3A_155, %add3A_234 : vector<16xi32>
      tpu.vector_store_idx %arg10[%add3A_215, %add3A_235], %unpack3A_229 : memref<125x128xf32, #tpu.memory_space<vmem>>[vector<16xi32>, vector<16xi32>], vector<16xf32>,
      %get3A_236 = arith.index_cast %scan3A_211 : i32 to index
      %get3A_237 = arith.constant 64 : index
      %get3A_238 = tpu.vector_load %arg7[%get3A_236, %get3A_237] {strides = array<i32>} : memref<128x128xbf16, #tpu.memory_space<vmem>>, vector<32xbf16>,
      %unpack3A_239 = tpu.unpack_subelements %get3A_238, 0 {pack_format = #tpu.pack_format<interleaved>} : vector<32xbf16> -> vector<16xf32>
      %unpack3A_240 = tpu.unpack_subelements %get3A_238, 1 {pack_format = #tpu.pack_format<interleaved>} : vector<32xbf16> -> vector<16xf32>
      %add3A_241 = arith.constant 64 : i32
      %add3A_242 = vector.broadcast %add3A_241 : i32 to vector<16xi32>
      %add3A_243 = arith.addi %mul3A_155, %add3A_242 : vector<16xi32>
      tpu.vector_store_idx %arg10[%add3A_215, %add3A_243], %unpack3A_239 : memref<125x128xf32, #tpu.memory_space<vmem>>[vector<16xi32>, vector<16xi32>], vector<16xf32>,
      %add3A_244 = arith.constant 65 : i32
      %add3A_245 = vector.broadcast %add3A_244 : i32 to vector<16xi32>
      %add3A_246 = arith.addi %mul3A_155, %add3A_245 : vector<16xi32>
      tpu.vector_store_idx %arg10[%add3A_215, %add3A_246], %unpack3A_240 : memref<125x128xf32, #tpu.memory_space<vmem>>[vector<16xi32>, vector<16xi32>], vector<16xf32>,
      %get3A_247 = arith.index_cast %scan3A_211 : i32 to index
      %get3A_248 = arith.constant 96 : index
      %get3A_249 = tpu.vector_load %arg7[%get3A_247, %get3A_248] {strides = array<i32>} : memref<128x128xbf16, #tpu.memory_space<vmem>>, vector<32xbf16>,
      %unpack3A_250 = tpu.unpack_subelements %get3A_249, 0 {pack_format = #tpu.pack_format<interleaved>} : vector<32xbf16> -> vector<16xf32>
      %unpack3A_251 = tpu.unpack_subelements %get3A_249, 1 {pack_format = #tpu.pack_format<interleaved>} : vector<32xbf16> -> vector<16xf32>
      %add3A_252 = arith.constant 96 : i32
      %add3A_253 = vector.broadcast %add3A_252 : i32 to vector<16xi32>
      %add3A_254 = arith.addi %mul3A_155, %add3A_253 : vector<16xi32>
      tpu.vector_store_idx %arg10[%add3A_215, %add3A_254], %unpack3A_250 : memref<125x128xf32, #tpu.memory_space<vmem>>[vector<16xi32>, vector<16xi32>], vector<16xf32>,
      %add3A_255 = arith.constant 97 : i32
      %add3A_256 = vector.broadcast %add3A_255 : i32 to vector<16xi32>
      %add3A_257 = arith.addi %mul3A_155, %add3A_256 : vector<16xi32>
      tpu.vector_store_idx %arg10[%add3A_215, %add3A_257], %unpack3A_251 : memref<125x128xf32, #tpu.memory_space<vmem>>[vector<16xi32>, vector<16xi32>], vector<16xf32>,
      %scan3A_258 = arith.constant 0 : i32
      scf.yield %scan3A_258 : i32
    }
    %scan3A_199 = arith.constant 125 : i32
    "tpu.region"() ({
      %run_scoped3A_211 = tpu.sem_alloc : memref<!tpu.dma_semaphore, #tpu.memory_space<semaphore_mem>>
      %dma_start3A_212 = arith.constant 0 : i32
      %dma_start3A_213 = tpu.memref_slice %arg4[%arg0, %add3A_192, %dma_start3A_212] : memref<2x10000x128xf32, #tpu.memory_space<hbm>> -> memref<1x125x128xf32, #tpu.memory_space<hbm>>
      %dma_start3A_214 = tpu.memref_squeeze %dma_start3A_213 : memref<1x125x128xf32, #tpu.memory_space<hbm>> -> memref<125x128xf32, #tpu.memory_space<hbm>>
      %dma_start3A_215 = arith.constant 0 : i32
      %dma_start3A_216 = tpu.memref_slice %arg4[%arg0, %add3A_192, %dma_start3A_215] : memref<2x10000x128xf32, #tpu.memory_space<hbm>> -> memref<1x125x128xf32, #tpu.memory_space<hbm>>
      %dma_start3A_217 = tpu.memref_squeeze %dma_start3A_216 : memref<1x125x128xf32, #tpu.memory_space<hbm>> -> memref<125x128xf32, #tpu.memory_space<hbm>>
      tpu.enqueue_dma source(%arg10 : memref<125x128xf32, #tpu.memory_space<vmem>>) target(%dma_start3A_217 : memref<125x128xf32, #tpu.memory_space<hbm>>) target_semaphore(%run_scoped3A_211 : memref<!tpu.dma_semaphore, #tpu.memory_space<semaphore_mem>>)
      %dma_wait3A_218 = arith.constant 0 : i32
      %dma_wait3A_219 = tpu.memref_slice %arg4[%arg0, %add3A_192, %dma_wait3A_218] : memref<2x10000x128xf32, #tpu.memory_space<hbm>> -> memref<1x125x128xf32, #tpu.memory_space<hbm>>
      %dma_wait3A_220 = tpu.memref_squeeze %dma_wait3A_219 : memref<1x125x128xf32, #tpu.memory_space<hbm>> -> memref<125x128xf32, #tpu.memory_space<hbm>>
      %dma_wait3A_221 = arith.constant 0 : i32
      %dma_wait3A_222 = tpu.memref_slice %arg4[%arg0, %add3A_192, %dma_wait3A_221] : memref<2x10000x128xf32, #tpu.memory_space<hbm>> -> memref<1x125x128xf32, #tpu.memory_space<hbm>>
      %dma_wait3A_223 = tpu.memref_squeeze %dma_wait3A_222 : memref<1x125x128xf32, #tpu.memory_space<hbm>> -> memref<125x128xf32, #tpu.memory_space<hbm>>
      tpu.wait_dma2 semaphore(%run_scoped3A_211 : memref<!tpu.dma_semaphore, #tpu.memory_space<semaphore_mem>>) src(%arg10 : memref<125x128xf32, #tpu.memory_space<vmem>>) dst(%dma_wait3A_223 : memref<125x128xf32, #tpu.memory_space<hbm>>)
      tpu.yield
    }) : () -> ()
    %mul3A_200 = arith.constant 625 : i32
    %mul3A_201 = arith.muli %arg1, %mul3A_200 : i32
    %add3A_202 = arith.constant 500 : i32
    %add3A_203 = arith.addi %mul3A_201, %add3A_202 : i32
    "tpu.region"() ({
      %run_scoped3A_211 = tpu.sem_alloc : memref<!tpu.dma_semaphore, #tpu.memory_space<semaphore_mem>>
      %dma_start3A_212 = arith.constant 0 : i32
      %dma_start3A_213 = arith.constant 0 : i32
      %dma_start3A_214 = tpu.memref_slice %arg7[%dma_start3A_212, %dma_start3A_213] : memref<128x128xbf16, #tpu.memory_space<vmem>> -> memref<125x128xbf16, #tpu.memory_space<vmem>>
      %dma_start3A_215 = arith.constant 0 : i32
      %dma_start3A_216 = tpu.memref_slice %arg11[%add3A_203, %dma_start3A_215] : memref<10016x128xbf16, #tpu.memory_space<vmem_shared>> -> memref<125x128xbf16, #tpu.memory_space<vmem_shared>>
      %dma_start3A_217 = arith.constant 0 : i32
      %dma_start3A_218 = arith.constant 0 : i32
      %dma_start3A_219 = tpu.memref_slice %arg7[%dma_start3A_217, %dma_start3A_218] : memref<128x128xbf16, #tpu.memory_space<vmem>> -> memref<125x128xbf16, #tpu.memory_space<vmem>>
      %dma_start3A_220 = arith.constant 0 : i32
      %dma_start3A_221 = tpu.memref_slice %arg11[%add3A_203, %dma_start3A_220] : memref<10016x128xbf16, #tpu.memory_space<vmem_shared>> -> memref<125x128xbf16, #tpu.memory_space<vmem_shared>>
      tpu.enqueue_dma source(%dma_start3A_221 : memref<125x128xbf16, #tpu.memory_space<vmem_shared>>) target(%dma_start3A_219 : memref<125x128xbf16, #tpu.memory_space<vmem>>) target_semaphore(%run_scoped3A_211 : memref<!tpu.dma_semaphore, #tpu.memory_space<semaphore_mem>>)
      %dma_wait3A_222 = arith.constant 0 : i32
      %dma_wait3A_223 = arith.constant 0 : i32
      %dma_wait3A_224 = tpu.memref_slice %arg7[%dma_wait3A_222, %dma_wait3A_223] : memref<128x128xbf16, #tpu.memory_space<vmem>> -> memref<125x128xbf16, #tpu.memory_space<vmem>>
      %dma_wait3A_225 = arith.constant 0 : i32
      %dma_wait3A_226 = tpu.memref_slice %arg11[%add3A_203, %dma_wait3A_225] : memref<10016x128xbf16, #tpu.memory_space<vmem_shared>> -> memref<125x128xbf16, #tpu.memory_space<vmem_shared>>
      %dma_wait3A_227 = arith.constant 0 : i32
      %dma_wait3A_228 = arith.constant 0 : i32
      %dma_wait3A_229 = tpu.memref_slice %arg7[%dma_wait3A_227, %dma_wait3A_228] : memref<128x128xbf16, #tpu.memory_space<vmem>> -> memref<125x128xbf16, #tpu.memory_space<vmem>>
      %dma_wait3A_230 = arith.constant 0 : i32
      %dma_wait3A_231 = tpu.memref_slice %arg11[%add3A_203, %dma_wait3A_230] : memref<10016x128xbf16, #tpu.memory_space<vmem_shared>> -> memref<125x128xbf16, #tpu.memory_space<vmem_shared>>
      tpu.wait_dma2 semaphore(%run_scoped3A_211 : memref<!tpu.dma_semaphore, #tpu.memory_space<semaphore_mem>>) src(%dma_wait3A_231 : memref<125x128xbf16, #tpu.memory_space<vmem_shared>>) dst(%dma_wait3A_229 : memref<125x128xbf16, #tpu.memory_space<vmem>>)
      tpu.yield
    }) : () -> ()
    %scan3A_204 = arith.constant 0 : i32
    %scan3A_205 = arith.constant 0 : i32
    %scan3A_206 = arith.constant 125 : i32
    %scan3A_207 = arith.addi %scan3A_205, %scan3A_206 : i32
    %scan3A_208 = arith.constant 1 : i32
    %scan3A_209 = scf.for %scan3A_211 = %scan3A_205 to %scan3A_207 step %scan3A_208 iter_args(%scan3A_212 = %scan3A_204) -> (i32)  : i32 {
      %broadcast_in_dim3A = arith.constant 0 : i32
      %broadcast_in_dim3A_213 = vector.broadcast %broadcast_in_dim3A : i32 to vector<16xi32>
      %add3A_214 = vector.broadcast %scan3A_211 : i32 to vector<16xi32>
      %add3A_215 = arith.addi %broadcast_in_dim3A_213, %add3A_214 : vector<16xi32>
      %get3A = arith.index_cast %scan3A_211 : i32 to index
      %get3A_216 = arith.constant 0 : index
      %get3A_217 = tpu.vector_load %arg7[%get3A, %get3A_216] {strides = array<i32>} : memref<128x128xbf16, #tpu.memory_space<vmem>>, vector<32xbf16>,
      %unpack3A = tpu.unpack_subelements %get3A_217, 0 {pack_format = #tpu.pack_format<interleaved>} : vector<32xbf16> -> vector<16xf32>
      %unpack3A_218 = tpu.unpack_subelements %get3A_217, 1 {pack_format = #tpu.pack_format<interleaved>} : vector<32xbf16> -> vector<16xf32>
      %add3A_219 = arith.constant 0 : i32
      %add3A_220 = vector.broadcast %add3A_219 : i32 to vector<16xi32>
      %add3A_221 = arith.addi %mul3A_155, %add3A_220 : vector<16xi32>
      tpu.vector_store_idx %arg10[%add3A_215, %add3A_221], %unpack3A : memref<125x128xf32, #tpu.memory_space<vmem>>[vector<16xi32>, vector<16xi32>], vector<16xf32>,
      %add3A_222 = arith.constant 1 : i32
      %add3A_223 = vector.broadcast %add3A_222 : i32 to vector<16xi32>
      %add3A_224 = arith.addi %mul3A_155, %add3A_223 : vector<16xi32>
      tpu.vector_store_idx %arg10[%add3A_215, %add3A_224], %unpack3A_218 : memref<125x128xf32, #tpu.memory_space<vmem>>[vector<16xi32>, vector<16xi32>], vector<16xf32>,
      %get3A_225 = arith.index_cast %scan3A_211 : i32 to index
      %get3A_226 = arith.constant 32 : index
      %get3A_227 = tpu.vector_load %arg7[%get3A_225, %get3A_226] {strides = array<i32>} : memref<128x128xbf16, #tpu.memory_space<vmem>>, vector<32xbf16>,
      %unpack3A_228 = tpu.unpack_subelements %get3A_227, 0 {pack_format = #tpu.pack_format<interleaved>} : vector<32xbf16> -> vector<16xf32>
      %unpack3A_229 = tpu.unpack_subelements %get3A_227, 1 {pack_format = #tpu.pack_format<interleaved>} : vector<32xbf16> -> vector<16xf32>
      %add3A_230 = arith.constant 32 : i32
      %add3A_231 = vector.broadcast %add3A_230 : i32 to vector<16xi32>
      %add3A_232 = arith.addi %mul3A_155, %add3A_231 : vector<16xi32>
      tpu.vector_store_idx %arg10[%add3A_215, %add3A_232], %unpack3A_228 : memref<125x128xf32, #tpu.memory_space<vmem>>[vector<16xi32>, vector<16xi32>], vector<16xf32>,
      %add3A_233 = arith.constant 33 : i32
      %add3A_234 = vector.broadcast %add3A_233 : i32 to vector<16xi32>
      %add3A_235 = arith.addi %mul3A_155, %add3A_234 : vector<16xi32>
      tpu.vector_store_idx %arg10[%add3A_215, %add3A_235], %unpack3A_229 : memref<125x128xf32, #tpu.memory_space<vmem>>[vector<16xi32>, vector<16xi32>], vector<16xf32>,
      %get3A_236 = arith.index_cast %scan3A_211 : i32 to index
      %get3A_237 = arith.constant 64 : index
      %get3A_238 = tpu.vector_load %arg7[%get3A_236, %get3A_237] {strides = array<i32>} : memref<128x128xbf16, #tpu.memory_space<vmem>>, vector<32xbf16>,
      %unpack3A_239 = tpu.unpack_subelements %get3A_238, 0 {pack_format = #tpu.pack_format<interleaved>} : vector<32xbf16> -> vector<16xf32>
      %unpack3A_240 = tpu.unpack_subelements %get3A_238, 1 {pack_format = #tpu.pack_format<interleaved>} : vector<32xbf16> -> vector<16xf32>
      %add3A_241 = arith.constant 64 : i32
      %add3A_242 = vector.broadcast %add3A_241 : i32 to vector<16xi32>
      %add3A_243 = arith.addi %mul3A_155, %add3A_242 : vector<16xi32>
      tpu.vector_store_idx %arg10[%add3A_215, %add3A_243], %unpack3A_239 : memref<125x128xf32, #tpu.memory_space<vmem>>[vector<16xi32>, vector<16xi32>], vector<16xf32>,
      %add3A_244 = arith.constant 65 : i32
      %add3A_245 = vector.broadcast %add3A_244 : i32 to vector<16xi32>
      %add3A_246 = arith.addi %mul3A_155, %add3A_245 : vector<16xi32>
      tpu.vector_store_idx %arg10[%add3A_215, %add3A_246], %unpack3A_240 : memref<125x128xf32, #tpu.memory_space<vmem>>[vector<16xi32>, vector<16xi32>], vector<16xf32>,
      %get3A_247 = arith.index_cast %scan3A_211 : i32 to index
      %get3A_248 = arith.constant 96 : index
      %get3A_249 = tpu.vector_load %arg7[%get3A_247, %get3A_248] {strides = array<i32>} : memref<128x128xbf16, #tpu.memory_space<vmem>>, vector<32xbf16>,
      %unpack3A_250 = tpu.unpack_subelements %get3A_249, 0 {pack_format = #tpu.pack_format<interleaved>} : vector<32xbf16> -> vector<16xf32>
      %unpack3A_251 = tpu.unpack_subelements %get3A_249, 1 {pack_format = #tpu.pack_format<interleaved>} : vector<32xbf16> -> vector<16xf32>
      %add3A_252 = arith.constant 96 : i32
      %add3A_253 = vector.broadcast %add3A_252 : i32 to vector<16xi32>
      %add3A_254 = arith.addi %mul3A_155, %add3A_253 : vector<16xi32>
      tpu.vector_store_idx %arg10[%add3A_215, %add3A_254], %unpack3A_250 : memref<125x128xf32, #tpu.memory_space<vmem>>[vector<16xi32>, vector<16xi32>], vector<16xf32>,
      %add3A_255 = arith.constant 97 : i32
      %add3A_256 = vector.broadcast %add3A_255 : i32 to vector<16xi32>
      %add3A_257 = arith.addi %mul3A_155, %add3A_256 : vector<16xi32>
      tpu.vector_store_idx %arg10[%add3A_215, %add3A_257], %unpack3A_251 : memref<125x128xf32, #tpu.memory_space<vmem>>[vector<16xi32>, vector<16xi32>], vector<16xf32>,
      %scan3A_258 = arith.constant 0 : i32
      scf.yield %scan3A_258 : i32
    }
    %scan3A_210 = arith.constant 125 : i32
    "tpu.region"() ({
      %run_scoped3A_211 = tpu.sem_alloc : memref<!tpu.dma_semaphore, #tpu.memory_space<semaphore_mem>>
      %dma_start3A_212 = arith.constant 0 : i32
      %dma_start3A_213 = tpu.memref_slice %arg4[%arg0, %add3A_203, %dma_start3A_212] : memref<2x10000x128xf32, #tpu.memory_space<hbm>> -> memref<1x125x128xf32, #tpu.memory_space<hbm>>
      %dma_start3A_214 = tpu.memref_squeeze %dma_start3A_213 : memref<1x125x128xf32, #tpu.memory_space<hbm>> -> memref<125x128xf32, #tpu.memory_space<hbm>>
      %dma_start3A_215 = arith.constant 0 : i32
      %dma_start3A_216 = tpu.memref_slice %arg4[%arg0, %add3A_203, %dma_start3A_215] : memref<2x10000x128xf32, #tpu.memory_space<hbm>> -> memref<1x125x128xf32, #tpu.memory_space<hbm>>
      %dma_start3A_217 = tpu.memref_squeeze %dma_start3A_216 : memref<1x125x128xf32, #tpu.memory_space<hbm>> -> memref<125x128xf32, #tpu.memory_space<hbm>>
      tpu.enqueue_dma source(%arg10 : memref<125x128xf32, #tpu.memory_space<vmem>>) target(%dma_start3A_217 : memref<125x128xf32, #tpu.memory_space<hbm>>) target_semaphore(%run_scoped3A_211 : memref<!tpu.dma_semaphore, #tpu.memory_space<semaphore_mem>>)
      %dma_wait3A_218 = arith.constant 0 : i32
      %dma_wait3A_219 = tpu.memref_slice %arg4[%arg0, %add3A_203, %dma_wait3A_218] : memref<2x10000x128xf32, #tpu.memory_space<hbm>> -> memref<1x125x128xf32, #tpu.memory_space<hbm>>
      %dma_wait3A_220 = tpu.memref_squeeze %dma_wait3A_219 : memref<1x125x128xf32, #tpu.memory_space<hbm>> -> memref<125x128xf32, #tpu.memory_space<hbm>>
      %dma_wait3A_221 = arith.constant 0 : i32
      %dma_wait3A_222 = tpu.memref_slice %arg4[%arg0, %add3A_203, %dma_wait3A_221] : memref<2x10000x128xf32, #tpu.memory_space<hbm>> -> memref<1x125x128xf32, #tpu.memory_space<hbm>>
      %dma_wait3A_223 = tpu.memref_squeeze %dma_wait3A_222 : memref<1x125x128xf32, #tpu.memory_space<hbm>> -> memref<125x128xf32, #tpu.memory_space<hbm>>
      tpu.wait_dma2 semaphore(%run_scoped3A_211 : memref<!tpu.dma_semaphore, #tpu.memory_space<semaphore_mem>>) src(%arg10 : memref<125x128xf32, #tpu.memory_space<vmem>>) dst(%dma_wait3A_223 : memref<125x128xf32, #tpu.memory_space<hbm>>)
      tpu.yield
    }) : () -> ()
    return
  }
}

module attributes {stable_mosaic.version = 14 : i64} {
  func.func @_mm_body(%arg0: i32, %arg1: memref<1000x128xf32, #tpu.memory_space<vmem>>, %arg2: memref<128x128xf32, #tpu.memory_space<vmem>>, %arg3: memref<1000x128xf32, #tpu.memory_space<vmem>>) attributes {dimension_semantics = [#tpu.dimension_semantics<arbitrary>], iteration_bounds = array<i64: 10>, scalar_prefetch = 0 : i64, scratch_operands = 0 : i64, tpu.core_type = #tpu.core_type<tc>, window_params = [{transform_indices = @transform_0, window_bounds = array<i64: 1000, 128>}, {pipeline_mode = #tpu.pipeline_mode<synchronous>, transform_indices = @transform_1, window_bounds = array<i64: 128, 128>}, {transform_indices = @transform_2, window_bounds = array<i64: 1000, 128>}]} {
    %get3A = arith.constant 0 : index
    %get3A_0 = arith.constant 0 : index
    %get3A_1 = vector.load %arg1[%get3A, %get3A_0] : memref<1000x128xf32, #tpu.memory_space<vmem>>, vector<1000x128xf32>
    %get3A_2 = arith.constant 0 : index
    %get3A_3 = arith.constant 0 : index
    %get3A_4 = vector.load %arg2[%get3A_2, %get3A_3] : memref<128x128xf32, #tpu.memory_space<vmem>>, vector<128x128xf32>
    %dot_general3A = arith.constant dense<0.000000e+00> : vector<1000x128xf32>
    %dot_general3A_5 = tpu.matmul %get3A_1, %get3A_4, %dot_general3A {dimension_numbers = #tpu.dot_dimension_numbers<[1], [0], [0], [1], [0, 0, 1, 1], [], []>, transpose_lhs_hint = false} : vector<1000x128xf32>, vector<128x128xf32>, vector<1000x128xf32> -> vector<1000x128xf32>
    %swap3A = arith.constant 0 : index
    %swap3A_6 = arith.constant 0 : index
    %swap3A_7 = vector.load %arg3[%swap3A, %swap3A_6] : memref<1000x128xf32, #tpu.memory_space<vmem>>, vector<1000x128xf32>
    tpu.vector_store %arg3[%swap3A, %swap3A_6], %dot_general3A_5 {strides = array<i32>} : memref<1000x128xf32, #tpu.memory_space<vmem>>, vector<1000x128xf32>,
    return
  }
  func.func @transform_0(%arg0: i32) -> (i32, i32) {
    %c0_i32 = arith.constant 0 : i32
    %c0_i32_0 = arith.constant 0 : i32
    return %arg0, %c0_i32 : i32, i32
  }
  func.func @transform_1(%arg0: i32) -> (i32, i32) {
    %c0_i32 = arith.constant 0 : i32
    %c0_i32_0 = arith.constant 0 : i32
    %c0_i32_1 = arith.constant 0 : i32
    return %c0_i32, %c0_i32_0 : i32, i32
  }
  func.func @transform_2(%arg0: i32) -> (i32, i32) {
    %c0_i32 = arith.constant 0 : i32
    %c0_i32_0 = arith.constant 0 : i32
    return %arg0, %c0_i32 : i32, i32
  }
}

module attributes {stable_mosaic.version = 14 : i64} {
  func.func @_scale_body(%arg0: i32, %arg1: memref<1000x128xf32, #tpu.memory_space<vmem>>, %arg2: memref<2x1000x16xf32, #tpu.memory_space<vmem>>, %arg3: memref<1000x128xbf16, #tpu.memory_space<vmem>>, %arg4: memref<1000x16xf32, #tpu.memory_space<vmem>>) attributes {dimension_semantics = [#tpu.dimension_semantics<arbitrary>], iteration_bounds = array<i64: 10>, scalar_prefetch = 0 : i64, scratch_operands = 0 : i64, tpu.core_type = #tpu.core_type<tc>, window_params = [{transform_indices = @transform_0, window_bounds = array<i64: 1000, 128>}, {transform_indices = @transform_1, window_bounds = array<i64: 2, 1000, 16>}, {transform_indices = @transform_2, window_bounds = array<i64: 1000, 128>}, {transform_indices = @transform_3, window_bounds = array<i64: 1000, 16>}]} {
    %get3A = arith.constant 0 : index
    %get3A_0 = arith.constant 0 : index
    %get3A_1 = arith.constant 0 : index
    %get3A_2 = vector.load %arg2[%get3A, %get3A_0, %get3A_1] : memref<2x1000x16xf32, #tpu.memory_space<vmem>>, vector<1x1000x16xf32>
    %get3A_3 = vector.shape_cast %get3A_2 : vector<1x1000x16xf32> to vector<1000x16xf32>
    %get3A_4 = arith.constant 1 : index
    %get3A_5 = arith.constant 0 : index
    %get3A_6 = arith.constant 0 : index
    %get3A_7 = vector.load %arg2[%get3A_4, %get3A_5, %get3A_6] : memref<2x1000x16xf32, #tpu.memory_space<vmem>>, vector<1x1000x16xf32>
    %get3A_8 = vector.shape_cast %get3A_7 : vector<1x1000x16xf32> to vector<1000x16xf32>
    %add3A = arith.addf %get3A_3, %get3A_8 : vector<1000x16xf32>
    %add3A_9 = arith.constant 1.000000e+00 : f32
    %add3A_10 = vector.broadcast %add3A_9 : f32 to vector<1000x16xf32>
    %add3A_11 = arith.addf %add3A, %add3A_10 : vector<1000x16xf32>
    %rsqrt3A = math.rsqrt %add3A_11 : vector<1000x16xf32>
    %get3A_12 = arith.constant 0 : index
    %get3A_13 = arith.constant 0 : index
    %get3A_14 = vector.load %arg1[%get3A_12, %get3A_13] : memref<1000x128xf32, #tpu.memory_space<vmem>>, vector<1000x128xf32>
    %slice3A = vector.extract_strided_slice %rsqrt3A {offsets = [0, 0], sizes = [1000, 1], strides = [1, 1]} : vector<1000x16xf32> to vector<1000x1xf32>
    %mul3A = vector.broadcast %slice3A : vector<1000x1xf32> to vector<1000x128xf32>
    %mul3A_15 = arith.mulf %get3A_14, %mul3A : vector<1000x128xf32>
    %convert_element_type3A = arith.truncf %mul3A_15 : vector<1000x128xf32> to vector<1000x128xbf16>
    %swap3A = arith.constant 0 : index
    %swap3A_16 = arith.constant 0 : index
    %swap3A_17 = vector.load %arg3[%swap3A, %swap3A_16] : memref<1000x128xbf16, #tpu.memory_space<vmem>>, vector<1000x128xbf16>
    tpu.vector_store %arg3[%swap3A, %swap3A_16], %convert_element_type3A {strides = array<i32>} : memref<1000x128xbf16, #tpu.memory_space<vmem>>, vector<1000x128xbf16>,
    %swap3A_18 = arith.constant 0 : index
    %swap3A_19 = arith.constant 0 : index
    %swap3A_20 = vector.load %arg4[%swap3A_18, %swap3A_19] : memref<1000x16xf32, #tpu.memory_space<vmem>>, vector<1000x16xf32>
    tpu.vector_store %arg4[%swap3A_18, %swap3A_19], %rsqrt3A {strides = array<i32>} : memref<1000x16xf32, #tpu.memory_space<vmem>>, vector<1000x16xf32>,
    return
  }
  func.func @transform_0(%arg0: i32) -> (i32, i32) {
    %c0_i32 = arith.constant 0 : i32
    %c0_i32_0 = arith.constant 0 : i32
    return %arg0, %c0_i32 : i32, i32
  }
  func.func @transform_1(%arg0: i32) -> (i32, i32, i32) {
    %c0_i32 = arith.constant 0 : i32
    %c0_i32_0 = arith.constant 0 : i32
    %c0_i32_1 = arith.constant 0 : i32
    return %c0_i32, %arg0, %c0_i32_0 : i32, i32, i32
  }
  func.func @transform_2(%arg0: i32) -> (i32, i32) {
    %c0_i32 = arith.constant 0 : i32
    %c0_i32_0 = arith.constant 0 : i32
    return %arg0, %c0_i32 : i32, i32
  }
  func.func @transform_3(%arg0: i32) -> (i32, i32) {
    %c0_i32 = arith.constant 0 : i32
    %c0_i32_0 = arith.constant 0 : i32
    return %arg0, %c0_i32 : i32, i32
  }
}

module attributes {stable_mosaic.version = 14 : i64} {
  func.func @_final_body(%arg0: i32, %arg1: memref<2x1000x128xf32, #tpu.memory_space<vmem>>, %arg2: memref<1000x16xf32, #tpu.memory_space<vmem>>, %arg3: memref<1000x128xf32, #tpu.memory_space<vmem>>, %arg4: memref<1x128xf32, #tpu.memory_space<vmem>>, %arg5: memref<1x128xf32, #tpu.memory_space<vmem>>, %arg6: memref<1x128xf32, #tpu.memory_space<vmem>>, %arg7: memref<1000x128xf32, #tpu.memory_space<vmem>>) attributes {dimension_semantics = [#tpu.dimension_semantics<arbitrary>], iteration_bounds = array<i64: 10>, scalar_prefetch = 0 : i64, scratch_operands = 0 : i64, tpu.core_type = #tpu.core_type<tc>, window_params = [{transform_indices = @transform_0, window_bounds = array<i64: 2, 1000, 128>}, {transform_indices = @transform_1, window_bounds = array<i64: 1000, 16>}, {transform_indices = @transform_2, window_bounds = array<i64: 1000, 128>}, {pipeline_mode = #tpu.pipeline_mode<synchronous>, transform_indices = @transform_3, window_bounds = array<i64: 1, 128>}, {pipeline_mode = #tpu.pipeline_mode<synchronous>, transform_indices = @transform_4, window_bounds = array<i64: 1, 128>}, {pipeline_mode = #tpu.pipeline_mode<synchronous>, transform_indices = @transform_5, window_bounds = array<i64: 1, 128>}, {transform_indices = @transform_6, window_bounds = array<i64: 1000, 128>}]} {
    %get3A = arith.constant 0 : index
    %get3A_0 = arith.constant 0 : index
    %get3A_1 = arith.constant 0 : index
    %get3A_2 = vector.load %arg1[%get3A, %get3A_0, %get3A_1] : memref<2x1000x128xf32, #tpu.memory_space<vmem>>, vector<1x1000x128xf32>
    %get3A_3 = vector.shape_cast %get3A_2 : vector<1x1000x128xf32> to vector<1000x128xf32>
    %get3A_4 = arith.constant 1 : index
    %get3A_5 = arith.constant 0 : index
    %get3A_6 = arith.constant 0 : index
    %get3A_7 = vector.load %arg1[%get3A_4, %get3A_5, %get3A_6] : memref<2x1000x128xf32, #tpu.memory_space<vmem>>, vector<1x1000x128xf32>
    %get3A_8 = vector.shape_cast %get3A_7 : vector<1x1000x128xf32> to vector<1000x128xf32>
    %add3A = arith.addf %get3A_3, %get3A_8 : vector<1000x128xf32>
    %get3A_9 = arith.constant 0 : index
    %get3A_10 = arith.constant 0 : index
    %get3A_11 = vector.load %arg2[%get3A_9, %get3A_10] : memref<1000x16xf32, #tpu.memory_space<vmem>>, vector<1000x1xf32>
    %mul3A = vector.broadcast %get3A_11 : vector<1000x1xf32> to vector<1000x128xf32>
    %mul3A_12 = arith.mulf %mul3A, %add3A : vector<1000x128xf32>
    %get3A_13 = arith.constant 0 : index
    %get3A_14 = arith.constant 0 : index
    %get3A_15 = vector.load %arg4[%get3A_13, %get3A_14] : memref<1x128xf32, #tpu.memory_space<vmem>>, vector<1x128xf32>
    %add3A_16 = vector.broadcast %get3A_15 : vector<1x128xf32> to vector<1000x128xf32>
    %add3A_17 = arith.addf %mul3A_12, %add3A_16 : vector<1000x128xf32>
    %reduce_sum3A = arith.constant dense<0.000000e+00> : vector<1000xf32>
    %reduce_sum3A_18 = vector.multi_reduction <add>, %add3A_17, %reduce_sum3A [1] : vector<1000x128xf32> to vector<1000xf32>
    %broadcast_in_dim3A = vector.shape_cast %reduce_sum3A_18 : vector<1000xf32> to vector<1000x1xf32>
    %div3A = arith.constant 1.280000e+02 : f32
    %div3A_19 = vector.broadcast %div3A : f32 to vector<1000x1xf32>
    %div3A_20 = arith.divf %broadcast_in_dim3A, %div3A_19 : vector<1000x1xf32>
    %sub3A = vector.broadcast %div3A_20 : vector<1000x1xf32> to vector<1000x128xf32>
    %sub3A_21 = arith.subf %add3A_17, %sub3A : vector<1000x128xf32>
    %integer_pow3A = arith.mulf %sub3A_21, %sub3A_21 : vector<1000x128xf32>
    %reduce_sum3A_22 = arith.constant dense<0.000000e+00> : vector<1000xf32>
    %reduce_sum3A_23 = vector.multi_reduction <add>, %integer_pow3A, %reduce_sum3A_22 [1] : vector<1000x128xf32> to vector<1000xf32>
    %broadcast_in_dim3A_24 = vector.shape_cast %reduce_sum3A_23 : vector<1000xf32> to vector<1000x1xf32>
    %div3A_25 = arith.constant 1.280000e+02 : f32
    %div3A_26 = vector.broadcast %div3A_25 : f32 to vector<1000x1xf32>
    %div3A_27 = arith.divf %broadcast_in_dim3A_24, %div3A_26 : vector<1000x1xf32>
    %sub3A_28 = vector.broadcast %div3A_20 : vector<1000x1xf32> to vector<1000x128xf32>
    %sub3A_29 = arith.subf %add3A_17, %sub3A_28 : vector<1000x128xf32>
    %add3A_30 = arith.constant 9.99999974E-6 : f32
    %add3A_31 = vector.broadcast %add3A_30 : f32 to vector<1000x1xf32>
    %add3A_32 = arith.addf %div3A_27, %add3A_31 : vector<1000x1xf32>
    %sqrt3A = math.sqrt %add3A_32 : vector<1000x1xf32>
    %div3A_33 = vector.broadcast %sqrt3A : vector<1000x1xf32> to vector<1000x128xf32>
    %div3A_34 = arith.divf %sub3A_29, %div3A_33 : vector<1000x128xf32>
    %get3A_35 = arith.constant 0 : index
    %get3A_36 = arith.constant 0 : index
    %get3A_37 = vector.load %arg5[%get3A_35, %get3A_36] : memref<1x128xf32, #tpu.memory_space<vmem>>, vector<1x128xf32>
    %mul3A_38 = vector.broadcast %get3A_37 : vector<1x128xf32> to vector<1000x128xf32>
    %mul3A_39 = arith.mulf %div3A_34, %mul3A_38 : vector<1000x128xf32>
    %get3A_40 = arith.constant 0 : index
    %get3A_41 = arith.constant 0 : index
    %get3A_42 = vector.load %arg6[%get3A_40, %get3A_41] : memref<1x128xf32, #tpu.memory_space<vmem>>, vector<1x128xf32>
    %add3A_43 = vector.broadcast %get3A_42 : vector<1x128xf32> to vector<1000x128xf32>
    %add3A_44 = arith.addf %mul3A_39, %add3A_43 : vector<1000x128xf32>
    %max3A = arith.constant 0.000000e+00 : f32
    %max3A_45 = vector.broadcast %max3A : f32 to vector<1000x128xf32>
    %max3A_46 = arith.maximumf %add3A_44, %max3A_45 : vector<1000x128xf32>
    %get3A_47 = arith.constant 0 : index
    %get3A_48 = arith.constant 0 : index
    %get3A_49 = vector.load %arg3[%get3A_47, %get3A_48] : memref<1000x128xf32, #tpu.memory_space<vmem>>, vector<1000x128xf32>
    %add3A_50 = arith.addf %max3A_46, %get3A_49 : vector<1000x128xf32>
    %swap3A = arith.constant 0 : index
    %swap3A_51 = arith.constant 0 : index
    %swap3A_52 = vector.load %arg7[%swap3A, %swap3A_51] : memref<1000x128xf32, #tpu.memory_space<vmem>>, vector<1000x128xf32>
    tpu.vector_store %arg7[%swap3A, %swap3A_51], %add3A_50 {strides = array<i32>} : memref<1000x128xf32, #tpu.memory_space<vmem>>, vector<1000x128xf32>,
    return
  }
  func.func @transform_0(%arg0: i32) -> (i32, i32, i32) {
    %c0_i32 = arith.constant 0 : i32
    %c0_i32_0 = arith.constant 0 : i32
    %c0_i32_1 = arith.constant 0 : i32
    return %c0_i32, %arg0, %c0_i32_0 : i32, i32, i32
  }
  func.func @transform_1(%arg0: i32) -> (i32, i32) {
    %c0_i32 = arith.constant 0 : i32
    %c0_i32_0 = arith.constant 0 : i32
    return %arg0, %c0_i32 : i32, i32
  }
  func.func @transform_2(%arg0: i32) -> (i32, i32) {
    %c0_i32 = arith.constant 0 : i32
    %c0_i32_0 = arith.constant 0 : i32
    return %arg0, %c0_i32 : i32, i32
  }
  func.func @transform_3(%arg0: i32) -> (i32, i32) {
    %c0_i32 = arith.constant 0 : i32
    %c0_i32_0 = arith.constant 0 : i32
    %c0_i32_1 = arith.constant 0 : i32
    return %c0_i32, %c0_i32_0 : i32, i32
  }
  func.func @transform_4(%arg0: i32) -> (i32, i32) {
    %c0_i32 = arith.constant 0 : i32
    %c0_i32_0 = arith.constant 0 : i32
    %c0_i32_1 = arith.constant 0 : i32
    return %c0_i32, %c0_i32_0 : i32, i32
  }
  func.func @transform_5(%arg0: i32) -> (i32, i32) {
    %c0_i32 = arith.constant 0 : i32
    %c0_i32_0 = arith.constant 0 : i32
    %c0_i32_1 = arith.constant 0 : i32
    return %c0_i32, %c0_i32_0 : i32, i32
  }
  func.func @transform_6(%arg0: i32) -> (i32, i32) {
    %c0_i32 = arith.constant 0 : i32
    %c0_i32_0 = arith.constant 0 : i32
    return %arg0, %c0_i32 : i32, i32
  }
}

</mosaic_0001>

<sc_bundles>
// kernel: kernel.10.cloned.1.call-start
scs
__scs_entry_jumppad:
0x0: {  	(pc) =	sbr.rel $0x88, $3  }
0x1: {  	(tag) =	ssettag $0x0;
	lr =	simm.s32 $0x1  }
0x2: {  	[smem:$0x3F9B] =	sst lr;
	_ =	strace $0xD0000000  }
0x3: {  	_ = 	snop  }
0x4: {  	_ = 	snop  }
0x5: {  	_ = 	snop  }
0x6: {  	_ = 	snop  }
0x7: {  	_ = 	snop  }
__scs_overlays_trampoline_lowered:
0x8: {  	[smem:$0x3FAA] =	sst s0  }
0x9: {  	[smem:$0x3FAB] =	sst s1  }
0xa: {  	[smem:$0x3FAC] =	sst s2  }
0xb: {  	[smem:$0x3FAD] =	sst s3  }
0xc: {  	[smem:$0x3FAE] =	sst s4  }
0xd: {  	[smem:$0x3FAF] =	sst s5  }
0xe: {  	[smem:$0x3FB0] =	sst s6  }
0xf: {  	[smem:$0x3FB1] =	sst s7  }
0x10: {  	[smem:$0x3FB2] =	sst s8  }
0x11: {  	[smem:$0x3FB3] =	sst s9;
	s0 =	simm.s32 @!p0 $0x0  }
0x12: {  	s1 =	sld [smem:$0x3F99];
	s0 =	simm.s32 @p0 $0x1  }
0x13: {  	[smem:$0x3FB4] =	sst s0;
	s0 =	simm.s32 @!p1 $0x0  }
0x14: {  	s2 =	sld [smem:$0x3F98];
	s0 =	simm.s32 @p1 $0x1  }
0x15: {  	[smem:$0x3FB5] =	sst s0;
	s0 =	simm.s32 @!p2 $0x0  }
0x16: {  	s3 =	sld [smem:$0x3FDB];
	s0 =	simm.s32 @p2 $0x1  }
0x17: {  	s4 =	simm.s32 $0x1BF5;
	[smem:$0x3FB7] =	sst s0  }
0x18: {  	s0 =	sld [smem:$0x3F9A];
	_ =	swait.ge [sflag:s4], $0x0  }
0x19: {  	s7 =	sld [smem:$0x3F9B]  }
0x1a: {  	s8 =	sadd.s32 $0xFFFFE003, lr  }
0x1b: {  	s9 =	sadd.s32 $0xFFFFFEF7, lr;
	s5 =	simm.s32 $0xFFFFFFFF;
	p2 =	slt.u32 s8, $0xFFFFF086  }
0x1c: {  	p1 =	slt.u32 s9, $0xF7A;
	s5 =	simm.s32 @!p2 $0x0  }
0x1d: {  	s5 =	simm.s32 @p1 $0x1;
	p0 =	seq.s32 s7, s2  }
0x1e: {  	s7 =	smul.u32 @!p0 $0xF7A, s2;
	p2 =	seq.s32 @!p0 s5, $0x0  }
0x1f: {  	s9 =	smul.u32 $0xF7A, s1;
	s8 =	simm.s32 @!p0 $0x1BF5;
	p2 =	por !p2, p0  }
0x20: {  	[sflag:s8] =	ssyncset.s32 @!p0 $0xFFFFF086;
	s6 =	sadd.s32 @!p0 s3, s7;
	s7 =	simm.s32 @!p0 $0x108  }
0x21: {  	s3 =	sadd.s32 s3, s9;
	s6 =	sadd.s32 @!p0 $0x88, s6;
	s7 =	simm.s32 @p2 $0x1082  }
0x22: {  	[simem:s7], [sflag:s8] =	dma.local @!p0 [hbm:s6], $0xF7A  }
0x23: {  	s9 =	sor.u32 $0xD0000000, s2;
	s6 =	simm.s32 $0x108;
	_ =	swait.ge @!p0 [sflag:s8], $0x0  }
0x24: {  	s3 =	sadd.s32 $0x88, s3;
	s6 =	simm.s32 @!p1 $0x1082;
	[sflag:s4] =	ssyncset.s32 $0xFFFFF086  }
0x25: {  	[simem:s6], [sflag:s4] =	dma.local [hbm:s3], $0xF7A  }
0x26: {  	[smem:$0x3F9B] =	sst s1;
	(tag) =	ssettag s2;
	_ =	strace s9  }
0x27: {  	s1 =	sld [smem:$0x3FAB]  }
0x28: {  	s2 =	sld [smem:$0x3FAC]  }
0x29: {  	s4 =	sld [smem:$0x3FAE]  }
0x2a: {  	p0 =	seq.s32 s5, $0x0;
	s5 =	sld [smem:$0x3FAF]  }
0x2b: {  	s6 =	sld [smem:$0x3FB0]  }
0x2c: {  	s7 =	sld [smem:$0x3FB1]  }
0x2d: {  	s3 =	simm.s32 $0x108;
	s8 =	sld [smem:$0x3FB2]  }
0x2e: {  	s3 =	simm.s32 @!p0 $0x1082;
	s9 =	sld [smem:$0x3FB3]  }
0x2f: {  	lr =	sadd.s32 s0, s3;
	s0 =	sld [smem:$0x3FAA]  }
0x30: {  	s3 =	sld [smem:$0x3FAD]  }
0x31: {  	[smem:$0x3FB6] =	sst s10  }
0x32: {  	s10 =	sld [smem:$0x3FB4];
	_ =	sdelay $0x3  }
0x33: {  	p0 =	seq.s32 s10, $0x1;
	s10 =	sld [smem:$0x3FB6];
	_ =	sdelay $0x3  }
0x34: {  	[smem:$0x3FB6] =	sst s10  }
0x35: {  	s10 =	sld [smem:$0x3FB5];
	_ =	sdelay $0x3  }
0x36: {  	p1 =	seq.s32 s10, $0x1;
	s10 =	sld [smem:$0x3FB6];
	_ =	sdelay $0x3  }
0x37: {  	[smem:$0x3FB6] =	sst s10  }
0x38: {  	s10 =	sld [smem:$0x3FB7]  }
0x39: {  	_ = 	snop;
	(pc) =	sbr.ind lr, $3  }
0x3a: {  	_ = 	snop  }
0x3b: {  	_ = 	snop  }
0x3c: {  	p2 =	seq.s32 s10, $0x1;
	s10 =	sld [smem:$0x3FB6]  }
0x3d: {  	_ =	shalt  }
0x3e: {  	_ =	shalt  }
0x3f: {  	_ =	shalt  }
0x40: {  	_ =	shalt  }
0x41: {  	_ =	shalt  }
0x42: {  	_ =	shalt  }
0x43: {  	_ =	shalt  }
0x44: {  	_ =	shalt  }
0x45: {  	_ =	shalt  }
0x46: {  	_ =	shalt  }
0x47: {  	_ =	shalt  }
0x48: {  	_ =	shalt  }
0x49: {  	_ =	shalt  }
0x4a: {  	_ =	shalt  }
0x4b: {  	_ =	shalt  }
0x4c: {  	_ =	shalt  }
0x4d: {  	_ =	shalt  }
0x4e: {  	_ =	shalt  }
0x4f: {  	_ =	shalt  }
0x50: {  	_ =	shalt  }
0x51: {  	_ =	shalt  }
0x52: {  	_ =	shalt  }
0x53: {  	_ =	shalt  }
0x54: {  	_ =	shalt  }
0x55: {  	_ =	shalt  }
0x56: {  	_ =	shalt  }
0x57: {  	_ =	shalt  }
0x58: {  	_ =	shalt  }
0x59: {  	_ =	shalt  }
0x5a: {  	_ =	shalt  }
0x5b: {  	_ =	shalt  }
0x5c: {  	_ =	shalt  }
0x5d: {  	_ =	shalt  }
0x5e: {  	_ =	shalt  }
0x5f: {  	_ =	shalt  }
0x60: {  	_ =	shalt  }
0x61: {  	_ =	shalt  }
0x62: {  	_ =	shalt  }
0x63: {  	_ =	shalt  }
0x64: {  	_ =	shalt  }
0x65: {  	_ =	shalt  }
0x66: {  	_ =	shalt  }
0x67: {  	_ =	shalt  }
0x68: {  	_ =	shalt  }
0x69: {  	_ =	shalt  }
0x6a: {  	_ =	shalt  }
0x6b: {  	_ =	shalt  }
0x6c: {  	_ =	shalt  }
0x6d: {  	_ =	shalt  }
0x6e: {  	_ =	shalt  }
0x6f: {  	_ =	shalt  }
0x70: {  	_ =	shalt  }
0x71: {  	_ =	shalt  }
0x72: {  	_ =	shalt  }
0x73: {  	_ =	shalt  }
0x74: {  	_ =	shalt  }
0x75: {  	_ =	shalt  }
0x76: {  	_ =	shalt  }
0x77: {  	_ =	shalt  }
0x78: {  	_ =	shalt  }
0x79: {  	_ =	shalt  }
0x7a: {  	_ =	shalt  }
0x7b: {  	_ =	shalt  }
0x7c: {  	_ =	shalt  }
0x7d: {  	_ =	shalt  }
0x7e: {  	_ =	shalt  }
0x7f: {  	_ =	shalt  }
0x80: {  	_ =	shalt  }
0x81: {  	_ =	shalt  }
0x82: {  	_ =	shalt  }
0x83: {  	_ =	shalt  }
0x84: {  	_ =	shalt  }
0x85: {  	_ =	shalt  }
0x86: {  	_ =	shalt  }
0x87: {  	_ =	shalt  }
.Lfunc_end0:
.L_simem_size_0:
called_computation.1_lowered:
.L_overlay_start_0:
0x88: {  	s2 =	sld [smem:$0x3FD9]  }
0x89: {  	s3 =	sld [smem:$0x3FFE];
	_ =	sdelay $0x1  }
0x8a: {  	s1 =	srdreg.scid  }
0x8b: {  	s0 =	sand.u32 $0x1, s1  }
0x8c: {  	s17 =	sshll.u32 s0, $0xA;
	s2 =	sadd.s32 s3, s2  }
0x8d: {  	s2 =	sadd.s32 s2, s17  }
0x8e: {  	[smem:$0x3FC2] =	sst s2  }
0x8f: {  	_ = 	snop  }
0x90: {  	s2 =	sld [smem:$0x3FD0];
	(tm) =	ssettm $0x1  }
0x91: {  	s18 =	sld [smem:$0x3FFB];
	_ =	sdelay $0x3  }
0x92: {  	_ =	strace s18  }
0x93: {  	s3 =	sld [smem:$0x3FFC];
	_ =	sdelay $0x3  }
0x94: {  	_ =	strace s3  }
0x95: {  	s3 =	sld [smem:$0x3FFD];
	_ =	sdelay $0x3  }
0x96: {  	_ =	strace s3  }
0x97: {  	_ =	strace $0x8FFFFFFF  }
0x98: {  	s19 =	sld [smem:$0x3FDB];
	_ =	sdelay $0x1  }
0x99: {  	s4 =	simm.s32 $_scs_section_size  }
0x9a: {  	s5 =	simm.s32 $_size__tile_overlayer_lowered;
	s6 =	simm.s32 $_tile_overlayer_lowered  }
0x9b: {  	s22 =	simm.s32 $0x1BFF;
	s21 =	sshll.u32 s6, $0x1;
	s3 =	sadd.s32 s4, s19  }
0x9c: {  	s7 =	simm.s32 $0x0;
	s20 =	sshll.u32 s5, $0x1;
	s5 =	sadd.s32 s21, s3  }
0x9d: {  	[timem:s7], [sflag:s22] =	dma.local [hbm:s5], s20  }
0x9e: {  	_ =	swait.ge [sflag:s22], s20  }
0x9f: {  	s4 =	ssub.s32 $0x0, s20;
	[sflag:s22] =	ssyncset.done $0x0  }
0xa0: {  	[sflag:s22] =	ssyncadd.s32 s4;
	_ =	sdelay $0x1  }
0xa1: {  	s23 =	simm.s32 $0x1B8B  }
0xa2: {  	_ =	swait.ge [sflag:s23], $0x1  }
0xa3: {  	[sflag:s23] =	ssyncset.done $0x0  }
0xa4: {  	s25 =	simm.s32 $0x1B8E;
	s24 =	sld [smem:$0x3FFE];
	[sflag:s23] =	ssyncadd.s32 $0xFFFFFFFF  }
0xa5: {  	s26 =	simm.s32 $execute0_lowered;
	[smem:$0x3FD2] =	sst s25  }
0xa6: {  	s5 =	sshll.u32 s26, $0x1;
	_ =	strace $0x80000049;
	[dreg:$0x1] =	wrdreg $0xFFFFFFFF  }
0xa7: {  	s28 =	simm.s32 $_size_execute0_lowered;
	s3 =	sadd.s32 s3, s5;
	[dreg:$0x0] =	wrdreg $0x0  }
0xa8: {  	s5 =	sshll.u32 s28, $0x1;
	[dreg:$0x2] =	wrdreg s3  }
0xa9: {  	[dreg:$0x3] =	wrdreg s5  }
0xaa: {  	[dreg:$0x4] =	wrdreg $0xC0  }
0xab: {  	_ =	task [dreg:s7], $0x5FFFF  }
0xac: {  	[dreg:$0x1] =	wrdreg $0xFFFFFFFF  }
0xad: {  	[dreg:$0x0] =	wrdreg $0x60  }
0xae: {  	[dreg:$0x2] =	wrdreg s24  }
0xaf: {  	[dreg:$0x3] =	wrdreg s2  }
0xb0: {  	[dreg:$0x4] =	wrdreg $0xEE800  }
0xb1: {  	[dreg:$0x5] =	wrdreg $0x9  }
0xb2: {  	_ =	task.clear_ibuf [dreg:s7], $0x6FFFF;
	_ =	strace $0x90000049  }
0xb3: {  	s29 =	simm.s32 $0x9;
	_ =	strace $0x8000004B  }
0xb4: {  	_ =	swait.ge [sflag:s29], $0x1  }
0xb5: {  	[sflag:s29] =	ssyncadd.s32 $0xFFFFFFFF  }
0xb6: {  	_ =	strace $0x9000004B  }
0xb7: {  	_ =	sfence  }
0xb8: {  	s30 =	sld [smem:$0x0];
	_ =	sdelay $0x2  }
0xb9: {  	s31 =	sshll.u32 s1, $0xD;
	s1 =	sshrl.u32 s1, $0x2  }
0xba: {  	s3 =	sand.u32 $0x4000, s31;
	s1 =	sadd.s32 s1, s30  }
0xbb: {  	s0 =	sor.u32 s3, s0;
	s1 =	sshll.u32 s1, $0x11  }
0xbc: {  	s0 =	sor.u32 s1, s0  }
0xbd: {  	s0 =	sadd.s32 $0x8F2B, s0  }
0xbe: {  	[sflag:s0] =	ssyncadd.remote.s32 $0x1  }
0xbf: {  	_ =	sfence.sel $0xFFFF  }
0xc0: {  	[dreg:$0x0] =	wrdreg $0xFFFFFFFF;
	(pc) =	sbr.abs _section_cstart, $3  }
0xc1: {  	[dreg:$0x1] =	wrdreg $0xFFFFFFFF  }
0xc2: {  	_ =	task.clear_ibuf [dreg:s7], $0x2FFFF;
	_ =	strace $0x9FFFFFFF  }
0xc3: {  	(tm) =	ssettm $0x7FFFFFFF  }
tec
execute0_lowered:
.L_overlay_start_1:
0x0: {  	(tag) =	ssettag $0x1  }
0x1: {  	s0 =	rddreg [dreg:$0x0]  }
0x2: {  	s1 =	rddreg [dreg:$0x1]  }
0x3: {  	s2 =	rddreg [dreg:$0x2]  }
0x4: {  	s4 =	simm.s32 $0x0;
	s3 =	srdreg.scid;
	s8 =	stileid.u32  }
0x5: {  	s28 =	simm.s32 $0x5000;
	s29 =	simm.s32 $0x7000;
	s31 =	simm.s32 $0x9000  }
0x6: {  	s30 =	simm.s32 $0xB000;
	[smem:$0x7FF] =	sst s4;
	s5 =	smul.u32 $0x27100, s8  }
0x7: {  	s3 =	sand.u32 $0x1, s3;
	s4 =	sadd.s32 $0x1A00, s0;
	s0 =	sadd.s32 $0x15400, s0  }
0x8: {  	_ =	strace $0x8000004A;
	s6 =	ssub.s32 $0x2, s3;
	s5 =	sshrl.u32 s5, $0x2  }
0x9: {  	s10 =	sshll.u32 s3, $0x4;
	s7 =	sshrl.u32 s6, $0x1;
	s5 =	sadd.s32 s5, s2  }
0xa: {  	s6 =	ssub.s32 s6, s7;
	s9 =	sadd.s32 $0x2000, s5;
	[dreg:$0x4] =	wrdreg s5  }
0xb: {  	s7 =	sor.u32 s8, s10;
	s11 =	sadd.s32 $0x4000, s5;
	[dreg:$0x5] =	wrdreg s9  }
0xc: {  	s8 =	smul.u32 $0x13880, s8;
	s12 =	sadd.s32 $0x6000, s5;
	[dreg:$0x6] =	wrdreg s11  }
0xd: {  	p0 =	sne.s32 s3, $0x0;
	s5 =	sadd.s32 $0x8000, s5;
	[dreg:$0x7] =	wrdreg s12  }
0xe: {  	s7 =	smul.u32 $0x2800, s7;
	[dreg:$0x8] =	wrdreg s5;
	s13 =	sshrl.u32 s8, $0x1  }
0xf: {  	s11 =	smul.u32 $0x138800, s3;
	s14 =	sshrl.u32 s8, $0x4;
	s17 =	sadd.s32 $0x3E80, s8  }
0x10: {  	s20 =	sadd.s32 $0x7D00, s8;
	s23 =	sadd.s32 $0xBB80, s8;
	s3 =	simm.s32 $0x3  }
0x11: {  	s9 =	simm.s32 $0x0;
	s10 =	sadd.s32 s13, s2;
	s7 =	sshrl.u32 s7, $0x3  }
0x12: {  	s15 =	sadd.s32 s4, s14;
	s18 =	sshrl.u32 s17, $0x1;
	s21 =	sshrl.u32 s20, $0x1  }
0x13: {  	s24 =	sshrl.u32 s23, $0x1;
	[dreg:$0x9] =	wrdreg s15;
	s12 =	sadd.s32 s1, s7  }
0x14: {  	s16 =	sadd.s32 s8, s11;
	s7 =	sadd.s32 s11, s17;
	s15 =	sadd.s32 s18, s2  }
0x15: {  	s17 =	sadd.s32 s21, s2;
	s8 =	sadd.s32 $0xFA00, s8;
	s25 =	sadd.s32 s11, s23  }
0x16: {  	s23 =	smax.u32 s6, $0x1;
	s6 =	simm.s32 $0x4;
	s13 =	sadd.s32 $0xA000, s12  }
0x17: {  	s1 =	sshrl.u32 s16, $0x3;
	s19 =	sshrl.u32 s7, $0x3;
	s7 =	sadd.s32 s11, s20  }
0x18: {  	v0 =	vlaneseq.u32;
	s26 =	sadd.s32 s11, s8;
	s8 =	sshrl.u32 s8, $0x1;
	s14 =	sadd.s32 s0, s1  }
0x19: {  	v0 =	vmul.u32 $0x2, v0;
	s16 =	sadd.s32 s0, s19;
	s22 =	sshrl.u32 s7, $0x3;
	s19 =	sadd.s32 s24, s2  }
0x1a: {  	s1 =	sshrl.u32 s25, $0x3;
	s7 =	sshrl.u32 s26, $0x3;
	s21 =	sadd.s32 s8, s2  }
0x1b: {  	v8 =	vimm.bf16 $0.0e+00;
	v1 =	vor.u32 $0x1, v0;
	s24 =	simm.s32 $0x7;
	s26 =	simm.s32 $0x80;
	s8 =	simm.s32 $0x6  }
0x1c: {  	v2 =	vor.u32 $0x20, v0;
	v3 =	vor.u32 $0x21, v0;
	v4 =	vor.u32 $0x40, v0;
	s18 =	sadd.s32 s0, s22;
	s20 =	sadd.s32 s0, s1;
	s22 =	sadd.s32 s0, s7  }
0x1d: {  	v5 =	vor.u32 $0x41, v0;
	v6 =	vor.u32 $0x60, v0;
	v7 =	vor.u32 $0x61, v0;
	s0 =	simm.s32 $0x1;
	s1 =	simm.s32 $0x2;
	s7 =	simm.s32 $0x5  }
.LBB2_1:
.Ltmp0:
0x1e: {  	(pc) =	sbr.rel @p0 .LBB2_3-.Ltmp0, $1  }
0x1f: {  	_ =	sdelay $0x3  }
0x20: {  	s5 =	stileid.u32  }
0x21: {  	s25 =	sshrl.u32 s10, $0x3;
	s11 =	sshll.u32 s5, $0x6  }
.Ltmp1:
0x22: {  	s5 =	rddreg [dreg:$0x9];
	s11 =	sor.u32 $0x1C07, s11;
	(pc) =	sbr.rel .LBB2_6-.Ltmp1, $4  }
0x23: {  	[spmem:s25], [sflag:s11] =	dma.local [hbm:s5], $0x1388  }
0x24: {  	_ =	swait.ge [sflag:s24], $0x1388  }
0x25: {  	[sflag:s24] =	ssyncset.done $0x0  }
0x26: {  	[sflag:s24] =	ssyncadd.s32 $0xFFFFEC78  }
.LBB2_3:
0x27: {  	s25 =	simm.s32 $0x100;
	s11 =	simm.s32 $0x0  }
.LBB2_4:
0x28: {  	p1 =	sne.s32 s25, $0x7F00;
	[tilespmem:s11+$0x5030] =	vst v8;
	s5 =	smov.u32 s25;
	s25 =	sadd.s32 $0x100, s25  }
.Ltmp2:
0x29: {  	[tilespmem:s11+$0x5020] =	vst v8;
	(pc) =	sbr.rel @p1 .LBB2_4-.Ltmp2, $3  }
0x2a: {  	[tilespmem:s11+$0x5000] =	vst v8  }
0x2b: {  	[tilespmem:s11+$0x5010] =	vst v8;
	_ =	sdelay $0x1  }
0x2c: {  	s11 =	sshra.s32 s5, $0x2  }
0x2d: {  	[tilespmem:s11+$0x5030] =	vst v8  }
0x2e: {  	[tilespmem:s11+$0x5020] =	vst v8  }
0x2f: {  	[tilespmem:s11+$0x5000] =	vst v8  }
0x30: {  	[tilespmem:s11+$0x5010] =	vst v8;
	s5 =	rddreg [dreg:$0x4]  }
0x31: {  	[spmem:s5] =	stream.linear.scatter [tilespmem:s28], [sflag:$0x7], $0x2000, $0x38;
	[tilespmem:$0x18B00] =	vst v63  }
0x32: {  	_ =	swait.ge [sflag:s24], $0x2000  }
0x33: {  	[sflag:s24] =	ssyncset.done $0x0  }
0x34: {  	s11 =	rddreg [dreg:$0x5];
	[sflag:s24] =	ssyncadd.s32 $0xFFFFE000  }
0x35: {  	[spmem:s11] =	stream.linear.scatter [tilespmem:s28], [sflag:$0x7], $0x2000, $0x38;
	[tilespmem:$0x18B00] =	vst v63  }
0x36: {  	_ =	swait.ge [sflag:s24], $0x2000  }
0x37: {  	[sflag:s24] =	ssyncset.done $0x0  }
0x38: {  	s25 =	rddreg [dreg:$0x6];
	[sflag:s24] =	ssyncadd.s32 $0xFFFFE000  }
0x39: {  	[spmem:s25] =	stream.linear.scatter [tilespmem:s28], [sflag:$0x7], $0x2000, $0x38;
	[tilespmem:$0x18B00] =	vst v63  }
0x3a: {  	_ =	swait.ge [sflag:s24], $0x2000  }
0x3b: {  	[sflag:s24] =	ssyncset.done $0x0  }
0x3c: {  	s11 =	rddreg [dreg:$0x7];
	[sflag:s24] =	ssyncadd.s32 $0xFFFFE000  }
0x3d: {  	[spmem:s11] =	stream.linear.scatter [tilespmem:s28], [sflag:$0x7], $0x2000, $0x38;
	[tilespmem:$0x18B00] =	vst v63  }
0x3e: {  	_ =	swait.ge [sflag:s24], $0x2000  }
0x3f: {  	[sflag:s24] =	ssyncset.done $0x0  }
0x40: {  	s25 =	rddreg [dreg:$0x8];
	[sflag:s24] =	ssyncadd.s32 $0xFFFFE000  }
0x41: {  	[spmem:s25] =	stream.linear.scatter [tilespmem:s28], [sflag:$0x7], $0x1C40, $0x38;
	[tilespmem:$0x18B00] =	vst v63  }
0x42: {  	_ =	swait.ge [sflag:s24], $0x1C40  }
0x43: {  	[sflag:s24] =	ssyncset.done $0x0  }
0x44: {  	[sflag:s24] =	ssyncadd.s32 $0xFFFFE3C0  }
.LBB2_6:
0x45: {  	s5 =	simm.s32 $0x0  }
0x46: {  	[tilespmem:s5], [sflag:$0x7] =	stream.linear.gather [hbm4b:s12+s5], $0x2800, $0x38;
	[tilespmem:$0x18B00] =	vst v63  }
0x47: {  	_ =	swait.ge [sflag:s24], $0x2800  }
0x48: {  	[sflag:s24] =	ssyncset.done $0x0  }
0x49: {  	s11 =	simm.s32 $0x2800;
	[sflag:s24] =	ssyncadd.s32 $0xFFFFD800  }
0x4a: {  	[tilespmem:s11], [sflag:$0x7] =	stream.linear.gather [hbm4b:s13+s5], $0x2800, $0x38;
	[tilespmem:$0x18B00] =	vst v63  }
0x4b: {  	_ =	swait.ge [sflag:s24], $0x2800  }
0x4c: {  	[sflag:s24] =	ssyncset.done $0x0  }
0x4d: {  	[sflag:s24] =	ssyncadd.s32 $0xFFFFD800  }
0x4e: {  	[bflag:$0x0] =	sbarrier.arrive $0xFFFF  }
0x4f: {  	[tilespmem:s28], [sflag:$0x1] =	stream.indirect.gather [hbm4b:s4+s26], $0x40, s5, s26, $0xb8;
	[tilespmem:$0x18B00] =	vst v63  }
0x50: {  	_ = 	snop  }
0x51: {  	[tilespmem:s29], [sflag:$0x2] =	stream.indirect.gather [hbm4b:s4+s26], $0x40, s26, s26, $0xb8;
	[tilespmem:$0x18B00] =	vst v63  }
0x52: {  	s11 =	simm.s32 $0x100  }
0x53: {  	[tilespmem:s31], [sflag:$0x3] =	stream.indirect.gather [hbm4b:s4+s26], $0x40, s11, s26, $0xb8;
	[tilespmem:$0x18B00] =	vst v63  }
0x54: {  	_ =	swait.ge [sflag:s0], $0x2000  }
0x55: {  	[sflag:s0] =	ssyncset.done $0x0  }
0x56: {  	s25 =	simm.s32 $0x2800;
	[sflag:s0] =	ssyncadd.s32 $0xFFFFE000  }
0x57: {  	[spmem:s2] =	stream.indirect.scatter.add.bf16 [tilespmem:s28], [sflag:$0x4], $0x40, s25, s26, $0xb8;
	[tilespmem:$0x18B00] =	vst v63  }
0x58: {  	_ =	swait.ge [sflag:s1], $0x2000  }
0x59: {  	[sflag:s1] =	ssyncset.done $0x0  }
0x5a: {  	s11 =	simm.s32 $0x2880;
	[sflag:s1] =	ssyncadd.s32 $0xFFFFE000  }
0x5b: {  	[spmem:s2] =	stream.indirect.scatter.add.bf16 [tilespmem:s29], [sflag:$0x5], $0x40, s11, s26, $0xb8;
	[tilespmem:$0x18B00] =	vst v63  }
0x5c: {  	_ =	swait.ge [sflag:s3], $0x2000  }
0x5d: {  	[sflag:s3] =	ssyncset.done $0x0  }
0x5e: {  	s25 =	simm.s32 $0x2900;
	[sflag:s3] =	ssyncadd.s32 $0xFFFFE000  }
0x5f: {  	[spmem:s2] =	stream.indirect.scatter.add.bf16 [tilespmem:s31], [sflag:$0x6], $0x40, s25, s26, $0xb8;
	[tilespmem:$0x18B00] =	vst v63  }
0x60: {  	_ =	swait.ge [sflag:s6], $0x2000  }
0x61: {  	[sflag:s6] =	ssyncset.done $0x0  }
0x62: {  	s11 =	simm.s32 $0x180;
	[sflag:s6] =	ssyncadd.s32 $0xFFFFE000  }
0x63: {  	[tilespmem:s28], [sflag:$0x1] =	stream.indirect.gather [hbm4b:s4+s26], $0x40, s11, s26, $0xb8;
	[tilespmem:$0x18B00] =	vst v63  }
0x64: {  	_ =	swait.ge [sflag:s7], $0x2000  }
0x65: {  	[sflag:s7] =	ssyncset.done $0x0  }
0x66: {  	s25 =	simm.s32 $0x200;
	[sflag:s7] =	ssyncadd.s32 $0xFFFFE000  }
0x67: {  	[tilespmem:s29], [sflag:$0x2] =	stream.indirect.gather [hbm4b:s4+s26], $0x40, s25, s26, $0xb8;
	[tilespmem:$0x18B00] =	vst v63  }
0x68: {  	_ =	swait.ge [sflag:s8], $0x2000  }
0x69: {  	[sflag:s8] =	ssyncset.done $0x0  }
0x6a: {  	s11 =	simm.s32 $0x600;
	s25 =	simm.s32 $0x280;
	[sflag:s8] =	ssyncadd.s32 $0xFFFFE000  }
.LBB2_7:
0x6b: {  	[tilespmem:s31], [sflag:$0x3] =	stream.indirect.gather [hbm4b:s4+s26], $0x40, s25, s26, $0xb8;
	[tilespmem:$0x18B00] =	vst v63  }
0x6c: {  	s5 =	smov.u32 s11  }
0x6d: {  	p1 =	sne.s32 s11, $0x9000;
	s11 =	sadd.s32 $0x600, s11;
	_ =	swait.ge [sflag:s0], $0x2000  }
0x6e: {  	s5 =	sshra.s32 s5, $0x2;
	[sflag:s0] =	ssyncset.done $0x0  }
0x6f: {  	s25 =	sadd.s32 $0x2800, s5;
	[sflag:s0] =	ssyncadd.s32 $0xFFFFE000  }
0x70: {  	[spmem:s2] =	stream.indirect.scatter.add.bf16 [tilespmem:s28], [sflag:$0x4], $0x40, s25, s26, $0xb8;
	[tilespmem:$0x18B00] =	vst v63  }
0x71: {  	_ =	swait.ge [sflag:s1], $0x2000  }
0x72: {  	[sflag:s1] =	ssyncset.done $0x0  }
0x73: {  	s25 =	sadd.s32 $0x2880, s5;
	[sflag:s1] =	ssyncadd.s32 $0xFFFFE000  }
0x74: {  	[spmem:s2] =	stream.indirect.scatter.add.bf16 [tilespmem:s29], [sflag:$0x5], $0x40, s25, s26, $0xb8;
	[tilespmem:$0x18B00] =	vst v63  }
0x75: {  	_ =	swait.ge [sflag:s3], $0x2000  }
0x76: {  	[sflag:s3] =	ssyncset.done $0x0  }
0x77: {  	s25 =	sadd.s32 $0x2900, s5;
	[sflag:s3] =	ssyncadd.s32 $0xFFFFE000  }
0x78: {  	[spmem:s2] =	stream.indirect.scatter.add.bf16 [tilespmem:s31], [sflag:$0x6], $0x40, s25, s26, $0xb8;
	[tilespmem:$0x18B00] =	vst v63  }
0x79: {  	_ =	swait.ge [sflag:s6], $0x2000  }
0x7a: {  	[sflag:s6] =	ssyncset.done $0x0  }
0x7b: {  	s25 =	sadd.s32 $0x180, s5;
	[sflag:s6] =	ssyncadd.s32 $0xFFFFE000  }
0x7c: {  	[tilespmem:s28], [sflag:$0x1] =	stream.indirect.gather [hbm4b:s4+s26], $0x40, s25, s26, $0xb8;
	[tilespmem:$0x18B00] =	vst v63  }
0x7d: {  	_ =	swait.ge [sflag:s7], $0x2000  }
0x7e: {  	[sflag:s7] =	ssyncset.done $0x0  }
.Ltmp3:
0x7f: {  	s25 =	sadd.s32 $0x200, s5;
	[sflag:s7] =	ssyncadd.s32 $0xFFFFE000;
	(pc) =	sbr.rel @p1 .LBB2_7-.Ltmp3, $4  }
0x80: {  	[tilespmem:s29], [sflag:$0x2] =	stream.indirect.gather [hbm4b:s4+s26], $0x40, s25, s26, $0xb8;
	[tilespmem:$0x18B00] =	vst v63  }
0x81: {  	_ =	swait.ge [sflag:s8], $0x2000  }
0x82: {  	[sflag:s8] =	ssyncset.done $0x0  }
0x83: {  	s25 =	sadd.s32 $0x280, s5;
	[sflag:s8] =	ssyncadd.s32 $0xFFFFE000  }
0x84: {  	[tilespmem:s31], [sflag:$0x3] =	stream.indirect.gather [hbm4b:s4+s26], $0x40, s25, s26, $0xb8;
	[tilespmem:$0x18B00] =	vst v63  }
0x85: {  	_ =	swait.ge [sflag:s0], $0x2000  }
0x86: {  	[sflag:s0] =	ssyncset.done $0x0  }
0x87: {  	s5 =	simm.s32 $0x4D80;
	[sflag:s0] =	ssyncadd.s32 $0xFFFFE000  }
0x88: {  	[spmem:s2] =	stream.indirect.scatter.add.bf16 [tilespmem:s28], [sflag:$0x4], $0x40, s5, s26, $0xb8;
	[tilespmem:$0x18B00] =	vst v63  }
0x89: {  	_ =	swait.ge [sflag:s1], $0x2000  }
0x8a: {  	[sflag:s1] =	ssyncset.done $0x0  }
0x8b: {  	s11 =	simm.s32 $0x4E00;
	[sflag:s1] =	ssyncadd.s32 $0xFFFFE000  }
0x8c: {  	[spmem:s2] =	stream.indirect.scatter.add.bf16 [tilespmem:s29], [sflag:$0x5], $0x40, s11, s26, $0xb8;
	[tilespmem:$0x18B00] =	vst v63  }
0x8d: {  	_ =	swait.ge [sflag:s3], $0x2000  }
0x8e: {  	[sflag:s3] =	ssyncset.done $0x0  }
0x8f: {  	s25 =	simm.s32 $0x4E80;
	[sflag:s3] =	ssyncadd.s32 $0xFFFFE000  }
0x90: {  	[spmem:s2] =	stream.indirect.scatter.add.bf16 [tilespmem:s31], [sflag:$0x6], $0x40, s25, s26, $0xb8;
	[tilespmem:$0x18B00] =	vst v63  }
0x91: {  	_ =	swait.ge [sflag:s6], $0x2000  }
0x92: {  	[sflag:s6] =	ssyncset.done $0x0  }
0x93: {  	s11 =	simm.s32 $0x2700;
	[sflag:s6] =	ssyncadd.s32 $0xFFFFE000  }
0x94: {  	[tilespmem:s28], [sflag:$0x1] =	stream.indirect.gather [hbm4b:s4+s26], $0x40, s11, s26, $0xb8;
	[tilespmem:$0x18B00] =	vst v63  }
0x95: {  	_ =	swait.ge [sflag:s7], $0x2000  }
0x96: {  	[sflag:s7] =	ssyncset.done $0x0  }
0x97: {  	s25 =	simm.s32 $0x2780;
	[sflag:s7] =	ssyncadd.s32 $0xFFFFE000  }
0x98: {  	[tilespmem:s29], [sflag:$0x2] =	stream.indirect.gather [hbm4b:s4+s26], $0x40, s25, s26, $0xb8;
	[tilespmem:$0x18B00] =	vst v63  }
0x99: {  	_ =	swait.ge [sflag:s0], $0x2000  }
0x9a: {  	[sflag:s0] =	ssyncset.done $0x0  }
0x9b: {  	s11 =	simm.s32 $0x4F00;
	[sflag:s0] =	ssyncadd.s32 $0xFFFFE000  }
0x9c: {  	[spmem:s2] =	stream.indirect.scatter.add.bf16 [tilespmem:s28], [sflag:$0x4], $0x40, s11, s26, $0xb8;
	[tilespmem:$0x18B00] =	vst v63  }
0x9d: {  	_ =	swait.ge [sflag:s1], $0x2000  }
0x9e: {  	[sflag:s1] =	ssyncset.done $0x0  }
0x9f: {  	s25 =	simm.s32 $0x4F80;
	[sflag:s1] =	ssyncadd.s32 $0xFFFFE000  }
0xa0: {  	[spmem:s2] =	stream.indirect.scatter.add.bf16 [tilespmem:s29], [sflag:$0x5], $0x40, s25, s26, $0xb8;
	[tilespmem:$0x18B00] =	vst v63  }
0xa1: {  	_ =	swait.ge [sflag:s8], $0x2000  }
0xa2: {  	[sflag:s8] =	ssyncset.done $0x0  }
0xa3: {  	[sflag:s8] =	ssyncadd.s32 $0xFFFFE000  }
0xa4: {  	_ =	swait.ge [sflag:s6], $0x2000  }
0xa5: {  	[sflag:s6] =	ssyncset.done $0x0  }
0xa6: {  	[sflag:s6] =	ssyncadd.s32 $0xFFFFE000  }
0xa7: {  	_ =	swait.ge [sflag:s7], $0x2000  }
0xa8: {  	[sflag:s7] =	ssyncset.done $0x0  }
0xa9: {  	[sflag:s7] =	ssyncadd.s32 $0xFFFFE000  }
0xaa: {  	[bflag:$0x0] =	sbarrier.arrive $0xFFFF  }
0xab: {  	[tilespmem:s28], [sflag:$0x7] =	stream.linear.gather [spmem:s10], $0x1F40, $0x38;
	[tilespmem:$0x18B00] =	vst v63  }
0xac: {  	_ =	swait.ge [sflag:s24], $0x1F40  }
0xad: {  	[sflag:s24] =	ssyncset.done $0x0  }
0xae: {  	s11 =	simm.s32 $0x5020;
	[sflag:s24] =	ssyncadd.s32 $0xFFFFE0C0  }
0xaf: {  	s5 =	simm.s32 $0x0;
	v9 =	vld [tilespmem:s11+$0xFFFFFFE0]  }
0xb0: {  	v10 =	vor.u32 s5, v0  }
0xb1: {  	v11 =	vor.u32 s5, v1;
	_ =	sdelay $0x2  }
0xb2: {  	v12 =	vunpack.i.l.bf16.f32 v9  }
0xb3: {  	v9 =	vunpack.i.u.bf16.f32 v9;
	[tilespmem:v10+s30+$0x0] =	vst.idx.msk $0xffff, v12  }
0xb4: {  	[tilespmem:v11+s30+$0x0] =	vst.idx.msk $0xffff, v9  }
0xb5: {  	v9 =	vld [tilespmem:s11+$0xFFFFFFF0]  }
0xb6: {  	v10 =	vor.u32 s5, v2  }
0xb7: {  	v11 =	vor.u32 s5, v3;
	_ =	sdelay $0x2  }
0xb8: {  	v61 =	vunpack.i.l.bf16.f32 v9  }
0xb9: {  	v9 =	vunpack.i.u.bf16.f32 v9;
	[tilespmem:v10+s30+$0x0] =	vst.idx.msk $0xffff, v61  }
0xba: {  	[tilespmem:v11+s30+$0x0] =	vst.idx.msk $0xffff, v9  }
0xbb: {  	v9 =	vld [tilespmem:s11+$0x0]  }
0xbc: {  	v10 =	vor.u32 s5, v4  }
0xbd: {  	v11 =	vor.u32 s5, v5;
	_ =	sdelay $0x2  }
0xbe: {  	v62 =	vunpack.i.l.bf16.f32 v9  }
0xbf: {  	v9 =	vunpack.i.u.bf16.f32 v9;
	[tilespmem:v10+s30+$0x0] =	vst.idx.msk $0xffff, v62  }
0xc0: {  	[tilespmem:v11+s30+$0x0] =	vst.idx.msk $0xffff, v9  }
0xc1: {  	v10 =	vld [tilespmem:s11+$0x10]  }
0xc2: {  	v11 =	vor.u32 s5, v6;
	_ =	sdelay $0x1  }
0xc3: {  	v9 =	vor.u32 s5, v7;
	_ =	sdelay $0x1  }
0xc4: {  	v63 =	vunpack.i.l.bf16.f32 v10  }
0xc5: {  	s25 =	simm.s32 $0x1;
	v10 =	vunpack.i.u.bf16.f32 v10;
	[tilespmem:v11+s30+$0x0] =	vst.idx.msk $0xffff, v63  }
.LBB2_9:
0xc6: {  	p1 =	sne.s32 s25, $0x7C  }
0xc7: {  	[tilespmem:v9+s30+$0x0] =	vst.idx.msk $0xffff, v10;
	s11 =	sadd.s32 $0x40, s11;
	s5 =	smov.u32 s25;
	s25 =	sadd.s32 $0x1, s25  }
0xc8: {  	v9 =	vld [tilespmem:s11+$0xFFFFFFE0];
	s5 =	sshll.u32 s5, $0x7  }
0xc9: {  	v10 =	vor.u32 s5, v0  }
0xca: {  	v11 =	vor.u32 s5, v1;
	_ =	sdelay $0x2  }
0xcb: {  	v12 =	vunpack.i.l.bf16.f32 v9  }
0xcc: {  	v9 =	vunpack.i.u.bf16.f32 v9;
	[tilespmem:v10+s30+$0x0] =	vst.idx.msk $0xffff, v12  }
0xcd: {  	[tilespmem:v11+s30+$0x0] =	vst.idx.msk $0xffff, v9  }
0xce: {  	v9 =	vld [tilespmem:s11+$0xFFFFFFF0]  }
0xcf: {  	v10 =	vor.u32 s5, v2  }
0xd0: {  	v11 =	vor.u32 s5, v3;
	_ =	sdelay $0x2  }
0xd1: {  	v12 =	vunpack.i.l.bf16.f32 v9  }
0xd2: {  	v9 =	vunpack.i.u.bf16.f32 v9;
	[tilespmem:v10+s30+$0x0] =	vst.idx.msk $0xffff, v12  }
0xd3: {  	[tilespmem:v11+s30+$0x0] =	vst.idx.msk $0xffff, v9  }
0xd4: {  	v9 =	vld [tilespmem:s11+$0x0]  }
0xd5: {  	v10 =	vor.u32 s5, v4  }
0xd6: {  	v11 =	vor.u32 s5, v5;
	_ =	sdelay $0x2  }
0xd7: {  	v12 =	vunpack.i.l.bf16.f32 v9  }
0xd8: {  	v9 =	vunpack.i.u.bf16.f32 v9;
	[tilespmem:v10+s30+$0x0] =	vst.idx.msk $0xffff, v12  }
0xd9: {  	[tilespmem:v11+s30+$0x0] =	vst.idx.msk $0xffff, v9  }
0xda: {  	v10 =	vld [tilespmem:s11+$0x10]  }
0xdb: {  	v11 =	vor.u32 s5, v6  }
.Ltmp4:
0xdc: {  	v9 =	vor.u32 s5, v7;
	(pc) =	sbr.rel @p1 .LBB2_9-.Ltmp4, $3  }
0xdd: {  	_ =	sdelay $0x1  }
0xde: {  	v12 =	vunpack.i.l.bf16.f32 v10  }
0xdf: {  	v10 =	vunpack.i.u.bf16.f32 v10;
	[tilespmem:v11+s30+$0x0] =	vst.idx.msk $0xffff, v12  }
0xe0: {  	_ =	sdelay $0x3  }
0xe1: {  	[tilespmem:v9+s30+$0x0] =	vst.idx.msk $0xffff, v10;
	s5 =	simm.s32 $0x0  }
0xe2: {  	[hbm4b:s14+s5] =	stream.linear.scatter [tilespmem:s30], [sflag:$0x7], $0x3E80, $0x38;
	[tilespmem:$0x18B00] =	vst v63  }
0xe3: {  	_ =	swait.ge [sflag:s24], $0x3E80  }
0xe4: {  	[sflag:s24] =	ssyncset.done $0x0  }
0xe5: {  	[sflag:s24] =	ssyncadd.s32 $0xFFFFC180  }
0xe6: {  	[tilespmem:s28], [sflag:$0x7] =	stream.linear.gather [spmem:s15], $0x1F40, $0x38;
	[tilespmem:$0x18B00] =	vst v63  }
0xe7: {  	_ =	swait.ge [sflag:s24], $0x1F40  }
0xe8: {  	[sflag:s24] =	ssyncset.done $0x0  }
0xe9: {  	s11 =	simm.s32 $0x5020;
	[sflag:s24] =	ssyncadd.s32 $0xFFFFE0C0  }
0xea: {  	s5 =	simm.s32 $0x0;
	v9 =	vld [tilespmem:s11+$0xFFFFFFE0]  }
0xeb: {  	v10 =	vor.u32 s5, v0  }
0xec: {  	v11 =	vor.u32 s5, v1;
	_ =	sdelay $0x2  }
0xed: {  	v12 =	vunpack.i.l.bf16.f32 v9  }
0xee: {  	v9 =	vunpack.i.u.bf16.f32 v9;
	[tilespmem:v10+s30+$0x0] =	vst.idx.msk $0xffff, v12  }
0xef: {  	[tilespmem:v11+s30+$0x0] =	vst.idx.msk $0xffff, v9  }
0xf0: {  	v9 =	vld [tilespmem:s11+$0xFFFFFFF0]  }
0xf1: {  	v10 =	vor.u32 s5, v2  }
0xf2: {  	v11 =	vor.u32 s5, v3;
	_ =	sdelay $0x2  }
0xf3: {  	v61 =	vunpack.i.l.bf16.f32 v9  }
0xf4: {  	v9 =	vunpack.i.u.bf16.f32 v9;
	[tilespmem:v10+s30+$0x0] =	vst.idx.msk $0xffff, v61  }
0xf5: {  	[tilespmem:v11+s30+$0x0] =	vst.idx.msk $0xffff, v9  }
0xf6: {  	v9 =	vld [tilespmem:s11+$0x0]  }
0xf7: {  	v10 =	vor.u32 s5, v4  }
0xf8: {  	v11 =	vor.u32 s5, v5;
	_ =	sdelay $0x2  }
0xf9: {  	v62 =	vunpack.i.l.bf16.f32 v9  }
0xfa: {  	v9 =	vunpack.i.u.bf16.f32 v9;
	[tilespmem:v10+s30+$0x0] =	vst.idx.msk $0xffff, v62  }
0xfb: {  	[tilespmem:v11+s30+$0x0] =	vst.idx.msk $0xffff, v9  }
0xfc: {  	v10 =	vld [tilespmem:s11+$0x10]  }
0xfd: {  	v11 =	vor.u32 s5, v6;
	_ =	sdelay $0x1  }
0xfe: {  	v9 =	vor.u32 s5, v7;
	_ =	sdelay $0x1  }
0xff: {  	v63 =	vunpack.i.l.bf16.f32 v10  }
0x100: {  	s25 =	simm.s32 $0x1;
	v10 =	vunpack.i.u.bf16.f32 v10;
	[tilespmem:v11+s30+$0x0] =	vst.idx.msk $0xffff, v63  }
.LBB2_11:
0x101: {  	p1 =	sne.s32 s25, $0x7C  }
0x102: {  	[tilespmem:v9+s30+$0x0] =	vst.idx.msk $0xffff, v10;
	s11 =	sadd.s32 $0x40, s11;
	s5 =	smov.u32 s25;
	s25 =	sadd.s32 $0x1, s25  }
0x103: {  	v9 =	vld [tilespmem:s11+$0xFFFFFFE0];
	s5 =	sshll.u32 s5, $0x7  }
0x104: {  	v10 =	vor.u32 s5, v0  }
0x105: {  	v11 =	vor.u32 s5, v1;
	_ =	sdelay $0x2  }
0x106: {  	v12 =	vunpack.i.l.bf16.f32 v9  }
0x107: {  	v9 =	vunpack.i.u.bf16.f32 v9;
	[tilespmem:v10+s30+$0x0] =	vst.idx.msk $0xffff, v12  }
0x108: {  	[tilespmem:v11+s30+$0x0] =	vst.idx.msk $0xffff, v9  }
0x109: {  	v9 =	vld [tilespmem:s11+$0xFFFFFFF0]  }
0x10a: {  	v10 =	vor.u32 s5, v2  }
0x10b: {  	v11 =	vor.u32 s5, v3;
	_ =	sdelay $0x2  }
0x10c: {  	v12 =	vunpack.i.l.bf16.f32 v9  }
0x10d: {  	v9 =	vunpack.i.u.bf16.f32 v9;
	[tilespmem:v10+s30+$0x0] =	vst.idx.msk $0xffff, v12  }
0x10e: {  	[tilespmem:v11+s30+$0x0] =	vst.idx.msk $0xffff, v9  }
0x10f: {  	v9 =	vld [tilespmem:s11+$0x0]  }
0x110: {  	v10 =	vor.u32 s5, v4  }
0x111: {  	v11 =	vor.u32 s5, v5;
	_ =	sdelay $0x2  }
0x112: {  	v12 =	vunpack.i.l.bf16.f32 v9  }
0x113: {  	v9 =	vunpack.i.u.bf16.f32 v9;
	[tilespmem:v10+s30+$0x0] =	vst.idx.msk $0xffff, v12  }
0x114: {  	[tilespmem:v11+s30+$0x0] =	vst.idx.msk $0xffff, v9  }
0x115: {  	v10 =	vld [tilespmem:s11+$0x10]  }
0x116: {  	v11 =	vor.u32 s5, v6  }
.Ltmp5:
0x117: {  	v9 =	vor.u32 s5, v7;
	(pc) =	sbr.rel @p1 .LBB2_11-.Ltmp5, $3  }
0x118: {  	_ =	sdelay $0x1  }
0x119: {  	v12 =	vunpack.i.l.bf16.f32 v10  }
0x11a: {  	v10 =	vunpack.i.u.bf16.f32 v10;
	[tilespmem:v11+s30+$0x0] =	vst.idx.msk $0xffff, v12  }
0x11b: {  	_ =	sdelay $0x3  }
0x11c: {  	[tilespmem:v9+s30+$0x0] =	vst.idx.msk $0xffff, v10;
	s5 =	simm.s32 $0x0  }
0x11d: {  	[hbm4b:s16+s5] =	stream.linear.scatter [tilespmem:s30], [sflag:$0x7], $0x3E80, $0x38;
	[tilespmem:$0x18B00] =	vst v63  }
0x11e: {  	_ =	swait.ge [sflag:s24], $0x3E80  }
0x11f: {  	[sflag:s24] =	ssyncset.done $0x0  }
0x120: {  	[sflag:s24] =	ssyncadd.s32 $0xFFFFC180  }
0x121: {  	[tilespmem:s28], [sflag:$0x7] =	stream.linear.gather [spmem:s17], $0x1F40, $0x38;
	[tilespmem:$0x18B00] =	vst v63  }
0x122: {  	_ =	swait.ge [sflag:s24], $0x1F40  }
0x123: {  	[sflag:s24] =	ssyncset.done $0x0  }
0x124: {  	s11 =	simm.s32 $0x5020;
	[sflag:s24] =	ssyncadd.s32 $0xFFFFE0C0  }
0x125: {  	s5 =	simm.s32 $0x0;
	v9 =	vld [tilespmem:s11+$0xFFFFFFE0]  }
0x126: {  	v10 =	vor.u32 s5, v0  }
0x127: {  	v11 =	vor.u32 s5, v1;
	_ =	sdelay $0x2  }
0x128: {  	v12 =	vunpack.i.l.bf16.f32 v9  }
0x129: {  	v9 =	vunpack.i.u.bf16.f32 v9;
	[tilespmem:v10+s30+$0x0] =	vst.idx.msk $0xffff, v12  }
0x12a: {  	[tilespmem:v11+s30+$0x0] =	vst.idx.msk $0xffff, v9  }
0x12b: {  	v9 =	vld [tilespmem:s11+$0xFFFFFFF0]  }
0x12c: {  	v10 =	vor.u32 s5, v2  }
0x12d: {  	v11 =	vor.u32 s5, v3;
	_ =	sdelay $0x2  }
0x12e: {  	v61 =	vunpack.i.l.bf16.f32 v9  }
0x12f: {  	v9 =	vunpack.i.u.bf16.f32 v9;
	[tilespmem:v10+s30+$0x0] =	vst.idx.msk $0xffff, v61  }
0x130: {  	[tilespmem:v11+s30+$0x0] =	vst.idx.msk $0xffff, v9  }
0x131: {  	v9 =	vld [tilespmem:s11+$0x0]  }
0x132: {  	v10 =	vor.u32 s5, v4  }
0x133: {  	v11 =	vor.u32 s5, v5;
	_ =	sdelay $0x2  }
0x134: {  	v62 =	vunpack.i.l.bf16.f32 v9  }
0x135: {  	v9 =	vunpack.i.u.bf16.f32 v9;
	[tilespmem:v10+s30+$0x0] =	vst.idx.msk $0xffff, v62  }
0x136: {  	[tilespmem:v11+s30+$0x0] =	vst.idx.msk $0xffff, v9  }
0x137: {  	v10 =	vld [tilespmem:s11+$0x10]  }
0x138: {  	v11 =	vor.u32 s5, v6;
	_ =	sdelay $0x1  }
0x139: {  	v9 =	vor.u32 s5, v7;
	_ =	sdelay $0x1  }
0x13a: {  	v63 =	vunpack.i.l.bf16.f32 v10  }
0x13b: {  	s25 =	simm.s32 $0x1;
	v10 =	vunpack.i.u.bf16.f32 v10;
	[tilespmem:v11+s30+$0x0] =	vst.idx.msk $0xffff, v63  }
.LBB2_13:
0x13c: {  	p1 =	sne.s32 s25, $0x7C  }
0x13d: {  	[tilespmem:v9+s30+$0x0] =	vst.idx.msk $0xffff, v10;
	s11 =	sadd.s32 $0x40, s11;
	s5 =	smov.u32 s25;
	s25 =	sadd.s32 $0x1, s25  }
0x13e: {  	v9 =	vld [tilespmem:s11+$0xFFFFFFE0];
	s5 =	sshll.u32 s5, $0x7  }
0x13f: {  	v10 =	vor.u32 s5, v0  }
0x140: {  	v11 =	vor.u32 s5, v1;
	_ =	sdelay $0x2  }
0x141: {  	v12 =	vunpack.i.l.bf16.f32 v9  }
0x142: {  	v9 =	vunpack.i.u.bf16.f32 v9;
	[tilespmem:v10+s30+$0x0] =	vst.idx.msk $0xffff, v12  }
0x143: {  	[tilespmem:v11+s30+$0x0] =	vst.idx.msk $0xffff, v9  }
0x144: {  	v9 =	vld [tilespmem:s11+$0xFFFFFFF0]  }
0x145: {  	v10 =	vor.u32 s5, v2  }
0x146: {  	v11 =	vor.u32 s5, v3;
	_ =	sdelay $0x2  }
0x147: {  	v12 =	vunpack.i.l.bf16.f32 v9  }
0x148: {  	v9 =	vunpack.i.u.bf16.f32 v9;
	[tilespmem:v10+s30+$0x0] =	vst.idx.msk $0xffff, v12  }
0x149: {  	[tilespmem:v11+s30+$0x0] =	vst.idx.msk $0xffff, v9  }
0x14a: {  	v9 =	vld [tilespmem:s11+$0x0]  }
0x14b: {  	v10 =	vor.u32 s5, v4  }
0x14c: {  	v11 =	vor.u32 s5, v5;
	_ =	sdelay $0x2  }
0x14d: {  	v12 =	vunpack.i.l.bf16.f32 v9  }
0x14e: {  	v9 =	vunpack.i.u.bf16.f32 v9;
	[tilespmem:v10+s30+$0x0] =	vst.idx.msk $0xffff, v12  }
0x14f: {  	[tilespmem:v11+s30+$0x0] =	vst.idx.msk $0xffff, v9  }
0x150: {  	v10 =	vld [tilespmem:s11+$0x10]  }
0x151: {  	v11 =	vor.u32 s5, v6  }
.Ltmp6:
0x152: {  	v9 =	vor.u32 s5, v7;
	(pc) =	sbr.rel @p1 .LBB2_13-.Ltmp6, $3  }
0x153: {  	_ =	sdelay $0x1  }
0x154: {  	v12 =	vunpack.i.l.bf16.f32 v10  }
0x155: {  	v10 =	vunpack.i.u.bf16.f32 v10;
	[tilespmem:v11+s30+$0x0] =	vst.idx.msk $0xffff, v12  }
0x156: {  	_ =	sdelay $0x3  }
0x157: {  	[tilespmem:v9+s30+$0x0] =	vst.idx.msk $0xffff, v10;
	s5 =	simm.s32 $0x0  }
0x158: {  	[hbm4b:s18+s5] =	stream.linear.scatter [tilespmem:s30], [sflag:$0x7], $0x3E80, $0x38;
	[tilespmem:$0x18B00] =	vst v63  }
0x159: {  	_ =	swait.ge [sflag:s24], $0x3E80  }
0x15a: {  	[sflag:s24] =	ssyncset.done $0x0  }
0x15b: {  	[sflag:s24] =	ssyncadd.s32 $0xFFFFC180  }
0x15c: {  	[tilespmem:s28], [sflag:$0x7] =	stream.linear.gather [spmem:s19], $0x1F40, $0x38;
	[tilespmem:$0x18B00] =	vst v63  }
0x15d: {  	_ =	swait.ge [sflag:s24], $0x1F40  }
0x15e: {  	[sflag:s24] =	ssyncset.done $0x0  }
0x15f: {  	s11 =	simm.s32 $0x5020;
	[sflag:s24] =	ssyncadd.s32 $0xFFFFE0C0  }
0x160: {  	s5 =	simm.s32 $0x0;
	v9 =	vld [tilespmem:s11+$0xFFFFFFE0]  }
0x161: {  	v10 =	vor.u32 s5, v0  }
0x162: {  	v11 =	vor.u32 s5, v1;
	_ =	sdelay $0x2  }
0x163: {  	v12 =	vunpack.i.l.bf16.f32 v9  }
0x164: {  	v9 =	vunpack.i.u.bf16.f32 v9;
	[tilespmem:v10+s30+$0x0] =	vst.idx.msk $0xffff, v12  }
0x165: {  	[tilespmem:v11+s30+$0x0] =	vst.idx.msk $0xffff, v9  }
0x166: {  	v9 =	vld [tilespmem:s11+$0xFFFFFFF0]  }
0x167: {  	v10 =	vor.u32 s5, v2  }
0x168: {  	v11 =	vor.u32 s5, v3;
	_ =	sdelay $0x2  }
0x169: {  	v61 =	vunpack.i.l.bf16.f32 v9  }
0x16a: {  	v9 =	vunpack.i.u.bf16.f32 v9;
	[tilespmem:v10+s30+$0x0] =	vst.idx.msk $0xffff, v61  }
0x16b: {  	[tilespmem:v11+s30+$0x0] =	vst.idx.msk $0xffff, v9  }
0x16c: {  	v9 =	vld [tilespmem:s11+$0x0]  }
0x16d: {  	v10 =	vor.u32 s5, v4  }
0x16e: {  	v11 =	vor.u32 s5, v5;
	_ =	sdelay $0x2  }
0x16f: {  	v62 =	vunpack.i.l.bf16.f32 v9  }
0x170: {  	v9 =	vunpack.i.u.bf16.f32 v9;
	[tilespmem:v10+s30+$0x0] =	vst.idx.msk $0xffff, v62  }
0x171: {  	[tilespmem:v11+s30+$0x0] =	vst.idx.msk $0xffff, v9  }
0x172: {  	v10 =	vld [tilespmem:s11+$0x10]  }
0x173: {  	v11 =	vor.u32 s5, v6;
	_ =	sdelay $0x1  }
0x174: {  	v9 =	vor.u32 s5, v7;
	_ =	sdelay $0x1  }
0x175: {  	v63 =	vunpack.i.l.bf16.f32 v10  }
0x176: {  	s25 =	simm.s32 $0x1;
	v10 =	vunpack.i.u.bf16.f32 v10;
	[tilespmem:v11+s30+$0x0] =	vst.idx.msk $0xffff, v63  }
.LBB2_15:
0x177: {  	p1 =	sne.s32 s25, $0x7C  }
0x178: {  	[tilespmem:v9+s30+$0x0] =	vst.idx.msk $0xffff, v10;
	s11 =	sadd.s32 $0x40, s11;
	s5 =	smov.u32 s25;
	s25 =	sadd.s32 $0x1, s25  }
0x179: {  	v9 =	vld [tilespmem:s11+$0xFFFFFFE0];
	s5 =	sshll.u32 s5, $0x7  }
0x17a: {  	v10 =	vor.u32 s5, v0  }
0x17b: {  	v11 =	vor.u32 s5, v1;
	_ =	sdelay $0x2  }
0x17c: {  	v12 =	vunpack.i.l.bf16.f32 v9  }
0x17d: {  	v9 =	vunpack.i.u.bf16.f32 v9;
	[tilespmem:v10+s30+$0x0] =	vst.idx.msk $0xffff, v12  }
0x17e: {  	[tilespmem:v11+s30+$0x0] =	vst.idx.msk $0xffff, v9  }
0x17f: {  	v9 =	vld [tilespmem:s11+$0xFFFFFFF0]  }
0x180: {  	v10 =	vor.u32 s5, v2  }
0x181: {  	v11 =	vor.u32 s5, v3;
	_ =	sdelay $0x2  }
0x182: {  	v12 =	vunpack.i.l.bf16.f32 v9  }
0x183: {  	v9 =	vunpack.i.u.bf16.f32 v9;
	[tilespmem:v10+s30+$0x0] =	vst.idx.msk $0xffff, v12  }
0x184: {  	[tilespmem:v11+s30+$0x0] =	vst.idx.msk $0xffff, v9  }
0x185: {  	v9 =	vld [tilespmem:s11+$0x0]  }
0x186: {  	v10 =	vor.u32 s5, v4  }
0x187: {  	v11 =	vor.u32 s5, v5;
	_ =	sdelay $0x2  }
0x188: {  	v12 =	vunpack.i.l.bf16.f32 v9  }
0x189: {  	v9 =	vunpack.i.u.bf16.f32 v9;
	[tilespmem:v10+s30+$0x0] =	vst.idx.msk $0xffff, v12  }
0x18a: {  	[tilespmem:v11+s30+$0x0] =	vst.idx.msk $0xffff, v9  }
0x18b: {  	v10 =	vld [tilespmem:s11+$0x10]  }
0x18c: {  	v11 =	vor.u32 s5, v6  }
.Ltmp7:
0x18d: {  	v9 =	vor.u32 s5, v7;
	(pc) =	sbr.rel @p1 .LBB2_15-.Ltmp7, $3  }
0x18e: {  	_ =	sdelay $0x1  }
0x18f: {  	v12 =	vunpack.i.l.bf16.f32 v10  }
0x190: {  	v10 =	vunpack.i.u.bf16.f32 v10;
	[tilespmem:v11+s30+$0x0] =	vst.idx.msk $0xffff, v12  }
0x191: {  	_ =	sdelay $0x3  }
0x192: {  	[tilespmem:v9+s30+$0x0] =	vst.idx.msk $0xffff, v10;
	s5 =	simm.s32 $0x0  }
0x193: {  	[hbm4b:s20+s5] =	stream.linear.scatter [tilespmem:s30], [sflag:$0x7], $0x3E80, $0x38;
	[tilespmem:$0x18B00] =	vst v63  }
0x194: {  	_ =	swait.ge [sflag:s24], $0x3E80  }
0x195: {  	[sflag:s24] =	ssyncset.done $0x0  }
0x196: {  	[sflag:s24] =	ssyncadd.s32 $0xFFFFC180  }
0x197: {  	[tilespmem:s28], [sflag:$0x7] =	stream.linear.gather [spmem:s21], $0x1F40, $0x38;
	[tilespmem:$0x18B00] =	vst v63  }
0x198: {  	_ =	swait.ge [sflag:s24], $0x1F40  }
0x199: {  	[sflag:s24] =	ssyncset.done $0x0  }
0x19a: {  	s11 =	simm.s32 $0x5020;
	[sflag:s24] =	ssyncadd.s32 $0xFFFFE0C0  }
0x19b: {  	s5 =	simm.s32 $0x0;
	v9 =	vld [tilespmem:s11+$0xFFFFFFE0]  }
0x19c: {  	v10 =	vor.u32 s5, v0  }
0x19d: {  	v11 =	vor.u32 s5, v1;
	_ =	sdelay $0x2  }
0x19e: {  	v12 =	vunpack.i.l.bf16.f32 v9  }
0x19f: {  	v9 =	vunpack.i.u.bf16.f32 v9;
	[tilespmem:v10+s30+$0x0] =	vst.idx.msk $0xffff, v12  }
0x1a0: {  	[tilespmem:v11+s30+$0x0] =	vst.idx.msk $0xffff, v9  }
0x1a1: {  	v9 =	vld [tilespmem:s11+$0xFFFFFFF0]  }
0x1a2: {  	v10 =	vor.u32 s5, v2  }
0x1a3: {  	v11 =	vor.u32 s5, v3;
	_ =	sdelay $0x2  }
0x1a4: {  	v61 =	vunpack.i.l.bf16.f32 v9  }
0x1a5: {  	v9 =	vunpack.i.u.bf16.f32 v9;
	[tilespmem:v10+s30+$0x0] =	vst.idx.msk $0xffff, v61  }
0x1a6: {  	[tilespmem:v11+s30+$0x0] =	vst.idx.msk $0xffff, v9  }
0x1a7: {  	v9 =	vld [tilespmem:s11+$0x0]  }
0x1a8: {  	v10 =	vor.u32 s5, v4  }
0x1a9: {  	v11 =	vor.u32 s5, v5;
	_ =	sdelay $0x2  }
0x1aa: {  	v62 =	vunpack.i.l.bf16.f32 v9  }
0x1ab: {  	v9 =	vunpack.i.u.bf16.f32 v9;
	[tilespmem:v10+s30+$0x0] =	vst.idx.msk $0xffff, v62  }
0x1ac: {  	[tilespmem:v11+s30+$0x0] =	vst.idx.msk $0xffff, v9  }
0x1ad: {  	v10 =	vld [tilespmem:s11+$0x10]  }
0x1ae: {  	v11 =	vor.u32 s5, v6;
	_ =	sdelay $0x1  }
0x1af: {  	v9 =	vor.u32 s5, v7;
	_ =	sdelay $0x1  }
0x1b0: {  	v63 =	vunpack.i.l.bf16.f32 v10  }
0x1b1: {  	s25 =	simm.s32 $0x1;
	v10 =	vunpack.i.u.bf16.f32 v10;
	[tilespmem:v11+s30+$0x0] =	vst.idx.msk $0xffff, v63  }
.LBB2_17:
0x1b2: {  	p1 =	sne.s32 s25, $0x7C  }
0x1b3: {  	[tilespmem:v9+s30+$0x0] =	vst.idx.msk $0xffff, v10;
	s11 =	sadd.s32 $0x40, s11;
	s5 =	smov.u32 s25;
	s25 =	sadd.s32 $0x1, s25  }
0x1b4: {  	v9 =	vld [tilespmem:s11+$0xFFFFFFE0];
	s5 =	sshll.u32 s5, $0x7  }
0x1b5: {  	v10 =	vor.u32 s5, v0  }
0x1b6: {  	v11 =	vor.u32 s5, v1;
	_ =	sdelay $0x2  }
0x1b7: {  	v12 =	vunpack.i.l.bf16.f32 v9  }
0x1b8: {  	v9 =	vunpack.i.u.bf16.f32 v9;
	[tilespmem:v10+s30+$0x0] =	vst.idx.msk $0xffff, v12  }
0x1b9: {  	[tilespmem:v11+s30+$0x0] =	vst.idx.msk $0xffff, v9  }
0x1ba: {  	v9 =	vld [tilespmem:s11+$0xFFFFFFF0]  }
0x1bb: {  	v10 =	vor.u32 s5, v2  }
0x1bc: {  	v11 =	vor.u32 s5, v3;
	_ =	sdelay $0x2  }
0x1bd: {  	v12 =	vunpack.i.l.bf16.f32 v9  }
0x1be: {  	v9 =	vunpack.i.u.bf16.f32 v9;
	[tilespmem:v10+s30+$0x0] =	vst.idx.msk $0xffff, v12  }
0x1bf: {  	[tilespmem:v11+s30+$0x0] =	vst.idx.msk $0xffff, v9  }
0x1c0: {  	v9 =	vld [tilespmem:s11+$0x0]  }
0x1c1: {  	v10 =	vor.u32 s5, v4  }
0x1c2: {  	v11 =	vor.u32 s5, v5;
	_ =	sdelay $0x2  }
0x1c3: {  	v12 =	vunpack.i.l.bf16.f32 v9  }
0x1c4: {  	v9 =	vunpack.i.u.bf16.f32 v9;
	[tilespmem:v10+s30+$0x0] =	vst.idx.msk $0xffff, v12  }
0x1c5: {  	[tilespmem:v11+s30+$0x0] =	vst.idx.msk $0xffff, v9  }
0x1c6: {  	v10 =	vld [tilespmem:s11+$0x10]  }
0x1c7: {  	v11 =	vor.u32 s5, v6  }
.Ltmp8:
0x1c8: {  	v9 =	vor.u32 s5, v7;
	(pc) =	sbr.rel @p1 .LBB2_17-.Ltmp8, $3  }
0x1c9: {  	_ =	sdelay $0x1  }
0x1ca: {  	v12 =	vunpack.i.l.bf16.f32 v10  }
0x1cb: {  	v10 =	vunpack.i.u.bf16.f32 v10;
	[tilespmem:v11+s30+$0x0] =	vst.idx.msk $0xffff, v12  }
0x1cc: {  	_ =	sdelay $0x1  }
0x1cd: {  	s9 =	sadd.s32 $0x1, s9  }
0x1ce: {  	p1 =	sne.s32 s9, s23  }
.Ltmp9:
0x1cf: {  	[tilespmem:v9+s30+$0x0] =	vst.idx.msk $0xffff, v10;
	s5 =	simm.s32 $0x0;
	(pc) =	sbr.rel @p1 .LBB2_1-.Ltmp9, $4  }
0x1d0: {  	[hbm4b:s22+s5] =	stream.linear.scatter [tilespmem:s30], [sflag:$0x7], $0x3E80, $0x38;
	[tilespmem:$0x18B00] =	vst v63  }
0x1d1: {  	_ =	swait.ge [sflag:s24], $0x3E80  }
0x1d2: {  	[sflag:s24] =	ssyncset.done $0x0  }
0x1d3: {  	[sflag:s24] =	ssyncadd.s32 $0xFFFFC180  }
0x1d4: {  	_ =	sfence.sel $0x180000  }
0x1d5: {  	[bflag:$0x0] =	sbarrier.arrive $0xFFFF  }
0x1d6: {  	_ =	strace $0x9000004A  }
0x1d7: {  	s0 =	stileid.u32;
	[bflag:$0x2] =	sbarrier.arrive $0xFFFF  }
0x1d8: {  	p0 =	sne.s32 s0, $0x0;
	s0 =	rddreg [dreg:$0x3]  }
0x1d9: {  	s0 =	sadd.s32 @!p0 $0x100000, s0  }
0x1da: {  	[sflag:s0] =	ssyncadd.tile.s32 @!p0 $0x1;
	_ =	shalt  }
.Lfunc_end2:
_tile_overlayer_lowered:
.L_overlay_start_2:
0x1db: {  	(tag) =	ssettag $0x2  }
0x1dc: {  	s0 =	rddreg [dreg:$0x0];
	s2 =	stileid.u32  }
0x1dd: {  	s1 =	rddreg [dreg:$0x1];
	p0 =	sne.s32 s2, $0x0  }
0x1de: {  	s3 =	rddreg [dreg:$0x2];
	[bflag:$0x3] =	sbarrier.arrive $0xFFFF;
	s2 =	simm.s32 @!p0 $0x1C07  }
0x1df: {  	[timem:s3], [sflag:s2] =	dma.local @!p0 [hbm:s0], s1  }
0x1e0: {  	s0 =	simm.s32 @!p0 $0x7  }
0x1e1: {  	_ =	swait.ge @!p0 [sflag:s0], s1  }
0x1e2: {  	s1 =	ssub.s32 @!p0 $0x0, s1;
	[sflag:s0] =	ssyncset.done @!p0 $0x0  }
0x1e3: {  	[sflag:s0] =	ssyncadd.s32 @!p0 s1  }
0x1e4: {  	[bflag:$0x3] =	sbarrier.arrive $0xFFFF  }
0x1e5: {  	_ =	shalt  }

// kernel: kernel.7.cloned.1.call-start
scs
__scs_entry_jumppad:
0x0: {  	(pc) =	sbr.rel $0x88, $3  }
0x1: {  	(tag) =	ssettag $0x0;
	lr =	simm.s32 $0x1  }
0x2: {  	[smem:$0x3F9B] =	sst lr;
	_ =	strace $0xD0000000  }
0x3: {  	_ = 	snop  }
0x4: {  	_ = 	snop  }
0x5: {  	_ = 	snop  }
0x6: {  	_ = 	snop  }
0x7: {  	_ = 	snop  }
__scs_overlays_trampoline_lowered:
0x8: {  	[smem:$0x3FAA] =	sst s0  }
0x9: {  	[smem:$0x3FAB] =	sst s1  }
0xa: {  	[smem:$0x3FAC] =	sst s2  }
0xb: {  	[smem:$0x3FAD] =	sst s3  }
0xc: {  	[smem:$0x3FAE] =	sst s4  }
0xd: {  	[smem:$0x3FAF] =	sst s5  }
0xe: {  	[smem:$0x3FB0] =	sst s6  }
0xf: {  	[smem:$0x3FB1] =	sst s7  }
0x10: {  	[smem:$0x3FB2] =	sst s8  }
0x11: {  	[smem:$0x3FB3] =	sst s9;
	s0 =	simm.s32 @!p0 $0x0  }
0x12: {  	s1 =	sld [smem:$0x3F99];
	s0 =	simm.s32 @p0 $0x1  }
0x13: {  	[smem:$0x3FB4] =	sst s0;
	s0 =	simm.s32 @!p1 $0x0  }
0x14: {  	s2 =	sld [smem:$0x3F98];
	s0 =	simm.s32 @p1 $0x1  }
0x15: {  	[smem:$0x3FB5] =	sst s0;
	s0 =	simm.s32 @!p2 $0x0  }
0x16: {  	s3 =	sld [smem:$0x3FDB];
	s0 =	simm.s32 @p2 $0x1  }
0x17: {  	s4 =	simm.s32 $0x1BF5;
	[smem:$0x3FB7] =	sst s0  }
0x18: {  	s0 =	sld [smem:$0x3F9A];
	_ =	swait.ge [sflag:s4], $0x0  }
0x19: {  	s7 =	sld [smem:$0x3F9B]  }
0x1a: {  	s8 =	sadd.s32 $0xFFFFE003, lr  }
0x1b: {  	s9 =	sadd.s32 $0xFFFFFEF7, lr;
	s5 =	simm.s32 $0xFFFFFFFF;
	p2 =	slt.u32 s8, $0xFFFFF086  }
0x1c: {  	p1 =	slt.u32 s9, $0xF7A;
	s5 =	simm.s32 @!p2 $0x0  }
0x1d: {  	s5 =	simm.s32 @p1 $0x1;
	p0 =	seq.s32 s7, s2  }
0x1e: {  	s7 =	smul.u32 @!p0 $0xF7A, s2;
	p2 =	seq.s32 @!p0 s5, $0x0  }
0x1f: {  	s9 =	smul.u32 $0xF7A, s1;
	s8 =	simm.s32 @!p0 $0x1BF5;
	p2 =	por !p2, p0  }
0x20: {  	[sflag:s8] =	ssyncset.s32 @!p0 $0xFFFFF086;
	s6 =	sadd.s32 @!p0 s3, s7;
	s7 =	simm.s32 @!p0 $0x108  }
0x21: {  	s3 =	sadd.s32 s3, s9;
	s6 =	sadd.s32 @!p0 $0x88, s6;
	s7 =	simm.s32 @p2 $0x1082  }
0x22: {  	[simem:s7], [sflag:s8] =	dma.local @!p0 [hbm:s6], $0xF7A  }
0x23: {  	s9 =	sor.u32 $0xD0000000, s2;
	s6 =	simm.s32 $0x108;
	_ =	swait.ge @!p0 [sflag:s8], $0x0  }
0x24: {  	s3 =	sadd.s32 $0x88, s3;
	s6 =	simm.s32 @!p1 $0x1082;
	[sflag:s4] =	ssyncset.s32 $0xFFFFF086  }
0x25: {  	[simem:s6], [sflag:s4] =	dma.local [hbm:s3], $0xF7A  }
0x26: {  	[smem:$0x3F9B] =	sst s1;
	(tag) =	ssettag s2;
	_ =	strace s9  }
0x27: {  	s1 =	sld [smem:$0x3FAB]  }
0x28: {  	s2 =	sld [smem:$0x3FAC]  }
0x29: {  	s4 =	sld [smem:$0x3FAE]  }
0x2a: {  	p0 =	seq.s32 s5, $0x0;
	s5 =	sld [smem:$0x3FAF]  }
0x2b: {  	s6 =	sld [smem:$0x3FB0]  }
0x2c: {  	s7 =	sld [smem:$0x3FB1]  }
0x2d: {  	s3 =	simm.s32 $0x108;
	s8 =	sld [smem:$0x3FB2]  }
0x2e: {  	s3 =	simm.s32 @!p0 $0x1082;
	s9 =	sld [smem:$0x3FB3]  }
0x2f: {  	lr =	sadd.s32 s0, s3;
	s0 =	sld [smem:$0x3FAA]  }
0x30: {  	s3 =	sld [smem:$0x3FAD]  }
0x31: {  	[smem:$0x3FB6] =	sst s10  }
0x32: {  	s10 =	sld [smem:$0x3FB4];
	_ =	sdelay $0x3  }
0x33: {  	p0 =	seq.s32 s10, $0x1;
	s10 =	sld [smem:$0x3FB6];
	_ =	sdelay $0x3  }
0x34: {  	[smem:$0x3FB6] =	sst s10  }
0x35: {  	s10 =	sld [smem:$0x3FB5];
	_ =	sdelay $0x3  }
0x36: {  	p1 =	seq.s32 s10, $0x1;
	s10 =	sld [smem:$0x3FB6];
	_ =	sdelay $0x3  }
0x37: {  	[smem:$0x3FB6] =	sst s10  }
0x38: {  	s10 =	sld [smem:$0x3FB7]  }
0x39: {  	_ = 	snop;
	(pc) =	sbr.ind lr, $3  }
0x3a: {  	_ = 	snop  }
0x3b: {  	_ = 	snop  }
0x3c: {  	p2 =	seq.s32 s10, $0x1;
	s10 =	sld [smem:$0x3FB6]  }
0x3d: {  	_ =	shalt  }
0x3e: {  	_ =	shalt  }
0x3f: {  	_ =	shalt  }
0x40: {  	_ =	shalt  }
0x41: {  	_ =	shalt  }
0x42: {  	_ =	shalt  }
0x43: {  	_ =	shalt  }
0x44: {  	_ =	shalt  }
0x45: {  	_ =	shalt  }
0x46: {  	_ =	shalt  }
0x47: {  	_ =	shalt  }
0x48: {  	_ =	shalt  }
0x49: {  	_ =	shalt  }
0x4a: {  	_ =	shalt  }
0x4b: {  	_ =	shalt  }
0x4c: {  	_ =	shalt  }
0x4d: {  	_ =	shalt  }
0x4e: {  	_ =	shalt  }
0x4f: {  	_ =	shalt  }
0x50: {  	_ =	shalt  }
0x51: {  	_ =	shalt  }
0x52: {  	_ =	shalt  }
0x53: {  	_ =	shalt  }
0x54: {  	_ =	shalt  }
0x55: {  	_ =	shalt  }
0x56: {  	_ =	shalt  }
0x57: {  	_ =	shalt  }
0x58: {  	_ =	shalt  }
0x59: {  	_ =	shalt  }
0x5a: {  	_ =	shalt  }
0x5b: {  	_ =	shalt  }
0x5c: {  	_ =	shalt  }
0x5d: {  	_ =	shalt  }
0x5e: {  	_ =	shalt  }
0x5f: {  	_ =	shalt  }
0x60: {  	_ =	shalt  }
0x61: {  	_ =	shalt  }
0x62: {  	_ =	shalt  }
0x63: {  	_ =	shalt  }
0x64: {  	_ =	shalt  }
0x65: {  	_ =	shalt  }
0x66: {  	_ =	shalt  }
0x67: {  	_ =	shalt  }
0x68: {  	_ =	shalt  }
0x69: {  	_ =	shalt  }
0x6a: {  	_ =	shalt  }
0x6b: {  	_ =	shalt  }
0x6c: {  	_ =	shalt  }
0x6d: {  	_ =	shalt  }
0x6e: {  	_ =	shalt  }
0x6f: {  	_ =	shalt  }
0x70: {  	_ =	shalt  }
0x71: {  	_ =	shalt  }
0x72: {  	_ =	shalt  }
0x73: {  	_ =	shalt  }
0x74: {  	_ =	shalt  }
0x75: {  	_ =	shalt  }
0x76: {  	_ =	shalt  }
0x77: {  	_ =	shalt  }
0x78: {  	_ =	shalt  }
0x79: {  	_ =	shalt  }
0x7a: {  	_ =	shalt  }
0x7b: {  	_ =	shalt  }
0x7c: {  	_ =	shalt  }
0x7d: {  	_ =	shalt  }
0x7e: {  	_ =	shalt  }
0x7f: {  	_ =	shalt  }
0x80: {  	_ =	shalt  }
0x81: {  	_ =	shalt  }
0x82: {  	_ =	shalt  }
0x83: {  	_ =	shalt  }
0x84: {  	_ =	shalt  }
0x85: {  	_ =	shalt  }
0x86: {  	_ =	shalt  }
0x87: {  	_ =	shalt  }
.Lfunc_end0:
.L_simem_size_0:
called_computation_lowered:
.L_overlay_start_0:
0x88: {  	s2 =	sld [smem:$0x3FD9]  }
0x89: {  	s3 =	sld [smem:$0x3FFE];
	_ =	sdelay $0x1  }
0x8a: {  	s1 =	srdreg.scid  }
0x8b: {  	s0 =	sand.u32 $0x1, s1  }
0x8c: {  	s17 =	sshll.u32 s0, $0xA;
	s2 =	sadd.s32 s3, s2  }
0x8d: {  	s2 =	sadd.s32 s2, s17  }
0x8e: {  	[smem:$0x3FC2] =	sst s2  }
0x8f: {  	_ = 	snop  }
0x90: {  	s2 =	sld [smem:$0x3FD0];
	(tm) =	ssettm $0x1  }
0x91: {  	s18 =	sld [smem:$0x3FFB];
	_ =	sdelay $0x3  }
0x92: {  	_ =	strace s18  }
0x93: {  	s3 =	sld [smem:$0x3FFC];
	_ =	sdelay $0x3  }
0x94: {  	_ =	strace s3  }
0x95: {  	s3 =	sld [smem:$0x3FFD];
	_ =	sdelay $0x3  }
0x96: {  	_ =	strace s3  }
0x97: {  	_ =	strace $0x8FFFFFFF  }
0x98: {  	s19 =	sld [smem:$0x3FDB];
	_ =	sdelay $0x1  }
0x99: {  	s4 =	simm.s32 $_scs_section_size  }
0x9a: {  	s5 =	simm.s32 $_size__tile_overlayer_lowered;
	s6 =	simm.s32 $_tile_overlayer_lowered  }
0x9b: {  	s22 =	simm.s32 $0x1BFF;
	s21 =	sshll.u32 s6, $0x1;
	s3 =	sadd.s32 s4, s19  }
0x9c: {  	s7 =	simm.s32 $0x0;
	s20 =	sshll.u32 s5, $0x1;
	s5 =	sadd.s32 s21, s3  }
0x9d: {  	[timem:s7], [sflag:s22] =	dma.local [hbm:s5], s20  }
0x9e: {  	_ =	swait.ge [sflag:s22], s20  }
0x9f: {  	s4 =	ssub.s32 $0x0, s20;
	[sflag:s22] =	ssyncset.done $0x0  }
0xa0: {  	[sflag:s22] =	ssyncadd.s32 s4;
	_ =	sdelay $0x1  }
0xa1: {  	s23 =	simm.s32 $0x1B8B  }
0xa2: {  	_ =	swait.ge [sflag:s23], $0x1  }
0xa3: {  	[sflag:s23] =	ssyncset.done $0x0  }
0xa4: {  	s25 =	simm.s32 $0x1B8E;
	s24 =	sld [smem:$0x3FFE];
	[sflag:s23] =	ssyncadd.s32 $0xFFFFFFFF  }
0xa5: {  	s26 =	simm.s32 $execute0_lowered;
	[smem:$0x3FD2] =	sst s25  }
0xa6: {  	s5 =	sshll.u32 s26, $0x1;
	_ =	strace $0x80000046;
	[dreg:$0x1] =	wrdreg $0xFFFFFFFF  }
0xa7: {  	s28 =	simm.s32 $_size_execute0_lowered;
	s3 =	sadd.s32 s3, s5;
	[dreg:$0x0] =	wrdreg $0x0  }
0xa8: {  	s5 =	sshll.u32 s28, $0x1;
	[dreg:$0x2] =	wrdreg s3  }
0xa9: {  	[dreg:$0x3] =	wrdreg s5  }
0xaa: {  	[dreg:$0x4] =	wrdreg $0xC0  }
0xab: {  	_ =	task [dreg:s7], $0x5FFFF  }
0xac: {  	[dreg:$0x1] =	wrdreg $0xFFFFFFFF  }
0xad: {  	[dreg:$0x0] =	wrdreg $0x60  }
0xae: {  	[dreg:$0x2] =	wrdreg s2  }
0xaf: {  	[dreg:$0x3] =	wrdreg s24  }
0xb0: {  	[dreg:$0x4] =	wrdreg $0x4F100  }
0xb1: {  	[dreg:$0x5] =	wrdreg $0x9  }
0xb2: {  	_ =	task.clear_ibuf [dreg:s7], $0x6FFFF;
	_ =	strace $0x90000046  }
0xb3: {  	s29 =	simm.s32 $0x9;
	_ =	strace $0x80000048  }
0xb4: {  	_ =	swait.ge [sflag:s29], $0x1  }
0xb5: {  	[sflag:s29] =	ssyncadd.s32 $0xFFFFFFFF  }
0xb6: {  	_ =	strace $0x90000048  }
0xb7: {  	_ =	sfence  }
0xb8: {  	s30 =	sld [smem:$0x0];
	_ =	sdelay $0x2  }
0xb9: {  	s31 =	sshll.u32 s1, $0xD;
	s1 =	sshrl.u32 s1, $0x2  }
0xba: {  	s3 =	sand.u32 $0x4000, s31;
	s1 =	sadd.s32 s1, s30  }
0xbb: {  	s0 =	sor.u32 s3, s0;
	s1 =	sshll.u32 s1, $0x11  }
0xbc: {  	s0 =	sor.u32 s1, s0  }
0xbd: {  	s0 =	sadd.s32 $0x8F2B, s0  }
0xbe: {  	[sflag:s0] =	ssyncadd.remote.s32 $0x1  }
0xbf: {  	_ =	sfence.sel $0xFFFF  }
0xc0: {  	[dreg:$0x0] =	wrdreg $0xFFFFFFFF;
	(pc) =	sbr.abs _section_cstart, $3  }
0xc1: {  	[dreg:$0x1] =	wrdreg $0xFFFFFFFF  }
0xc2: {  	_ =	task.clear_ibuf [dreg:s7], $0x2FFFF;
	_ =	strace $0x9FFFFFFF  }
0xc3: {  	(tm) =	ssettm $0x7FFFFFFF  }
tec
execute0_lowered:
.L_overlay_start_1:
0x0: {  	(tag) =	ssettag $0x1  }
0x1: {  	s4 =	rddreg [dreg:$0x0]  }
0x2: {  	s5 =	rddreg [dreg:$0x1]  }
0x3: {  	s0 =	srdreg.scid;
	s2 =	rddreg [dreg:$0x2]  }
0x4: {  	s1 =	stileid.u32;
	s3 =	simm.s32 $0x0;
	s11 =	simm.s32 $0x1  }
0x5: {  	s6 =	sand.u32 $0x1, s0;
	s0 =	rddreg [dreg:$0x3];
	s7 =	smul.u32 $0x2710, s1  }
0x6: {  	[smem:$0x7FF] =	sst s3;
	s8 =	sshll.u32 s6, $0x4;
	s9 =	smul.u32 $0x27100, s6  }
0x7: {  	s12 =	sshll.u32 s1, $0x6;
	_ =	strace $0x80000047;
	s8 =	sor.u32 s1, s8  }
0x8: {  	s6 =	ssub.s32 $0x2, s6;
	s8 =	smul.u32 $0x2800, s8;
	s9 =	sadd.s32 s7, s9  }
0x9: {  	s12 =	sor.u32 $0x1C02, s12;
	s31 =	sshrl.u32 s6, $0x1;
	s9 =	sshrl.u32 s9, $0x3  }
0xa: {  	s10 =	ssub.s32 s6, s31;
	s8 =	sshrl.u32 s8, $0x3;
	s9 =	sadd.s32 s9, s5  }
0xb: {  	s8 =	sadd.s32 s4, s8;
	s4 =	sadd.s32 s7, s2;
	s6 =	sadd.s32 $0x1A00, s9  }
0xc: {  	s7 =	smax.u32 s10, $0x1;
	s9 =	simm.s32 $0x2;
	s10 =	simm.s32 $0x80  }
0xd: {  	v0 =	vimm.f32 $0.0e+00;
	v1 =	vimm.f32 $1.000000000e+00;
	s5 =	sadd.s32 $0xA000, s8;
	s8 =	simm.s32 $0x2800;
	s13 =	sshrl.u32 s4, $0x3  }
.LBB2_1:
0xe: {  	s14 =	simm.s32 $0x40;
	s15 =	simm.s32 $0x0  }
.LBB2_2:
0xf: {  	p0 =	sne.s32 s14, $0x9C00;
	[tilespmem:s15+$0x2800] =	vst v0;
	s15 =	smov.u32 s14;
	s14 =	sadd.s32 $0x40, s14  }
.Ltmp0:
0x10: {  	(pc) =	sbr.rel @p0 .LBB2_2-.Ltmp0, $2  }
0x11: {  	_ =	sdelay $0x2  }
0x12: {  	s15 =	sshra.s32 s15, $0x2  }
0x13: {  	[tilespmem:s15+$0x2800] =	vst v0  }
0x14: {  	[spmem:s4] =	stream.linear.scatter [tilespmem:s8], [sflag:$0x2], $0x2710, $0x38;
	[tilespmem:$0x7630] =	vst v63  }
0x15: {  	_ =	swait.ge [sflag:s9], $0x2710  }
0x16: {  	[sflag:s9] =	ssyncset.done $0x0  }
0x17: {  	s14 =	simm.s32 $0x40;
	s15 =	simm.s32 $0x0;
	[sflag:s9] =	ssyncadd.s32 $0xFFFFD8F0  }
.LBB2_4:
0x18: {  	p0 =	sne.s32 s14, $0x1FC0;
	[tilespmem:s15+$0x2800] =	vst v1;
	s15 =	smov.u32 s14;
	s14 =	sadd.s32 $0x40, s14  }
.Ltmp1:
0x19: {  	(pc) =	sbr.rel @p0 .LBB2_4-.Ltmp1, $2  }
0x1a: {  	_ =	sdelay $0x2  }
0x1b: {  	s15 =	sshra.s32 s15, $0x2  }
0x1c: {  	[tilespmem:s15+$0x2800] =	vst v1;
	s14 =	simm.s32 $0x0  }
0x1d: {  	[tilespmem:s14], [sflag:$0x2] =	stream.linear.gather [hbm4b:s5+s14], $0x2800, $0x38;
	[tilespmem:$0x7630] =	vst v63  }
0x1e: {  	_ =	swait.ge [sflag:s9], $0x2800  }
0x1f: {  	[sflag:s9] =	ssyncset.done $0x0  }
0x20: {  	[sflag:s9] =	ssyncadd.s32 $0xFFFFD800  }
0x21: {  	[bflag:$0x0] =	sbarrier.arrive $0xFFFF  }
.LBB2_6:
0x22: {  	p0 =	sne.s32 s14, $0x9E00  }
.Ltmp2:
0x23: {  	_ = 	snop;
	(pc) =	sbr.rel @p0 .LBB2_6-.Ltmp2, $3  }
0x24: {  	_ =	sdelay $0x1  }
0x25: {  	s15 =	sshra.s32 s14, $0x2;
	s14 =	sadd.s32 $0x200, s14  }
0x26: {  	[spmem:s2] =	stream.indirect.scatter.add.f32 [tilespmem:s8], [sflag:$0x1], $0x10, s15, s10, $0xb8;
	[tilespmem:$0x7630] =	vst v63  }
0x27: {  	_ =	swait.ge [sflag:s11], $0x800  }
0x28: {  	s14 =	simm.s32 $0x4F;
	[sflag:s11] =	ssyncset.done $0x0  }
.LBB2_8:
0x29: {  	p0 =	sne.s32 s14, $0x1;
	s14 =	sadd.s32 $0xFFFFFFFF, s14;
	[sflag:s11] =	ssyncadd.s32 $0xFFFFF800  }
.Ltmp3:
0x2a: {  	(pc) =	sbr.rel @p0 .LBB2_8-.Ltmp3, $3  }
0x2b: {  	_ =	sdelay $0x1  }
0x2c: {  	_ =	swait.ge [sflag:s11], $0x800  }
0x2d: {  	[sflag:s11] =	ssyncset.done $0x0  }
0x2e: {  	s3 =	sadd.s32 $0x1, s3  }
0x2f: {  	[sflag:s11] =	ssyncadd.s32 $0xFFFFF800;
	p0 =	sne.s32 s3, s7  }
.Ltmp4:
0x30: {  	[bflag:$0x0] =	sbarrier.arrive $0xFFFF;
	(pc) =	sbr.rel @p0 .LBB2_1-.Ltmp4, $4  }
0x31: {  	[hbm:s6], [sflag:s12] =	dma.local [spmem:s13], $0x4E2  }
0x32: {  	_ =	swait.ge [sflag:s9], $0x4E2  }
0x33: {  	[sflag:s9] =	ssyncset.done $0x0  }
0x34: {  	[sflag:s9] =	ssyncadd.s32 $0xFFFFFB1E  }
0x35: {  	_ =	sfence.sel $0x180000  }
0x36: {  	[bflag:$0x0] =	sbarrier.arrive $0xFFFF  }
0x37: {  	p0 =	sne.s32 s1, $0x0;
	_ =	strace $0x90000047  }
0x38: {  	s0 =	sadd.s32 @!p0 $0x100000, s0;
	[bflag:$0x2] =	sbarrier.arrive $0xFFFF  }
0x39: {  	[sflag:s0] =	ssyncadd.tile.s32 @!p0 $0x1;
	_ =	shalt  }
.Lfunc_end2:
_tile_overlayer_lowered:
.L_overlay_start_2:
0x3a: {  	(tag) =	ssettag $0x2  }
0x3b: {  	s0 =	rddreg [dreg:$0x0];
	s2 =	stileid.u32  }
0x3c: {  	s1 =	rddreg [dreg:$0x1];
	p0 =	sne.s32 s2, $0x0  }
0x3d: {  	s3 =	rddreg [dreg:$0x2];
	[bflag:$0x3] =	sbarrier.arrive $0xFFFF;
	s2 =	simm.s32 @!p0 $0x1C02  }
0x3e: {  	[timem:s3], [sflag:s2] =	dma.local @!p0 [hbm:s0], s1  }
0x3f: {  	s0 =	simm.s32 @!p0 $0x2  }
0x40: {  	_ =	swait.ge @!p0 [sflag:s0], s1  }
0x41: {  	s1 =	ssub.s32 @!p0 $0x0, s1;
	[sflag:s0] =	ssyncset.done @!p0 $0x0  }
0x42: {  	[sflag:s0] =	ssyncadd.s32 @!p0 s1  }
0x43: {  	[bflag:$0x3] =	sbarrier.arrive $0xFFFF  }
0x44: {  	_ =	shalt  }

</sc_bundles>
